<compile_context>
chip_gen: v7x
topology: tpu7x:2x2x1
jax: 0.10.2.dev20260603
libtpu: 0.0.44.dev20260713+nightly
codegen_flags: <defaults>
</compile_context>

<pallas_src>
import functools

import jax
import jax.numpy as jnp
from jax import lax
from jax.experimental import pallas as pl
from jax.experimental.pallas import tpu as pltpu
from jax.experimental.pallas import tpu_sc as plsc

N_ATOMS = 1_600_000
N_SYS = 100_000
NC = 2
NS = 16
NW = NC * NS
APW = N_ATOMS // NW
B = 10_000
NBLK = APW // B
L = 16

STRIPE = 6_240
TAIL_OFF = NS * STRIPE
TAIL = N_SYS - TAIL_OFF
RCHUNK = 3_120

_PARAMS = pltpu.CompilerParams(
    needs_layout_passes=False, use_tc_tiling_on_sc=False)


def _sc_partials(charge, px, py, pz, idx, zblock):
  mesh = plsc.VectorSubcoreMesh(core_axis_name="c", subcore_axis_name="s")

  buf = lambda dt=jnp.float32: pltpu.VMEM((B,), dt)

  @functools.partial(
      pl.kernel,
      out_type=jax.ShapeDtypeStruct((NC * 4 * N_SYS,), jnp.float32),
      mesh=mesh,
      compiler_params=_PARAMS,
      scratch_types=[
          pltpu.VMEM_SHARED((N_SYS,), jnp.float32),
          pltpu.VMEM_SHARED((N_SYS,), jnp.float32),
          pltpu.VMEM_SHARED((N_SYS,), jnp.float32),
          pltpu.VMEM_SHARED((N_SYS,), jnp.float32),
          buf(), buf(), buf(), buf(), buf(jnp.int32),
          buf(), buf(), buf(), buf(), buf(jnp.int32),
          pltpu.SemaphoreType.DMA,
          pltpu.SemaphoreType.DMA,
          pltpu.SemaphoreType.DMA,
          pltpu.SemaphoreType.DMA,
      ],
  )
  def k(q_hbm, px_hbm, py_hbm, pz_hbm, idx_hbm, z_hbm, out_hbm,
        acc0, acc1, acc2, acc3,
        q0, x0, y0, z0, i0, q1, x1, y1, z1, i1,
        sin0, sin1, ssc0, ssc1):
    cid = lax.axis_index("c")
    sid = lax.axis_index("s")
    wid = cid * NS + sid
    accs = (acc0, acc1, acc2, acc3)
    sets = ((q0, x0, y0, z0, i0), (q1, x1, y1, z1, i1))
    sem_in = (sin0, sin1)
    sem_sc = (ssc0, ssc1)

    pltpu.sync_copy(z_hbm, q0.at[pl.ds(0, STRIPE)])
    for acc in accs:
      pltpu.sync_copy(q0.at[pl.ds(0, STRIPE)],
                      acc.at[pl.ds(sid * STRIPE, STRIPE)])

    @pl.when(sid == 0)
    def _zero_tail():
      for acc in accs:
        pltpu.sync_copy(q0.at[pl.ds(0, TAIL)],
                        acc.at[pl.ds(TAIL_OFF, TAIL)])

    plsc.subcore_barrier()

    def fire_in(j):
      s = j % 2
      qb, xb, yb, zb, ib = sets[s]
      base = pl.multiple_of(wid * APW + j * B, 8)
      return [
          pltpu.async_copy(q_hbm.at[pl.ds(base, B)], qb, sem_in[s]),
          pltpu.async_copy(px_hbm.at[pl.ds(base, B)], xb, sem_in[s]),
          pltpu.async_copy(py_hbm.at[pl.ds(base, B)], yb, sem_in[s]),
          pltpu.async_copy(pz_hbm.at[pl.ds(base, B)], zb, sem_in[s]),
          pltpu.async_copy(idx_hbm.at[pl.ds(base, B)], ib, sem_in[s]),
      ]

    pending_in = [None, None]
    pending_sc = [None, None]
    pending_in[0] = fire_in(0)

    for j in range(NBLK):
      s = j % 2
      s2 = (j + 1) % 2
      qb, xb, yb, zb, ib = sets[s]

      for d in pending_in[s]:
        d.wait()
      pending_in[s] = None

      if pending_sc[s2] is not None:
        for d in pending_sc[s2]:
          d.wait()
        pending_sc[s2] = None
      if j + 1 < NBLK:
        pending_in[s2] = fire_in(j + 1)

      def step(i, carry):
        r0 = pl.multiple_of(i * L, L)
        q = qb[pl.ds(r0, L)]
        xb[pl.ds(r0, L)] = q * xb[pl.ds(r0, L)]
        yb[pl.ds(r0, L)] = q * yb[pl.ds(r0, L)]
        zb[pl.ds(r0, L)] = q * zb[pl.ds(r0, L)]
        return carry

      lax.fori_loop(0, B // L, step, 0)

      pending_sc[s] = [
          pltpu.async_copy(qb, acc0.at[ib], sem_sc[s], add=True),
          pltpu.async_copy(xb, acc1.at[ib], sem_sc[s], add=True),
          pltpu.async_copy(yb, acc2.at[ib], sem_sc[s], add=True),
          pltpu.async_copy(zb, acc3.at[ib], sem_sc[s], add=True),
      ]

    for s in range(2):
      if pending_sc[s] is not None:
        for d in pending_sc[s]:
          d.wait()

    plsc.subcore_barrier()

    bufs = (q0, x0, y0, z0)

    def writeout(row_off, n_rows):
      for c in range(4):
        pltpu.sync_copy(accs[c].at[pl.ds(row_off, n_rows)],
                        bufs[c].at[pl.ds(0, n_rows)])
        dst = pl.multiple_of(cid * 4 * N_SYS + c * N_SYS + row_off, 8)
        pltpu.sync_copy(bufs[c].at[pl.ds(0, n_rows)],
                        out_hbm.at[pl.ds(dst, n_rows)])

    writeout(sid * STRIPE, STRIPE)

    @pl.when(sid == 0)
    def _tail():
      writeout(TAIL_OFF, TAIL)

  return k(charge, px, py, pz, idx, zblock)


def _sc_merge(partials):
  mesh = plsc.VectorSubcoreMesh(core_axis_name="c", subcore_axis_name="s")

  @functools.partial(
      pl.kernel,
      out_type=jax.ShapeDtypeStruct((4 * N_SYS,), jnp.float32),
      mesh=mesh,
      compiler_params=_PARAMS,
      scratch_types=[
          pltpu.VMEM((RCHUNK,), jnp.float32),
          pltpu.VMEM((RCHUNK,), jnp.float32),
          pltpu.VMEM((RCHUNK,), jnp.float32),
      ],
  )
  def k(p_hbm, out_hbm, a_v, b_v, w_v):
    cid = lax.axis_index("c")
    sid = lax.axis_index("s")
    wid = cid * NS + sid

    def merge_rows(row_off, n_rows):
      for c in range(4):
        src_a = pl.multiple_of(c * N_SYS + row_off, 8)
        src_b = pl.multiple_of(4 * N_SYS + c * N_SYS + row_off, 8)
        pltpu.sync_copy(p_hbm.at[pl.ds(src_a, n_rows)],
                        a_v.at[pl.ds(0, n_rows)])
        pltpu.sync_copy(p_hbm.at[pl.ds(src_b, n_rows)],
                        b_v.at[pl.ds(0, n_rows)])

        def add_step(i, carry):
          r0 = pl.multiple_of(i * L, L)
          w_v[pl.ds(r0, L)] = a_v[pl.ds(r0, L)] + b_v[pl.ds(r0, L)]
          return carry

        lax.fori_loop(0, n_rows // L, add_step, 0)
        pltpu.sync_copy(w_v.at[pl.ds(0, n_rows)],
                        out_hbm.at[pl.ds(src_a, n_rows)])

    merge_rows(wid * RCHUNK, RCHUNK)

    @pl.when(wid == 0)
    def _tail():
      merge_rows(NW * RCHUNK, TAIL)

  return k(partials)


def kernel(per_atom_charge, positions, atomic_subsystem_indices,
           per_system_energy):
  idx = atomic_subsystem_indices.astype(jnp.int32)
  zblock = jnp.zeros((STRIPE,), jnp.float32)
  px = positions[:, 0]
  py = positions[:, 1]
  pz = positions[:, 2]
  partials = _sc_partials(per_atom_charge, px, py, pz, idx, zblock)
  flat = _sc_merge(partials)
  return flat.reshape(4, N_SYS).T

# --- scband reference (transcript-rebuilt; emitter-appended) ---
"""Pipeline reference for scband-calculate-properties-18760417149238 (READ-ONLY COPY).

The authoritative reference and input builder live on the scoring server;
editing this copy changes nothing except your own understanding.
"""

import jax, jax.numpy as jnp
import numpy as np

N_ATOMS = 1_600_000
N_SYSTEMS = 100_000


def setup_inputs(seed: int = 0) -> dict:
    key = jax.random.key(seed)
    k1, k2, k3 = jax.random.split(key, 3)
    per_atom_charge = jax.random.normal(k1, (N_ATOMS,), dtype=jnp.float32)
    positions = jax.random.normal(k2, (N_ATOMS, 3), dtype=jnp.float32)
    atomic_subsystem_indices = jnp.sort(
        jax.random.randint(k3, (N_ATOMS,), 0, N_SYSTEMS, dtype=jnp.int64)
        if jax.config.read('jax_enable_x64')
        else jax.random.randint(k3, (N_ATOMS,), 0, N_SYSTEMS).astype(jnp.int32)
    )
    per_system_energy = jnp.zeros((N_SYSTEMS,), dtype=jnp.float32)
    return {
        'per_atom_charge': per_atom_charge,
        'positions': positions,
        'atomic_subsystem_indices': atomic_subsystem_indices,
        'per_system_energy': per_system_energy,
    }


def reference(per_atom_charge, positions, atomic_subsystem_indices, per_system_energy):
    # Faithful translation of CalculateProperties._get_charges +
    # _predict_dipole_moment (the segment-reduce core of the module).
    num_systems = per_system_energy.shape[0]
    idx = atomic_subsystem_indices.astype(jnp.int32)

    # per_system_total_charge_predict:
    #   torch.zeros_like(per_system_energy).scatter_add_(0, idx, per_atom_charge).unsqueeze(-1)
    per_system_total_charge = (
        jnp.zeros_like(per_system_energy).at[idx].add(per_atom_charge)
    )[:, None]

    # dipole moment: per_atom_charge.unsqueeze(-1) * positions, scatter_add over systems
    per_atom_dipole_contrib = per_atom_charge[:, None] * positions
    dipole_predict = (
        jnp.zeros((num_systems, 3), dtype=positions.dtype)
        .at[idx]
        .add(per_atom_dipole_contrib)
    )

    # concatenate [total_charge (S,1), dipole (S,3)] -> (S,4) single output array
    return jnp.concatenate([per_system_total_charge, dipole_predict], axis=-1)

if __name__ == "__main__":
    import jax
    _d = setup_inputs()
    print(jax.jit(kernel)(*tuple(_d.values())))

</pallas_src>

<mosaic_0001>
#map = affine_map<(d0, d1) -> (0)>
module attributes {stable_mosaic.version = 14 : i64} {
  func.func @k(%arg0: i32, %arg1: i32, %arg2: memref<800000xf32, #tpu.memory_space<hbm>>, %arg3: memref<400000xf32, #tpu.memory_space<hbm>>, %arg4: memref<3120xf32, #tpu.memory_space<vmem>>, %arg5: memref<3120xf32, #tpu.memory_space<vmem>>, %arg6: memref<3120xf32, #tpu.memory_space<vmem>>) attributes {dimension_semantics = [#tpu.dimension_semantics<core_parallel>, #tpu.dimension_semantics<subcore_parallel>], iteration_bounds = array<i64: 2, 16>, scalar_prefetch = 0 : i64, scratch_operands = 3 : i64, tpu.core_type = #tpu.core_type<sc_vector_subcore>, window_params = [{transform_indices = #map}, {transform_indices = #map}]} {
    %mul3A = arith.constant 16 : i32
    %mul3A_0 = arith.muli %arg0, %mul3A : i32
    %add3A = arith.addi %mul3A_0, %arg1 : i32
    %mul3A_1 = arith.constant 3120 : i32
    %mul3A_2 = arith.muli %add3A, %mul3A_1 : i32
    %add3A_3 = arith.constant 0 : i32
    %add3A_4 = arith.addi %add3A_3, %mul3A_2 : i32
    %multiple_of3A = tpu.assume_multiple %add3A_4, 8 : i32
    %add3A_5 = arith.constant 400000 : i32
    %add3A_6 = arith.addi %add3A_5, %mul3A_2 : i32
    %multiple_of3A_7 = tpu.assume_multiple %add3A_6, 8 : i32
    "tpu.region"() ({
      %run_scoped3A = tpu.sem_alloc : memref<!tpu.dma_semaphore, #tpu.memory_space<semaphore_mem>>
      %dma_start3A = arith.constant 0 : i32
      %dma_start3A_51 = tpu.memref_slice %arg4[%dma_start3A] : memref<3120xf32, #tpu.memory_space<vmem>> -> memref<3120xf32, #tpu.memory_space<vmem>>
      %dma_start3A_52 = tpu.memref_slice %arg2[%multiple_of3A] : memref<800000xf32, #tpu.memory_space<hbm>> -> memref<3120xf32, #tpu.memory_space<hbm>>
      %dma_start3A_53 = arith.constant 0 : i32
      %dma_start3A_54 = tpu.memref_slice %arg4[%dma_start3A_53] : memref<3120xf32, #tpu.memory_space<vmem>> -> memref<3120xf32, #tpu.memory_space<vmem>>
      %dma_start3A_55 = tpu.memref_slice %arg2[%multiple_of3A] : memref<800000xf32, #tpu.memory_space<hbm>> -> memref<3120xf32, #tpu.memory_space<hbm>>
      tpu.enqueue_dma source(%dma_start3A_55 : memref<3120xf32, #tpu.memory_space<hbm>>) target(%dma_start3A_54 : memref<3120xf32, #tpu.memory_space<vmem>>) target_semaphore(%run_scoped3A : memref<!tpu.dma_semaphore, #tpu.memory_space<semaphore_mem>>)
      %dma_wait3A = arith.constant 0 : i32
      %dma_wait3A_56 = tpu.memref_slice %arg4[%dma_wait3A] : memref<3120xf32, #tpu.memory_space<vmem>> -> memref<3120xf32, #tpu.memory_space<vmem>>
      %dma_wait3A_57 = tpu.memref_slice %arg2[%multiple_of3A] : memref<800000xf32, #tpu.memory_space<hbm>> -> memref<3120xf32, #tpu.memory_space<hbm>>
      %dma_wait3A_58 = arith.constant 0 : i32
      %dma_wait3A_59 = tpu.memref_slice %arg4[%dma_wait3A_58] : memref<3120xf32, #tpu.memory_space<vmem>> -> memref<3120xf32, #tpu.memory_space<vmem>>
      %dma_wait3A_60 = tpu.memref_slice %arg2[%multiple_of3A] : memref<800000xf32, #tpu.memory_space<hbm>> -> memref<3120xf32, #tpu.memory_space<hbm>>
      tpu.wait_dma2 semaphore(%run_scoped3A : memref<!tpu.dma_semaphore, #tpu.memory_space<semaphore_mem>>) src(%dma_wait3A_60 : memref<3120xf32, #tpu.memory_space<hbm>>) dst(%dma_wait3A_59 : memref<3120xf32, #tpu.memory_space<vmem>>)
      tpu.yield
    }) : () -> ()
    "tpu.region"() ({
      %run_scoped3A = tpu.sem_alloc : memref<!tpu.dma_semaphore, #tpu.memory_space<semaphore_mem>>
      %dma_start3A = arith.constant 0 : i32
      %dma_start3A_51 = tpu.memref_slice %arg5[%dma_start3A] : memref<3120xf32, #tpu.memory_space<vmem>> -> memref<3120xf32, #tpu.memory_space<vmem>>
      %dma_start3A_52 = tpu.memref_slice %arg2[%multiple_of3A_7] : memref<800000xf32, #tpu.memory_space<hbm>> -> memref<3120xf32, #tpu.memory_space<hbm>>
      %dma_start3A_53 = arith.constant 0 : i32
      %dma_start3A_54 = tpu.memref_slice %arg5[%dma_start3A_53] : memref<3120xf32, #tpu.memory_space<vmem>> -> memref<3120xf32, #tpu.memory_space<vmem>>
      %dma_start3A_55 = tpu.memref_slice %arg2[%multiple_of3A_7] : memref<800000xf32, #tpu.memory_space<hbm>> -> memref<3120xf32, #tpu.memory_space<hbm>>
      tpu.enqueue_dma source(%dma_start3A_55 : memref<3120xf32, #tpu.memory_space<hbm>>) target(%dma_start3A_54 : memref<3120xf32, #tpu.memory_space<vmem>>) target_semaphore(%run_scoped3A : memref<!tpu.dma_semaphore, #tpu.memory_space<semaphore_mem>>)
      %dma_wait3A = arith.constant 0 : i32
      %dma_wait3A_56 = tpu.memref_slice %arg5[%dma_wait3A] : memref<3120xf32, #tpu.memory_space<vmem>> -> memref<3120xf32, #tpu.memory_space<vmem>>
      %dma_wait3A_57 = tpu.memref_slice %arg2[%multiple_of3A_7] : memref<800000xf32, #tpu.memory_space<hbm>> -> memref<3120xf32, #tpu.memory_space<hbm>>
      %dma_wait3A_58 = arith.constant 0 : i32
      %dma_wait3A_59 = tpu.memref_slice %arg5[%dma_wait3A_58] : memref<3120xf32, #tpu.memory_space<vmem>> -> memref<3120xf32, #tpu.memory_space<vmem>>
      %dma_wait3A_60 = tpu.memref_slice %arg2[%multiple_of3A_7] : memref<800000xf32, #tpu.memory_space<hbm>> -> memref<3120xf32, #tpu.memory_space<hbm>>
      tpu.wait_dma2 semaphore(%run_scoped3A : memref<!tpu.dma_semaphore, #tpu.memory_space<semaphore_mem>>) src(%dma_wait3A_60 : memref<3120xf32, #tpu.memory_space<hbm>>) dst(%dma_wait3A_59 : memref<3120xf32, #tpu.memory_space<vmem>>)
      tpu.yield
    }) : () -> ()
    %scan3A = arith.constant 0 : i32
    %scan3A_8 = arith.constant 0 : i32
    %scan3A_9 = arith.constant 195 : i32
    %scan3A_10 = arith.addi %scan3A_8, %scan3A_9 : i32
    %scan3A_11 = arith.constant 1 : i32
    scf.for %scan3A_51 = %scan3A_8 to %scan3A_10 step %scan3A_11  : i32 {
      %mul3A_52 = arith.constant 16 : i32
      %mul3A_53 = arith.muli %scan3A_51, %mul3A_52 : i32
      %multiple_of3A_54 = tpu.assume_multiple %mul3A_53, 16 : i32
      %get3A = arith.index_cast %multiple_of3A_54 : i32 to index
      %get3A_55 = tpu.vector_load %arg4[%get3A] {strides = array<i32>} : memref<3120xf32, #tpu.memory_space<vmem>>, vector<16xf32>,
      %get3A_56 = arith.index_cast %multiple_of3A_54 : i32 to index
      %get3A_57 = tpu.vector_load %arg5[%get3A_56] {strides = array<i32>} : memref<3120xf32, #tpu.memory_space<vmem>>, vector<16xf32>,
      %add3A_58 = arith.addf %get3A_55, %get3A_57 : vector<16xf32>
      %swap3A = arith.index_cast %multiple_of3A_54 : i32 to index
      %swap3A_59 = tpu.vector_load %arg6[%swap3A] {strides = array<i32>} : memref<3120xf32, #tpu.memory_space<vmem>>, vector<16xf32>,
      tpu.vector_store %arg6[%swap3A], %add3A_58 {strides = array<i32>} : memref<3120xf32, #tpu.memory_space<vmem>>, vector<16xf32>,
    }
    %scan3A_12 = arith.constant 195 : i32
    "tpu.region"() ({
      %run_scoped3A = tpu.sem_alloc : memref<!tpu.dma_semaphore, #tpu.memory_space<semaphore_mem>>
      %dma_start3A = arith.constant 0 : i32
      %dma_start3A_51 = tpu.memref_slice %arg6[%dma_start3A] : memref<3120xf32, #tpu.memory_space<vmem>> -> memref<3120xf32, #tpu.memory_space<vmem>>
      %dma_start3A_52 = tpu.memref_slice %arg3[%multiple_of3A] : memref<400000xf32, #tpu.memory_space<hbm>> -> memref<3120xf32, #tpu.memory_space<hbm>>
      %dma_start3A_53 = tpu.memref_slice %arg3[%multiple_of3A] : memref<400000xf32, #tpu.memory_space<hbm>> -> memref<3120xf32, #tpu.memory_space<hbm>>
      %dma_start3A_54 = arith.constant 0 : i32
      %dma_start3A_55 = tpu.memref_slice %arg6[%dma_start3A_54] : memref<3120xf32, #tpu.memory_space<vmem>> -> memref<3120xf32, #tpu.memory_space<vmem>>
      tpu.enqueue_dma source(%dma_start3A_55 : memref<3120xf32, #tpu.memory_space<vmem>>) target(%dma_start3A_53 : memref<3120xf32, #tpu.memory_space<hbm>>) target_semaphore(%run_scoped3A : memref<!tpu.dma_semaphore, #tpu.memory_space<semaphore_mem>>)
      %dma_wait3A = arith.constant 0 : i32
      %dma_wait3A_56 = tpu.memref_slice %arg6[%dma_wait3A] : memref<3120xf32, #tpu.memory_space<vmem>> -> memref<3120xf32, #tpu.memory_space<vmem>>
      %dma_wait3A_57 = tpu.memref_slice %arg3[%multiple_of3A] : memref<400000xf32, #tpu.memory_space<hbm>> -> memref<3120xf32, #tpu.memory_space<hbm>>
      %dma_wait3A_58 = tpu.memref_slice %arg3[%multiple_of3A] : memref<400000xf32, #tpu.memory_space<hbm>> -> memref<3120xf32, #tpu.memory_space<hbm>>
      %dma_wait3A_59 = arith.constant 0 : i32
      %dma_wait3A_60 = tpu.memref_slice %arg6[%dma_wait3A_59] : memref<3120xf32, #tpu.memory_space<vmem>> -> memref<3120xf32, #tpu.memory_space<vmem>>
      tpu.wait_dma2 semaphore(%run_scoped3A : memref<!tpu.dma_semaphore, #tpu.memory_space<semaphore_mem>>) src(%dma_wait3A_60 : memref<3120xf32, #tpu.memory_space<vmem>>) dst(%dma_wait3A_58 : memref<3120xf32, #tpu.memory_space<hbm>>)
      tpu.yield
    }) : () -> ()
    %add3A_13 = arith.constant 100000 : i32
    %add3A_14 = arith.addi %add3A_13, %mul3A_2 : i32
    %multiple_of3A_15 = tpu.assume_multiple %add3A_14, 8 : i32
    %add3A_16 = arith.constant 500000 : i32
    %add3A_17 = arith.addi %add3A_16, %mul3A_2 : i32
    %multiple_of3A_18 = tpu.assume_multiple %add3A_17, 8 : i32
    "tpu.region"() ({
      %run_scoped3A = tpu.sem_alloc : memref<!tpu.dma_semaphore, #tpu.memory_space<semaphore_mem>>
      %dma_start3A = arith.constant 0 : i32
      %dma_start3A_51 = tpu.memref_slice %arg4[%dma_start3A] : memref<3120xf32, #tpu.memory_space<vmem>> -> memref<3120xf32, #tpu.memory_space<vmem>>
      %dma_start3A_52 = tpu.memref_slice %arg2[%multiple_of3A_15] : memref<800000xf32, #tpu.memory_space<hbm>> -> memref<3120xf32, #tpu.memory_space<hbm>>
      %dma_start3A_53 = arith.constant 0 : i32
      %dma_start3A_54 = tpu.memref_slice %arg4[%dma_start3A_53] : memref<3120xf32, #tpu.memory_space<vmem>> -> memref<3120xf32, #tpu.memory_space<vmem>>
      %dma_start3A_55 = tpu.memref_slice %arg2[%multiple_of3A_15] : memref<800000xf32, #tpu.memory_space<hbm>> -> memref<3120xf32, #tpu.memory_space<hbm>>
      tpu.enqueue_dma source(%dma_start3A_55 : memref<3120xf32, #tpu.memory_space<hbm>>) target(%dma_start3A_54 : memref<3120xf32, #tpu.memory_space<vmem>>) target_semaphore(%run_scoped3A : memref<!tpu.dma_semaphore, #tpu.memory_space<semaphore_mem>>)
      %dma_wait3A = arith.constant 0 : i32
      %dma_wait3A_56 = tpu.memref_slice %arg4[%dma_wait3A] : memref<3120xf32, #tpu.memory_space<vmem>> -> memref<3120xf32, #tpu.memory_space<vmem>>
      %dma_wait3A_57 = tpu.memref_slice %arg2[%multiple_of3A_15] : memref<800000xf32, #tpu.memory_space<hbm>> -> memref<3120xf32, #tpu.memory_space<hbm>>
      %dma_wait3A_58 = arith.constant 0 : i32
      %dma_wait3A_59 = tpu.memref_slice %arg4[%dma_wait3A_58] : memref<3120xf32, #tpu.memory_space<vmem>> -> memref<3120xf32, #tpu.memory_space<vmem>>
      %dma_wait3A_60 = tpu.memref_slice %arg2[%multiple_of3A_15] : memref<800000xf32, #tpu.memory_space<hbm>> -> memref<3120xf32, #tpu.memory_space<hbm>>
      tpu.wait_dma2 semaphore(%run_scoped3A : memref<!tpu.dma_semaphore, #tpu.memory_space<semaphore_mem>>) src(%dma_wait3A_60 : memref<3120xf32, #tpu.memory_space<hbm>>) dst(%dma_wait3A_59 : memref<3120xf32, #tpu.memory_space<vmem>>)
      tpu.yield
    }) : () -> ()
    "tpu.region"() ({
      %run_scoped3A = tpu.sem_alloc : memref<!tpu.dma_semaphore, #tpu.memory_space<semaphore_mem>>
      %dma_start3A = arith.constant 0 : i32
      %dma_start3A_51 = tpu.memref_slice %arg5[%dma_start3A] : memref<3120xf32, #tpu.memory_space<vmem>> -> memref<3120xf32, #tpu.memory_space<vmem>>
      %dma_start3A_52 = tpu.memref_slice %arg2[%multiple_of3A_18] : memref<800000xf32, #tpu.memory_space<hbm>> -> memref<3120xf32, #tpu.memory_space<hbm>>
      %dma_start3A_53 = arith.constant 0 : i32
      %dma_start3A_54 = tpu.memref_slice %arg5[%dma_start3A_53] : memref<3120xf32, #tpu.memory_space<vmem>> -> memref<3120xf32, #tpu.memory_space<vmem>>
      %dma_start3A_55 = tpu.memref_slice %arg2[%multiple_of3A_18] : memref<800000xf32, #tpu.memory_space<hbm>> -> memref<3120xf32, #tpu.memory_space<hbm>>
      tpu.enqueue_dma source(%dma_start3A_55 : memref<3120xf32, #tpu.memory_space<hbm>>) target(%dma_start3A_54 : memref<3120xf32, #tpu.memory_space<vmem>>) target_semaphore(%run_scoped3A : memref<!tpu.dma_semaphore, #tpu.memory_space<semaphore_mem>>)
      %dma_wait3A = arith.constant 0 : i32
      %dma_wait3A_56 = tpu.memref_slice %arg5[%dma_wait3A] : memref<3120xf32, #tpu.memory_space<vmem>> -> memref<3120xf32, #tpu.memory_space<vmem>>
      %dma_wait3A_57 = tpu.memref_slice %arg2[%multiple_of3A_18] : memref<800000xf32, #tpu.memory_space<hbm>> -> memref<3120xf32, #tpu.memory_space<hbm>>
      %dma_wait3A_58 = arith.constant 0 : i32
      %dma_wait3A_59 = tpu.memref_slice %arg5[%dma_wait3A_58] : memref<3120xf32, #tpu.memory_space<vmem>> -> memref<3120xf32, #tpu.memory_space<vmem>>
      %dma_wait3A_60 = tpu.memref_slice %arg2[%multiple_of3A_18] : memref<800000xf32, #tpu.memory_space<hbm>> -> memref<3120xf32, #tpu.memory_space<hbm>>
      tpu.wait_dma2 semaphore(%run_scoped3A : memref<!tpu.dma_semaphore, #tpu.memory_space<semaphore_mem>>) src(%dma_wait3A_60 : memref<3120xf32, #tpu.memory_space<hbm>>) dst(%dma_wait3A_59 : memref<3120xf32, #tpu.memory_space<vmem>>)
      tpu.yield
    }) : () -> ()
    %scan3A_19 = arith.constant 0 : i32
    %scan3A_20 = arith.constant 0 : i32
    %scan3A_21 = arith.constant 195 : i32
    %scan3A_22 = arith.addi %scan3A_20, %scan3A_21 : i32
    %scan3A_23 = arith.constant 1 : i32
    scf.for %scan3A_51 = %scan3A_20 to %scan3A_22 step %scan3A_23  : i32 {
      %mul3A_52 = arith.constant 16 : i32
      %mul3A_53 = arith.muli %scan3A_51, %mul3A_52 : i32
      %multiple_of3A_54 = tpu.assume_multiple %mul3A_53, 16 : i32
      %get3A = arith.index_cast %multiple_of3A_54 : i32 to index
      %get3A_55 = tpu.vector_load %arg4[%get3A] {strides = array<i32>} : memref<3120xf32, #tpu.memory_space<vmem>>, vector<16xf32>,
      %get3A_56 = arith.index_cast %multiple_of3A_54 : i32 to index
      %get3A_57 = tpu.vector_load %arg5[%get3A_56] {strides = array<i32>} : memref<3120xf32, #tpu.memory_space<vmem>>, vector<16xf32>,
      %add3A_58 = arith.addf %get3A_55, %get3A_57 : vector<16xf32>
      %swap3A = arith.index_cast %multiple_of3A_54 : i32 to index
      %swap3A_59 = tpu.vector_load %arg6[%swap3A] {strides = array<i32>} : memref<3120xf32, #tpu.memory_space<vmem>>, vector<16xf32>,
      tpu.vector_store %arg6[%swap3A], %add3A_58 {strides = array<i32>} : memref<3120xf32, #tpu.memory_space<vmem>>, vector<16xf32>,
    }
    %scan3A_24 = arith.constant 195 : i32
    "tpu.region"() ({
      %run_scoped3A = tpu.sem_alloc : memref<!tpu.dma_semaphore, #tpu.memory_space<semaphore_mem>>
      %dma_start3A = arith.constant 0 : i32
      %dma_start3A_51 = tpu.memref_slice %arg6[%dma_start3A] : memref<3120xf32, #tpu.memory_space<vmem>> -> memref<3120xf32, #tpu.memory_space<vmem>>
      %dma_start3A_52 = tpu.memref_slice %arg3[%multiple_of3A_15] : memref<400000xf32, #tpu.memory_space<hbm>> -> memref<3120xf32, #tpu.memory_space<hbm>>
      %dma_start3A_53 = tpu.memref_slice %arg3[%multiple_of3A_15] : memref<400000xf32, #tpu.memory_space<hbm>> -> memref<3120xf32, #tpu.memory_space<hbm>>
      %dma_start3A_54 = arith.constant 0 : i32
      %dma_start3A_55 = tpu.memref_slice %arg6[%dma_start3A_54] : memref<3120xf32, #tpu.memory_space<vmem>> -> memref<3120xf32, #tpu.memory_space<vmem>>
      tpu.enqueue_dma source(%dma_start3A_55 : memref<3120xf32, #tpu.memory_space<vmem>>) target(%dma_start3A_53 : memref<3120xf32, #tpu.memory_space<hbm>>) target_semaphore(%run_scoped3A : memref<!tpu.dma_semaphore, #tpu.memory_space<semaphore_mem>>)
      %dma_wait3A = arith.constant 0 : i32
      %dma_wait3A_56 = tpu.memref_slice %arg6[%dma_wait3A] : memref<3120xf32, #tpu.memory_space<vmem>> -> memref<3120xf32, #tpu.memory_space<vmem>>
      %dma_wait3A_57 = tpu.memref_slice %arg3[%multiple_of3A_15] : memref<400000xf32, #tpu.memory_space<hbm>> -> memref<3120xf32, #tpu.memory_space<hbm>>
      %dma_wait3A_58 = tpu.memref_slice %arg3[%multiple_of3A_15] : memref<400000xf32, #tpu.memory_space<hbm>> -> memref<3120xf32, #tpu.memory_space<hbm>>
      %dma_wait3A_59 = arith.constant 0 : i32
      %dma_wait3A_60 = tpu.memref_slice %arg6[%dma_wait3A_59] : memref<3120xf32, #tpu.memory_space<vmem>> -> memref<3120xf32, #tpu.memory_space<vmem>>
      tpu.wait_dma2 semaphore(%run_scoped3A : memref<!tpu.dma_semaphore, #tpu.memory_space<semaphore_mem>>) src(%dma_wait3A_60 : memref<3120xf32, #tpu.memory_space<vmem>>) dst(%dma_wait3A_58 : memref<3120xf32, #tpu.memory_space<hbm>>)
      tpu.yield
    }) : () -> ()
    %add3A_25 = arith.constant 200000 : i32
    %add3A_26 = arith.addi %add3A_25, %mul3A_2 : i32
    %multiple_of3A_27 = tpu.assume_multiple %add3A_26, 8 : i32
    %add3A_28 = arith.constant 600000 : i32
    %add3A_29 = arith.addi %add3A_28, %mul3A_2 : i32
    %multiple_of3A_30 = tpu.assume_multiple %add3A_29, 8 : i32
    "tpu.region"() ({
      %run_scoped3A = tpu.sem_alloc : memref<!tpu.dma_semaphore, #tpu.memory_space<semaphore_mem>>
      %dma_start3A = arith.constant 0 : i32
      %dma_start3A_51 = tpu.memref_slice %arg4[%dma_start3A] : memref<3120xf32, #tpu.memory_space<vmem>> -> memref<3120xf32, #tpu.memory_space<vmem>>
      %dma_start3A_52 = tpu.memref_slice %arg2[%multiple_of3A_27] : memref<800000xf32, #tpu.memory_space<hbm>> -> memref<3120xf32, #tpu.memory_space<hbm>>
      %dma_start3A_53 = arith.constant 0 : i32
      %dma_start3A_54 = tpu.memref_slice %arg4[%dma_start3A_53] : memref<3120xf32, #tpu.memory_space<vmem>> -> memref<3120xf32, #tpu.memory_space<vmem>>
      %dma_start3A_55 = tpu.memref_slice %arg2[%multiple_of3A_27] : memref<800000xf32, #tpu.memory_space<hbm>> -> memref<3120xf32, #tpu.memory_space<hbm>>
      tpu.enqueue_dma source(%dma_start3A_55 : memref<3120xf32, #tpu.memory_space<hbm>>) target(%dma_start3A_54 : memref<3120xf32, #tpu.memory_space<vmem>>) target_semaphore(%run_scoped3A : memref<!tpu.dma_semaphore, #tpu.memory_space<semaphore_mem>>)
      %dma_wait3A = arith.constant 0 : i32
      %dma_wait3A_56 = tpu.memref_slice %arg4[%dma_wait3A] : memref<3120xf32, #tpu.memory_space<vmem>> -> memref<3120xf32, #tpu.memory_space<vmem>>
      %dma_wait3A_57 = tpu.memref_slice %arg2[%multiple_of3A_27] : memref<800000xf32, #tpu.memory_space<hbm>> -> memref<3120xf32, #tpu.memory_space<hbm>>
      %dma_wait3A_58 = arith.constant 0 : i32
      %dma_wait3A_59 = tpu.memref_slice %arg4[%dma_wait3A_58] : memref<3120xf32, #tpu.memory_space<vmem>> -> memref<3120xf32, #tpu.memory_space<vmem>>
      %dma_wait3A_60 = tpu.memref_slice %arg2[%multiple_of3A_27] : memref<800000xf32, #tpu.memory_space<hbm>> -> memref<3120xf32, #tpu.memory_space<hbm>>
      tpu.wait_dma2 semaphore(%run_scoped3A : memref<!tpu.dma_semaphore, #tpu.memory_space<semaphore_mem>>) src(%dma_wait3A_60 : memref<3120xf32, #tpu.memory_space<hbm>>) dst(%dma_wait3A_59 : memref<3120xf32, #tpu.memory_space<vmem>>)
      tpu.yield
    }) : () -> ()
    "tpu.region"() ({
      %run_scoped3A = tpu.sem_alloc : memref<!tpu.dma_semaphore, #tpu.memory_space<semaphore_mem>>
      %dma_start3A = arith.constant 0 : i32
      %dma_start3A_51 = tpu.memref_slice %arg5[%dma_start3A] : memref<3120xf32, #tpu.memory_space<vmem>> -> memref<3120xf32, #tpu.memory_space<vmem>>
      %dma_start3A_52 = tpu.memref_slice %arg2[%multiple_of3A_30] : memref<800000xf32, #tpu.memory_space<hbm>> -> memref<3120xf32, #tpu.memory_space<hbm>>
      %dma_start3A_53 = arith.constant 0 : i32
      %dma_start3A_54 = tpu.memref_slice %arg5[%dma_start3A_53] : memref<3120xf32, #tpu.memory_space<vmem>> -> memref<3120xf32, #tpu.memory_space<vmem>>
      %dma_start3A_55 = tpu.memref_slice %arg2[%multiple_of3A_30] : memref<800000xf32, #tpu.memory_space<hbm>> -> memref<3120xf32, #tpu.memory_space<hbm>>
      tpu.enqueue_dma source(%dma_start3A_55 : memref<3120xf32, #tpu.memory_space<hbm>>) target(%dma_start3A_54 : memref<3120xf32, #tpu.memory_space<vmem>>) target_semaphore(%run_scoped3A : memref<!tpu.dma_semaphore, #tpu.memory_space<semaphore_mem>>)
      %dma_wait3A = arith.constant 0 : i32
      %dma_wait3A_56 = tpu.memref_slice %arg5[%dma_wait3A] : memref<3120xf32, #tpu.memory_space<vmem>> -> memref<3120xf32, #tpu.memory_space<vmem>>
      %dma_wait3A_57 = tpu.memref_slice %arg2[%multiple_of3A_30] : memref<800000xf32, #tpu.memory_space<hbm>> -> memref<3120xf32, #tpu.memory_space<hbm>>
      %dma_wait3A_58 = arith.constant 0 : i32
      %dma_wait3A_59 = tpu.memref_slice %arg5[%dma_wait3A_58] : memref<3120xf32, #tpu.memory_space<vmem>> -> memref<3120xf32, #tpu.memory_space<vmem>>
      %dma_wait3A_60 = tpu.memref_slice %arg2[%multiple_of3A_30] : memref<800000xf32, #tpu.memory_space<hbm>> -> memref<3120xf32, #tpu.memory_space<hbm>>
      tpu.wait_dma2 semaphore(%run_scoped3A : memref<!tpu.dma_semaphore, #tpu.memory_space<semaphore_mem>>) src(%dma_wait3A_60 : memref<3120xf32, #tpu.memory_space<hbm>>) dst(%dma_wait3A_59 : memref<3120xf32, #tpu.memory_space<vmem>>)
      tpu.yield
    }) : () -> ()
    %scan3A_31 = arith.constant 0 : i32
    %scan3A_32 = arith.constant 0 : i32
    %scan3A_33 = arith.constant 195 : i32
    %scan3A_34 = arith.addi %scan3A_32, %scan3A_33 : i32
    %scan3A_35 = arith.constant 1 : i32
    scf.for %scan3A_51 = %scan3A_32 to %scan3A_34 step %scan3A_35  : i32 {
      %mul3A_52 = arith.constant 16 : i32
      %mul3A_53 = arith.muli %scan3A_51, %mul3A_52 : i32
      %multiple_of3A_54 = tpu.assume_multiple %mul3A_53, 16 : i32
      %get3A = arith.index_cast %multiple_of3A_54 : i32 to index
      %get3A_55 = tpu.vector_load %arg4[%get3A] {strides = array<i32>} : memref<3120xf32, #tpu.memory_space<vmem>>, vector<16xf32>,
      %get3A_56 = arith.index_cast %multiple_of3A_54 : i32 to index
      %get3A_57 = tpu.vector_load %arg5[%get3A_56] {strides = array<i32>} : memref<3120xf32, #tpu.memory_space<vmem>>, vector<16xf32>,
      %add3A_58 = arith.addf %get3A_55, %get3A_57 : vector<16xf32>
      %swap3A = arith.index_cast %multiple_of3A_54 : i32 to index
      %swap3A_59 = tpu.vector_load %arg6[%swap3A] {strides = array<i32>} : memref<3120xf32, #tpu.memory_space<vmem>>, vector<16xf32>,
      tpu.vector_store %arg6[%swap3A], %add3A_58 {strides = array<i32>} : memref<3120xf32, #tpu.memory_space<vmem>>, vector<16xf32>,
    }
    %scan3A_36 = arith.constant 195 : i32
    "tpu.region"() ({
      %run_scoped3A = tpu.sem_alloc : memref<!tpu.dma_semaphore, #tpu.memory_space<semaphore_mem>>
      %dma_start3A = arith.constant 0 : i32
      %dma_start3A_51 = tpu.memref_slice %arg6[%dma_start3A] : memref<3120xf32, #tpu.memory_space<vmem>> -> memref<3120xf32, #tpu.memory_space<vmem>>
      %dma_start3A_52 = tpu.memref_slice %arg3[%multiple_of3A_27] : memref<400000xf32, #tpu.memory_space<hbm>> -> memref<3120xf32, #tpu.memory_space<hbm>>
      %dma_start3A_53 = tpu.memref_slice %arg3[%multiple_of3A_27] : memref<400000xf32, #tpu.memory_space<hbm>> -> memref<3120xf32, #tpu.memory_space<hbm>>
      %dma_start3A_54 = arith.constant 0 : i32
      %dma_start3A_55 = tpu.memref_slice %arg6[%dma_start3A_54] : memref<3120xf32, #tpu.memory_space<vmem>> -> memref<3120xf32, #tpu.memory_space<vmem>>
      tpu.enqueue_dma source(%dma_start3A_55 : memref<3120xf32, #tpu.memory_space<vmem>>) target(%dma_start3A_53 : memref<3120xf32, #tpu.memory_space<hbm>>) target_semaphore(%run_scoped3A : memref<!tpu.dma_semaphore, #tpu.memory_space<semaphore_mem>>)
      %dma_wait3A = arith.constant 0 : i32
      %dma_wait3A_56 = tpu.memref_slice %arg6[%dma_wait3A] : memref<3120xf32, #tpu.memory_space<vmem>> -> memref<3120xf32, #tpu.memory_space<vmem>>
      %dma_wait3A_57 = tpu.memref_slice %arg3[%multiple_of3A_27] : memref<400000xf32, #tpu.memory_space<hbm>> -> memref<3120xf32, #tpu.memory_space<hbm>>
      %dma_wait3A_58 = tpu.memref_slice %arg3[%multiple_of3A_27] : memref<400000xf32, #tpu.memory_space<hbm>> -> memref<3120xf32, #tpu.memory_space<hbm>>
      %dma_wait3A_59 = arith.constant 0 : i32
      %dma_wait3A_60 = tpu.memref_slice %arg6[%dma_wait3A_59] : memref<3120xf32, #tpu.memory_space<vmem>> -> memref<3120xf32, #tpu.memory_space<vmem>>
      tpu.wait_dma2 semaphore(%run_scoped3A : memref<!tpu.dma_semaphore, #tpu.memory_space<semaphore_mem>>) src(%dma_wait3A_60 : memref<3120xf32, #tpu.memory_space<vmem>>) dst(%dma_wait3A_58 : memref<3120xf32, #tpu.memory_space<hbm>>)
      tpu.yield
    }) : () -> ()
    %add3A_37 = arith.constant 300000 : i32
    %add3A_38 = arith.addi %add3A_37, %mul3A_2 : i32
    %multiple_of3A_39 = tpu.assume_multiple %add3A_38, 8 : i32
    %add3A_40 = arith.constant 700000 : i32
    %add3A_41 = arith.addi %add3A_40, %mul3A_2 : i32
    %multiple_of3A_42 = tpu.assume_multiple %add3A_41, 8 : i32
    "tpu.region"() ({
      %run_scoped3A = tpu.sem_alloc : memref<!tpu.dma_semaphore, #tpu.memory_space<semaphore_mem>>
      %dma_start3A = arith.constant 0 : i32
      %dma_start3A_51 = tpu.memref_slice %arg4[%dma_start3A] : memref<3120xf32, #tpu.memory_space<vmem>> -> memref<3120xf32, #tpu.memory_space<vmem>>
      %dma_start3A_52 = tpu.memref_slice %arg2[%multiple_of3A_39] : memref<800000xf32, #tpu.memory_space<hbm>> -> memref<3120xf32, #tpu.memory_space<hbm>>
      %dma_start3A_53 = arith.constant 0 : i32
      %dma_start3A_54 = tpu.memref_slice %arg4[%dma_start3A_53] : memref<3120xf32, #tpu.memory_space<vmem>> -> memref<3120xf32, #tpu.memory_space<vmem>>
      %dma_start3A_55 = tpu.memref_slice %arg2[%multiple_of3A_39] : memref<800000xf32, #tpu.memory_space<hbm>> -> memref<3120xf32, #tpu.memory_space<hbm>>
      tpu.enqueue_dma source(%dma_start3A_55 : memref<3120xf32, #tpu.memory_space<hbm>>) target(%dma_start3A_54 : memref<3120xf32, #tpu.memory_space<vmem>>) target_semaphore(%run_scoped3A : memref<!tpu.dma_semaphore, #tpu.memory_space<semaphore_mem>>)
      %dma_wait3A = arith.constant 0 : i32
      %dma_wait3A_56 = tpu.memref_slice %arg4[%dma_wait3A] : memref<3120xf32, #tpu.memory_space<vmem>> -> memref<3120xf32, #tpu.memory_space<vmem>>
      %dma_wait3A_57 = tpu.memref_slice %arg2[%multiple_of3A_39] : memref<800000xf32, #tpu.memory_space<hbm>> -> memref<3120xf32, #tpu.memory_space<hbm>>
      %dma_wait3A_58 = arith.constant 0 : i32
      %dma_wait3A_59 = tpu.memref_slice %arg4[%dma_wait3A_58] : memref<3120xf32, #tpu.memory_space<vmem>> -> memref<3120xf32, #tpu.memory_space<vmem>>
      %dma_wait3A_60 = tpu.memref_slice %arg2[%multiple_of3A_39] : memref<800000xf32, #tpu.memory_space<hbm>> -> memref<3120xf32, #tpu.memory_space<hbm>>
      tpu.wait_dma2 semaphore(%run_scoped3A : memref<!tpu.dma_semaphore, #tpu.memory_space<semaphore_mem>>) src(%dma_wait3A_60 : memref<3120xf32, #tpu.memory_space<hbm>>) dst(%dma_wait3A_59 : memref<3120xf32, #tpu.memory_space<vmem>>)
      tpu.yield
    }) : () -> ()
    "tpu.region"() ({
      %run_scoped3A = tpu.sem_alloc : memref<!tpu.dma_semaphore, #tpu.memory_space<semaphore_mem>>
      %dma_start3A = arith.constant 0 : i32
      %dma_start3A_51 = tpu.memref_slice %arg5[%dma_start3A] : memref<3120xf32, #tpu.memory_space<vmem>> -> memref<3120xf32, #tpu.memory_space<vmem>>
      %dma_start3A_52 = tpu.memref_slice %arg2[%multiple_of3A_42] : memref<800000xf32, #tpu.memory_space<hbm>> -> memref<3120xf32, #tpu.memory_space<hbm>>
      %dma_start3A_53 = arith.constant 0 : i32
      %dma_start3A_54 = tpu.memref_slice %arg5[%dma_start3A_53] : memref<3120xf32, #tpu.memory_space<vmem>> -> memref<3120xf32, #tpu.memory_space<vmem>>
      %dma_start3A_55 = tpu.memref_slice %arg2[%multiple_of3A_42] : memref<800000xf32, #tpu.memory_space<hbm>> -> memref<3120xf32, #tpu.memory_space<hbm>>
      tpu.enqueue_dma source(%dma_start3A_55 : memref<3120xf32, #tpu.memory_space<hbm>>) target(%dma_start3A_54 : memref<3120xf32, #tpu.memory_space<vmem>>) target_semaphore(%run_scoped3A : memref<!tpu.dma_semaphore, #tpu.memory_space<semaphore_mem>>)
      %dma_wait3A = arith.constant 0 : i32
      %dma_wait3A_56 = tpu.memref_slice %arg5[%dma_wait3A] : memref<3120xf32, #tpu.memory_space<vmem>> -> memref<3120xf32, #tpu.memory_space<vmem>>
      %dma_wait3A_57 = tpu.memref_slice %arg2[%multiple_of3A_42] : memref<800000xf32, #tpu.memory_space<hbm>> -> memref<3120xf32, #tpu.memory_space<hbm>>
      %dma_wait3A_58 = arith.constant 0 : i32
      %dma_wait3A_59 = tpu.memref_slice %arg5[%dma_wait3A_58] : memref<3120xf32, #tpu.memory_space<vmem>> -> memref<3120xf32, #tpu.memory_space<vmem>>
      %dma_wait3A_60 = tpu.memref_slice %arg2[%multiple_of3A_42] : memref<800000xf32, #tpu.memory_space<hbm>> -> memref<3120xf32, #tpu.memory_space<hbm>>
      tpu.wait_dma2 semaphore(%run_scoped3A : memref<!tpu.dma_semaphore, #tpu.memory_space<semaphore_mem>>) src(%dma_wait3A_60 : memref<3120xf32, #tpu.memory_space<hbm>>) dst(%dma_wait3A_59 : memref<3120xf32, #tpu.memory_space<vmem>>)
      tpu.yield
    }) : () -> ()
    %scan3A_43 = arith.constant 0 : i32
    %scan3A_44 = arith.constant 0 : i32
    %scan3A_45 = arith.constant 195 : i32
    %scan3A_46 = arith.addi %scan3A_44, %scan3A_45 : i32
    %scan3A_47 = arith.constant 1 : i32
    scf.for %scan3A_51 = %scan3A_44 to %scan3A_46 step %scan3A_47  : i32 {
      %mul3A_52 = arith.constant 16 : i32
      %mul3A_53 = arith.muli %scan3A_51, %mul3A_52 : i32
      %multiple_of3A_54 = tpu.assume_multiple %mul3A_53, 16 : i32
      %get3A = arith.index_cast %multiple_of3A_54 : i32 to index
      %get3A_55 = tpu.vector_load %arg4[%get3A] {strides = array<i32>} : memref<3120xf32, #tpu.memory_space<vmem>>, vector<16xf32>,
      %get3A_56 = arith.index_cast %multiple_of3A_54 : i32 to index
      %get3A_57 = tpu.vector_load %arg5[%get3A_56] {strides = array<i32>} : memref<3120xf32, #tpu.memory_space<vmem>>, vector<16xf32>,
      %add3A_58 = arith.addf %get3A_55, %get3A_57 : vector<16xf32>
      %swap3A = arith.index_cast %multiple_of3A_54 : i32 to index
      %swap3A_59 = tpu.vector_load %arg6[%swap3A] {strides = array<i32>} : memref<3120xf32, #tpu.memory_space<vmem>>, vector<16xf32>,
      tpu.vector_store %arg6[%swap3A], %add3A_58 {strides = array<i32>} : memref<3120xf32, #tpu.memory_space<vmem>>, vector<16xf32>,
    }
    %scan3A_48 = arith.constant 195 : i32
    "tpu.region"() ({
      %run_scoped3A = tpu.sem_alloc : memref<!tpu.dma_semaphore, #tpu.memory_space<semaphore_mem>>
      %dma_start3A = arith.constant 0 : i32
      %dma_start3A_51 = tpu.memref_slice %arg6[%dma_start3A] : memref<3120xf32, #tpu.memory_space<vmem>> -> memref<3120xf32, #tpu.memory_space<vmem>>
      %dma_start3A_52 = tpu.memref_slice %arg3[%multiple_of3A_39] : memref<400000xf32, #tpu.memory_space<hbm>> -> memref<3120xf32, #tpu.memory_space<hbm>>
      %dma_start3A_53 = tpu.memref_slice %arg3[%multiple_of3A_39] : memref<400000xf32, #tpu.memory_space<hbm>> -> memref<3120xf32, #tpu.memory_space<hbm>>
      %dma_start3A_54 = arith.constant 0 : i32
      %dma_start3A_55 = tpu.memref_slice %arg6[%dma_start3A_54] : memref<3120xf32, #tpu.memory_space<vmem>> -> memref<3120xf32, #tpu.memory_space<vmem>>
      tpu.enqueue_dma source(%dma_start3A_55 : memref<3120xf32, #tpu.memory_space<vmem>>) target(%dma_start3A_53 : memref<3120xf32, #tpu.memory_space<hbm>>) target_semaphore(%run_scoped3A : memref<!tpu.dma_semaphore, #tpu.memory_space<semaphore_mem>>)
      %dma_wait3A = arith.constant 0 : i32
      %dma_wait3A_56 = tpu.memref_slice %arg6[%dma_wait3A] : memref<3120xf32, #tpu.memory_space<vmem>> -> memref<3120xf32, #tpu.memory_space<vmem>>
      %dma_wait3A_57 = tpu.memref_slice %arg3[%multiple_of3A_39] : memref<400000xf32, #tpu.memory_space<hbm>> -> memref<3120xf32, #tpu.memory_space<hbm>>
      %dma_wait3A_58 = tpu.memref_slice %arg3[%multiple_of3A_39] : memref<400000xf32, #tpu.memory_space<hbm>> -> memref<3120xf32, #tpu.memory_space<hbm>>
      %dma_wait3A_59 = arith.constant 0 : i32
      %dma_wait3A_60 = tpu.memref_slice %arg6[%dma_wait3A_59] : memref<3120xf32, #tpu.memory_space<vmem>> -> memref<3120xf32, #tpu.memory_space<vmem>>
      tpu.wait_dma2 semaphore(%run_scoped3A : memref<!tpu.dma_semaphore, #tpu.memory_space<semaphore_mem>>) src(%dma_wait3A_60 : memref<3120xf32, #tpu.memory_space<vmem>>) dst(%dma_wait3A_58 : memref<3120xf32, #tpu.memory_space<hbm>>)
      tpu.yield
    }) : () -> ()
    %eq3A = arith.constant 0 : i32
    %eq3A_49 = arith.cmpi eq, %add3A, %eq3A : i32
    %convert_element_type3A = arith.extui %eq3A_49 : i1 to i32
    %cond3A = arith.constant 0 : i32
    %cond3A_50 = arith.cmpi ne, %convert_element_type3A, %cond3A : i32
    scf.if %cond3A_50 {
      %multiple_of3A_51 = arith.constant 99840 : i32
      %multiple_of3A_52 = tpu.assume_multiple %multiple_of3A_51, 8 : i32
      %multiple_of3A_53 = arith.constant 499840 : i32
      %multiple_of3A_54 = tpu.assume_multiple %multiple_of3A_53, 8 : i32
      "tpu.region"() ({
        %run_scoped3A = tpu.sem_alloc : memref<!tpu.dma_semaphore, #tpu.memory_space<semaphore_mem>>
        %dma_start3A = arith.constant 0 : i32
        %dma_start3A_91 = tpu.memref_slice %arg4[%dma_start3A] : memref<3120xf32, #tpu.memory_space<vmem>> -> memref<160xf32, #tpu.memory_space<vmem>>
        %dma_start3A_92 = tpu.memref_slice %arg2[%multiple_of3A_52] : memref<800000xf32, #tpu.memory_space<hbm>> -> memref<160xf32, #tpu.memory_space<hbm>>
        %dma_start3A_93 = arith.constant 0 : i32
        %dma_start3A_94 = tpu.memref_slice %arg4[%dma_start3A_93] : memref<3120xf32, #tpu.memory_space<vmem>> -> memref<160xf32, #tpu.memory_space<vmem>>
        %dma_start3A_95 = tpu.memref_slice %arg2[%multiple_of3A_52] : memref<800000xf32, #tpu.memory_space<hbm>> -> memref<160xf32, #tpu.memory_space<hbm>>
        tpu.enqueue_dma source(%dma_start3A_95 : memref<160xf32, #tpu.memory_space<hbm>>) target(%dma_start3A_94 : memref<160xf32, #tpu.memory_space<vmem>>) target_semaphore(%run_scoped3A : memref<!tpu.dma_semaphore, #tpu.memory_space<semaphore_mem>>)
        %dma_wait3A = arith.constant 0 : i32
        %dma_wait3A_96 = tpu.memref_slice %arg4[%dma_wait3A] : memref<3120xf32, #tpu.memory_space<vmem>> -> memref<160xf32, #tpu.memory_space<vmem>>
        %dma_wait3A_97 = tpu.memref_slice %arg2[%multiple_of3A_52] : memref<800000xf32, #tpu.memory_space<hbm>> -> memref<160xf32, #tpu.memory_space<hbm>>
        %dma_wait3A_98 = arith.constant 0 : i32
        %dma_wait3A_99 = tpu.memref_slice %arg4[%dma_wait3A_98] : memref<3120xf32, #tpu.memory_space<vmem>> -> memref<160xf32, #tpu.memory_space<vmem>>
        %dma_wait3A_100 = tpu.memref_slice %arg2[%multiple_of3A_52] : memref<800000xf32, #tpu.memory_space<hbm>> -> memref<160xf32, #tpu.memory_space<hbm>>
        tpu.wait_dma2 semaphore(%run_scoped3A : memref<!tpu.dma_semaphore, #tpu.memory_space<semaphore_mem>>) src(%dma_wait3A_100 : memref<160xf32, #tpu.memory_space<hbm>>) dst(%dma_wait3A_99 : memref<160xf32, #tpu.memory_space<vmem>>)
        tpu.yield
      }) : () -> ()
      "tpu.region"() ({
        %run_scoped3A = tpu.sem_alloc : memref<!tpu.dma_semaphore, #tpu.memory_space<semaphore_mem>>
        %dma_start3A = arith.constant 0 : i32
        %dma_start3A_91 = tpu.memref_slice %arg5[%dma_start3A] : memref<3120xf32, #tpu.memory_space<vmem>> -> memref<160xf32, #tpu.memory_space<vmem>>
        %dma_start3A_92 = tpu.memref_slice %arg2[%multiple_of3A_54] : memref<800000xf32, #tpu.memory_space<hbm>> -> memref<160xf32, #tpu.memory_space<hbm>>
        %dma_start3A_93 = arith.constant 0 : i32
        %dma_start3A_94 = tpu.memref_slice %arg5[%dma_start3A_93] : memref<3120xf32, #tpu.memory_space<vmem>> -> memref<160xf32, #tpu.memory_space<vmem>>
        %dma_start3A_95 = tpu.memref_slice %arg2[%multiple_of3A_54] : memref<800000xf32, #tpu.memory_space<hbm>> -> memref<160xf32, #tpu.memory_space<hbm>>
        tpu.enqueue_dma source(%dma_start3A_95 : memref<160xf32, #tpu.memory_space<hbm>>) target(%dma_start3A_94 : memref<160xf32, #tpu.memory_space<vmem>>) target_semaphore(%run_scoped3A : memref<!tpu.dma_semaphore, #tpu.memory_space<semaphore_mem>>)
        %dma_wait3A = arith.constant 0 : i32
        %dma_wait3A_96 = tpu.memref_slice %arg5[%dma_wait3A] : memref<3120xf32, #tpu.memory_space<vmem>> -> memref<160xf32, #tpu.memory_space<vmem>>
        %dma_wait3A_97 = tpu.memref_slice %arg2[%multiple_of3A_54] : memref<800000xf32, #tpu.memory_space<hbm>> -> memref<160xf32, #tpu.memory_space<hbm>>
        %dma_wait3A_98 = arith.constant 0 : i32
        %dma_wait3A_99 = tpu.memref_slice %arg5[%dma_wait3A_98] : memref<3120xf32, #tpu.memory_space<vmem>> -> memref<160xf32, #tpu.memory_space<vmem>>
        %dma_wait3A_100 = tpu.memref_slice %arg2[%multiple_of3A_54] : memref<800000xf32, #tpu.memory_space<hbm>> -> memref<160xf32, #tpu.memory_space<hbm>>
        tpu.wait_dma2 semaphore(%run_scoped3A : memref<!tpu.dma_semaphore, #tpu.memory_space<semaphore_mem>>) src(%dma_wait3A_100 : memref<160xf32, #tpu.memory_space<hbm>>) dst(%dma_wait3A_99 : memref<160xf32, #tpu.memory_space<vmem>>)
        tpu.yield
      }) : () -> ()
      %scan3A_55 = arith.constant 0 : i32
      %scan3A_56 = arith.constant 0 : i32
      %scan3A_57 = arith.constant 10 : i32
      %scan3A_58 = arith.addi %scan3A_56, %scan3A_57 : i32
      %scan3A_59 = arith.constant 1 : i32
      scf.for %scan3A_91 = %scan3A_56 to %scan3A_58 step %scan3A_59  : i32 {
        %mul3A_92 = arith.constant 16 : i32
        %mul3A_93 = arith.muli %scan3A_91, %mul3A_92 : i32
        %multiple_of3A_94 = tpu.assume_multiple %mul3A_93, 16 : i32
        %get3A = arith.index_cast %multiple_of3A_94 : i32 to index
        %get3A_95 = tpu.vector_load %arg4[%get3A] {strides = array<i32>} : memref<3120xf32, #tpu.memory_space<vmem>>, vector<16xf32>,
        %get3A_96 = arith.index_cast %multiple_of3A_94 : i32 to index
        %get3A_97 = tpu.vector_load %arg5[%get3A_96] {strides = array<i32>} : memref<3120xf32, #tpu.memory_space<vmem>>, vector<16xf32>,
        %add3A_98 = arith.addf %get3A_95, %get3A_97 : vector<16xf32>
        %swap3A = arith.index_cast %multiple_of3A_94 : i32 to index
        %swap3A_99 = tpu.vector_load %arg6[%swap3A] {strides = array<i32>} : memref<3120xf32, #tpu.memory_space<vmem>>, vector<16xf32>,
        tpu.vector_store %arg6[%swap3A], %add3A_98 {strides = array<i32>} : memref<3120xf32, #tpu.memory_space<vmem>>, vector<16xf32>,
      }
      %scan3A_60 = arith.constant 10 : i32
      "tpu.region"() ({
        %run_scoped3A = tpu.sem_alloc : memref<!tpu.dma_semaphore, #tpu.memory_space<semaphore_mem>>
        %dma_start3A = arith.constant 0 : i32
        %dma_start3A_91 = tpu.memref_slice %arg6[%dma_start3A] : memref<3120xf32, #tpu.memory_space<vmem>> -> memref<160xf32, #tpu.memory_space<vmem>>
        %dma_start3A_92 = tpu.memref_slice %arg3[%multiple_of3A_52] : memref<400000xf32, #tpu.memory_space<hbm>> -> memref<160xf32, #tpu.memory_space<hbm>>
        %dma_start3A_93 = tpu.memref_slice %arg3[%multiple_of3A_52] : memref<400000xf32, #tpu.memory_space<hbm>> -> memref<160xf32, #tpu.memory_space<hbm>>
        %dma_start3A_94 = arith.constant 0 : i32
        %dma_start3A_95 = tpu.memref_slice %arg6[%dma_start3A_94] : memref<3120xf32, #tpu.memory_space<vmem>> -> memref<160xf32, #tpu.memory_space<vmem>>
        tpu.enqueue_dma source(%dma_start3A_95 : memref<160xf32, #tpu.memory_space<vmem>>) target(%dma_start3A_93 : memref<160xf32, #tpu.memory_space<hbm>>) target_semaphore(%run_scoped3A : memref<!tpu.dma_semaphore, #tpu.memory_space<semaphore_mem>>)
        %dma_wait3A = arith.constant 0 : i32
        %dma_wait3A_96 = tpu.memref_slice %arg6[%dma_wait3A] : memref<3120xf32, #tpu.memory_space<vmem>> -> memref<160xf32, #tpu.memory_space<vmem>>
        %dma_wait3A_97 = tpu.memref_slice %arg3[%multiple_of3A_52] : memref<400000xf32, #tpu.memory_space<hbm>> -> memref<160xf32, #tpu.memory_space<hbm>>
        %dma_wait3A_98 = tpu.memref_slice %arg3[%multiple_of3A_52] : memref<400000xf32, #tpu.memory_space<hbm>> -> memref<160xf32, #tpu.memory_space<hbm>>
        %dma_wait3A_99 = arith.constant 0 : i32
        %dma_wait3A_100 = tpu.memref_slice %arg6[%dma_wait3A_99] : memref<3120xf32, #tpu.memory_space<vmem>> -> memref<160xf32, #tpu.memory_space<vmem>>
        tpu.wait_dma2 semaphore(%run_scoped3A : memref<!tpu.dma_semaphore, #tpu.memory_space<semaphore_mem>>) src(%dma_wait3A_100 : memref<160xf32, #tpu.memory_space<vmem>>) dst(%dma_wait3A_98 : memref<160xf32, #tpu.memory_space<hbm>>)
        tpu.yield
      }) : () -> ()
      %multiple_of3A_61 = arith.constant 199840 : i32
      %multiple_of3A_62 = tpu.assume_multiple %multiple_of3A_61, 8 : i32
      %multiple_of3A_63 = arith.constant 599840 : i32
      %multiple_of3A_64 = tpu.assume_multiple %multiple_of3A_63, 8 : i32
      "tpu.region"() ({
        %run_scoped3A = tpu.sem_alloc : memref<!tpu.dma_semaphore, #tpu.memory_space<semaphore_mem>>
        %dma_start3A = arith.constant 0 : i32
        %dma_start3A_91 = tpu.memref_slice %arg4[%dma_start3A] : memref<3120xf32, #tpu.memory_space<vmem>> -> memref<160xf32, #tpu.memory_space<vmem>>
        %dma_start3A_92 = tpu.memref_slice %arg2[%multiple_of3A_62] : memref<800000xf32, #tpu.memory_space<hbm>> -> memref<160xf32, #tpu.memory_space<hbm>>
        %dma_start3A_93 = arith.constant 0 : i32
        %dma_start3A_94 = tpu.memref_slice %arg4[%dma_start3A_93] : memref<3120xf32, #tpu.memory_space<vmem>> -> memref<160xf32, #tpu.memory_space<vmem>>
        %dma_start3A_95 = tpu.memref_slice %arg2[%multiple_of3A_62] : memref<800000xf32, #tpu.memory_space<hbm>> -> memref<160xf32, #tpu.memory_space<hbm>>
        tpu.enqueue_dma source(%dma_start3A_95 : memref<160xf32, #tpu.memory_space<hbm>>) target(%dma_start3A_94 : memref<160xf32, #tpu.memory_space<vmem>>) target_semaphore(%run_scoped3A : memref<!tpu.dma_semaphore, #tpu.memory_space<semaphore_mem>>)
        %dma_wait3A = arith.constant 0 : i32
        %dma_wait3A_96 = tpu.memref_slice %arg4[%dma_wait3A] : memref<3120xf32, #tpu.memory_space<vmem>> -> memref<160xf32, #tpu.memory_space<vmem>>
        %dma_wait3A_97 = tpu.memref_slice %arg2[%multiple_of3A_62] : memref<800000xf32, #tpu.memory_space<hbm>> -> memref<160xf32, #tpu.memory_space<hbm>>
        %dma_wait3A_98 = arith.constant 0 : i32
        %dma_wait3A_99 = tpu.memref_slice %arg4[%dma_wait3A_98] : memref<3120xf32, #tpu.memory_space<vmem>> -> memref<160xf32, #tpu.memory_space<vmem>>
        %dma_wait3A_100 = tpu.memref_slice %arg2[%multiple_of3A_62] : memref<800000xf32, #tpu.memory_space<hbm>> -> memref<160xf32, #tpu.memory_space<hbm>>
        tpu.wait_dma2 semaphore(%run_scoped3A : memref<!tpu.dma_semaphore, #tpu.memory_space<semaphore_mem>>) src(%dma_wait3A_100 : memref<160xf32, #tpu.memory_space<hbm>>) dst(%dma_wait3A_99 : memref<160xf32, #tpu.memory_space<vmem>>)
        tpu.yield
      }) : () -> ()
      "tpu.region"() ({
        %run_scoped3A = tpu.sem_alloc : memref<!tpu.dma_semaphore, #tpu.memory_space<semaphore_mem>>
        %dma_start3A = arith.constant 0 : i32
        %dma_start3A_91 = tpu.memref_slice %arg5[%dma_start3A] : memref<3120xf32, #tpu.memory_space<vmem>> -> memref<160xf32, #tpu.memory_space<vmem>>
        %dma_start3A_92 = tpu.memref_slice %arg2[%multiple_of3A_64] : memref<800000xf32, #tpu.memory_space<hbm>> -> memref<160xf32, #tpu.memory_space<hbm>>
        %dma_start3A_93 = arith.constant 0 : i32
        %dma_start3A_94 = tpu.memref_slice %arg5[%dma_start3A_93] : memref<3120xf32, #tpu.memory_space<vmem>> -> memref<160xf32, #tpu.memory_space<vmem>>
        %dma_start3A_95 = tpu.memref_slice %arg2[%multiple_of3A_64] : memref<800000xf32, #tpu.memory_space<hbm>> -> memref<160xf32, #tpu.memory_space<hbm>>
        tpu.enqueue_dma source(%dma_start3A_95 : memref<160xf32, #tpu.memory_space<hbm>>) target(%dma_start3A_94 : memref<160xf32, #tpu.memory_space<vmem>>) target_semaphore(%run_scoped3A : memref<!tpu.dma_semaphore, #tpu.memory_space<semaphore_mem>>)
        %dma_wait3A = arith.constant 0 : i32
        %dma_wait3A_96 = tpu.memref_slice %arg5[%dma_wait3A] : memref<3120xf32, #tpu.memory_space<vmem>> -> memref<160xf32, #tpu.memory_space<vmem>>
        %dma_wait3A_97 = tpu.memref_slice %arg2[%multiple_of3A_64] : memref<800000xf32, #tpu.memory_space<hbm>> -> memref<160xf32, #tpu.memory_space<hbm>>
        %dma_wait3A_98 = arith.constant 0 : i32
        %dma_wait3A_99 = tpu.memref_slice %arg5[%dma_wait3A_98] : memref<3120xf32, #tpu.memory_space<vmem>> -> memref<160xf32, #tpu.memory_space<vmem>>
        %dma_wait3A_100 = tpu.memref_slice %arg2[%multiple_of3A_64] : memref<800000xf32, #tpu.memory_space<hbm>> -> memref<160xf32, #tpu.memory_space<hbm>>
        tpu.wait_dma2 semaphore(%run_scoped3A : memref<!tpu.dma_semaphore, #tpu.memory_space<semaphore_mem>>) src(%dma_wait3A_100 : memref<160xf32, #tpu.memory_space<hbm>>) dst(%dma_wait3A_99 : memref<160xf32, #tpu.memory_space<vmem>>)
        tpu.yield
      }) : () -> ()
      %scan3A_65 = arith.constant 0 : i32
      %scan3A_66 = arith.constant 0 : i32
      %scan3A_67 = arith.constant 10 : i32
      %scan3A_68 = arith.addi %scan3A_66, %scan3A_67 : i32
      %scan3A_69 = arith.constant 1 : i32
      scf.for %scan3A_91 = %scan3A_66 to %scan3A_68 step %scan3A_69  : i32 {
        %mul3A_92 = arith.constant 16 : i32
        %mul3A_93 = arith.muli %scan3A_91, %mul3A_92 : i32
        %multiple_of3A_94 = tpu.assume_multiple %mul3A_93, 16 : i32
        %get3A = arith.index_cast %multiple_of3A_94 : i32 to index
        %get3A_95 = tpu.vector_load %arg4[%get3A] {strides = array<i32>} : memref<3120xf32, #tpu.memory_space<vmem>>, vector<16xf32>,
        %get3A_96 = arith.index_cast %multiple_of3A_94 : i32 to index
        %get3A_97 = tpu.vector_load %arg5[%get3A_96] {strides = array<i32>} : memref<3120xf32, #tpu.memory_space<vmem>>, vector<16xf32>,
        %add3A_98 = arith.addf %get3A_95, %get3A_97 : vector<16xf32>
        %swap3A = arith.index_cast %multiple_of3A_94 : i32 to index
        %swap3A_99 = tpu.vector_load %arg6[%swap3A] {strides = array<i32>} : memref<3120xf32, #tpu.memory_space<vmem>>, vector<16xf32>,
        tpu.vector_store %arg6[%swap3A], %add3A_98 {strides = array<i32>} : memref<3120xf32, #tpu.memory_space<vmem>>, vector<16xf32>,
      }
      %scan3A_70 = arith.constant 10 : i32
      "tpu.region"() ({
        %run_scoped3A = tpu.sem_alloc : memref<!tpu.dma_semaphore, #tpu.memory_space<semaphore_mem>>
        %dma_start3A = arith.constant 0 : i32
        %dma_start3A_91 = tpu.memref_slice %arg6[%dma_start3A] : memref<3120xf32, #tpu.memory_space<vmem>> -> memref<160xf32, #tpu.memory_space<vmem>>
        %dma_start3A_92 = tpu.memref_slice %arg3[%multiple_of3A_62] : memref<400000xf32, #tpu.memory_space<hbm>> -> memref<160xf32, #tpu.memory_space<hbm>>
        %dma_start3A_93 = tpu.memref_slice %arg3[%multiple_of3A_62] : memref<400000xf32, #tpu.memory_space<hbm>> -> memref<160xf32, #tpu.memory_space<hbm>>
        %dma_start3A_94 = arith.constant 0 : i32
        %dma_start3A_95 = tpu.memref_slice %arg6[%dma_start3A_94] : memref<3120xf32, #tpu.memory_space<vmem>> -> memref<160xf32, #tpu.memory_space<vmem>>
        tpu.enqueue_dma source(%dma_start3A_95 : memref<160xf32, #tpu.memory_space<vmem>>) target(%dma_start3A_93 : memref<160xf32, #tpu.memory_space<hbm>>) target_semaphore(%run_scoped3A : memref<!tpu.dma_semaphore, #tpu.memory_space<semaphore_mem>>)
        %dma_wait3A = arith.constant 0 : i32
        %dma_wait3A_96 = tpu.memref_slice %arg6[%dma_wait3A] : memref<3120xf32, #tpu.memory_space<vmem>> -> memref<160xf32, #tpu.memory_space<vmem>>
        %dma_wait3A_97 = tpu.memref_slice %arg3[%multiple_of3A_62] : memref<400000xf32, #tpu.memory_space<hbm>> -> memref<160xf32, #tpu.memory_space<hbm>>
        %dma_wait3A_98 = tpu.memref_slice %arg3[%multiple_of3A_62] : memref<400000xf32, #tpu.memory_space<hbm>> -> memref<160xf32, #tpu.memory_space<hbm>>
        %dma_wait3A_99 = arith.constant 0 : i32
        %dma_wait3A_100 = tpu.memref_slice %arg6[%dma_wait3A_99] : memref<3120xf32, #tpu.memory_space<vmem>> -> memref<160xf32, #tpu.memory_space<vmem>>
        tpu.wait_dma2 semaphore(%run_scoped3A : memref<!tpu.dma_semaphore, #tpu.memory_space<semaphore_mem>>) src(%dma_wait3A_100 : memref<160xf32, #tpu.memory_space<vmem>>) dst(%dma_wait3A_98 : memref<160xf32, #tpu.memory_space<hbm>>)
        tpu.yield
      }) : () -> ()
      %multiple_of3A_71 = arith.constant 299840 : i32
      %multiple_of3A_72 = tpu.assume_multiple %multiple_of3A_71, 8 : i32
      %multiple_of3A_73 = arith.constant 699840 : i32
      %multiple_of3A_74 = tpu.assume_multiple %multiple_of3A_73, 8 : i32
      "tpu.region"() ({
        %run_scoped3A = tpu.sem_alloc : memref<!tpu.dma_semaphore, #tpu.memory_space<semaphore_mem>>
        %dma_start3A = arith.constant 0 : i32
        %dma_start3A_91 = tpu.memref_slice %arg4[%dma_start3A] : memref<3120xf32, #tpu.memory_space<vmem>> -> memref<160xf32, #tpu.memory_space<vmem>>
        %dma_start3A_92 = tpu.memref_slice %arg2[%multiple_of3A_72] : memref<800000xf32, #tpu.memory_space<hbm>> -> memref<160xf32, #tpu.memory_space<hbm>>
        %dma_start3A_93 = arith.constant 0 : i32
        %dma_start3A_94 = tpu.memref_slice %arg4[%dma_start3A_93] : memref<3120xf32, #tpu.memory_space<vmem>> -> memref<160xf32, #tpu.memory_space<vmem>>
        %dma_start3A_95 = tpu.memref_slice %arg2[%multiple_of3A_72] : memref<800000xf32, #tpu.memory_space<hbm>> -> memref<160xf32, #tpu.memory_space<hbm>>
        tpu.enqueue_dma source(%dma_start3A_95 : memref<160xf32, #tpu.memory_space<hbm>>) target(%dma_start3A_94 : memref<160xf32, #tpu.memory_space<vmem>>) target_semaphore(%run_scoped3A : memref<!tpu.dma_semaphore, #tpu.memory_space<semaphore_mem>>)
        %dma_wait3A = arith.constant 0 : i32
        %dma_wait3A_96 = tpu.memref_slice %arg4[%dma_wait3A] : memref<3120xf32, #tpu.memory_space<vmem>> -> memref<160xf32, #tpu.memory_space<vmem>>
        %dma_wait3A_97 = tpu.memref_slice %arg2[%multiple_of3A_72] : memref<800000xf32, #tpu.memory_space<hbm>> -> memref<160xf32, #tpu.memory_space<hbm>>
        %dma_wait3A_98 = arith.constant 0 : i32
        %dma_wait3A_99 = tpu.memref_slice %arg4[%dma_wait3A_98] : memref<3120xf32, #tpu.memory_space<vmem>> -> memref<160xf32, #tpu.memory_space<vmem>>
        %dma_wait3A_100 = tpu.memref_slice %arg2[%multiple_of3A_72] : memref<800000xf32, #tpu.memory_space<hbm>> -> memref<160xf32, #tpu.memory_space<hbm>>
        tpu.wait_dma2 semaphore(%run_scoped3A : memref<!tpu.dma_semaphore, #tpu.memory_space<semaphore_mem>>) src(%dma_wait3A_100 : memref<160xf32, #tpu.memory_space<hbm>>) dst(%dma_wait3A_99 : memref<160xf32, #tpu.memory_space<vmem>>)
        tpu.yield
      }) : () -> ()
      "tpu.region"() ({
        %run_scoped3A = tpu.sem_alloc : memref<!tpu.dma_semaphore, #tpu.memory_space<semaphore_mem>>
        %dma_start3A = arith.constant 0 : i32
        %dma_start3A_91 = tpu.memref_slice %arg5[%dma_start3A] : memref<3120xf32, #tpu.memory_space<vmem>> -> memref<160xf32, #tpu.memory_space<vmem>>
        %dma_start3A_92 = tpu.memref_slice %arg2[%multiple_of3A_74] : memref<800000xf32, #tpu.memory_space<hbm>> -> memref<160xf32, #tpu.memory_space<hbm>>
        %dma_start3A_93 = arith.constant 0 : i32
        %dma_start3A_94 = tpu.memref_slice %arg5[%dma_start3A_93] : memref<3120xf32, #tpu.memory_space<vmem>> -> memref<160xf32, #tpu.memory_space<vmem>>
        %dma_start3A_95 = tpu.memref_slice %arg2[%multiple_of3A_74] : memref<800000xf32, #tpu.memory_space<hbm>> -> memref<160xf32, #tpu.memory_space<hbm>>
        tpu.enqueue_dma source(%dma_start3A_95 : memref<160xf32, #tpu.memory_space<hbm>>) target(%dma_start3A_94 : memref<160xf32, #tpu.memory_space<vmem>>) target_semaphore(%run_scoped3A : memref<!tpu.dma_semaphore, #tpu.memory_space<semaphore_mem>>)
        %dma_wait3A = arith.constant 0 : i32
        %dma_wait3A_96 = tpu.memref_slice %arg5[%dma_wait3A] : memref<3120xf32, #tpu.memory_space<vmem>> -> memref<160xf32, #tpu.memory_space<vmem>>
        %dma_wait3A_97 = tpu.memref_slice %arg2[%multiple_of3A_74] : memref<800000xf32, #tpu.memory_space<hbm>> -> memref<160xf32, #tpu.memory_space<hbm>>
        %dma_wait3A_98 = arith.constant 0 : i32
        %dma_wait3A_99 = tpu.memref_slice %arg5[%dma_wait3A_98] : memref<3120xf32, #tpu.memory_space<vmem>> -> memref<160xf32, #tpu.memory_space<vmem>>
        %dma_wait3A_100 = tpu.memref_slice %arg2[%multiple_of3A_74] : memref<800000xf32, #tpu.memory_space<hbm>> -> memref<160xf32, #tpu.memory_space<hbm>>
        tpu.wait_dma2 semaphore(%run_scoped3A : memref<!tpu.dma_semaphore, #tpu.memory_space<semaphore_mem>>) src(%dma_wait3A_100 : memref<160xf32, #tpu.memory_space<hbm>>) dst(%dma_wait3A_99 : memref<160xf32, #tpu.memory_space<vmem>>)
        tpu.yield
      }) : () -> ()
      %scan3A_75 = arith.constant 0 : i32
      %scan3A_76 = arith.constant 0 : i32
      %scan3A_77 = arith.constant 10 : i32
      %scan3A_78 = arith.addi %scan3A_76, %scan3A_77 : i32
      %scan3A_79 = arith.constant 1 : i32
      scf.for %scan3A_91 = %scan3A_76 to %scan3A_78 step %scan3A_79  : i32 {
        %mul3A_92 = arith.constant 16 : i32
        %mul3A_93 = arith.muli %scan3A_91, %mul3A_92 : i32
        %multiple_of3A_94 = tpu.assume_multiple %mul3A_93, 16 : i32
        %get3A = arith.index_cast %multiple_of3A_94 : i32 to index
        %get3A_95 = tpu.vector_load %arg4[%get3A] {strides = array<i32>} : memref<3120xf32, #tpu.memory_space<vmem>>, vector<16xf32>,
        %get3A_96 = arith.index_cast %multiple_of3A_94 : i32 to index
        %get3A_97 = tpu.vector_load %arg5[%get3A_96] {strides = array<i32>} : memref<3120xf32, #tpu.memory_space<vmem>>, vector<16xf32>,
        %add3A_98 = arith.addf %get3A_95, %get3A_97 : vector<16xf32>
        %swap3A = arith.index_cast %multiple_of3A_94 : i32 to index
        %swap3A_99 = tpu.vector_load %arg6[%swap3A] {strides = array<i32>} : memref<3120xf32, #tpu.memory_space<vmem>>, vector<16xf32>,
        tpu.vector_store %arg6[%swap3A], %add3A_98 {strides = array<i32>} : memref<3120xf32, #tpu.memory_space<vmem>>, vector<16xf32>,
      }
      %scan3A_80 = arith.constant 10 : i32
      "tpu.region"() ({
        %run_scoped3A = tpu.sem_alloc : memref<!tpu.dma_semaphore, #tpu.memory_space<semaphore_mem>>
        %dma_start3A = arith.constant 0 : i32
        %dma_start3A_91 = tpu.memref_slice %arg6[%dma_start3A] : memref<3120xf32, #tpu.memory_space<vmem>> -> memref<160xf32, #tpu.memory_space<vmem>>
        %dma_start3A_92 = tpu.memref_slice %arg3[%multiple_of3A_72] : memref<400000xf32, #tpu.memory_space<hbm>> -> memref<160xf32, #tpu.memory_space<hbm>>
        %dma_start3A_93 = tpu.memref_slice %arg3[%multiple_of3A_72] : memref<400000xf32, #tpu.memory_space<hbm>> -> memref<160xf32, #tpu.memory_space<hbm>>
        %dma_start3A_94 = arith.constant 0 : i32
        %dma_start3A_95 = tpu.memref_slice %arg6[%dma_start3A_94] : memref<3120xf32, #tpu.memory_space<vmem>> -> memref<160xf32, #tpu.memory_space<vmem>>
        tpu.enqueue_dma source(%dma_start3A_95 : memref<160xf32, #tpu.memory_space<vmem>>) target(%dma_start3A_93 : memref<160xf32, #tpu.memory_space<hbm>>) target_semaphore(%run_scoped3A : memref<!tpu.dma_semaphore, #tpu.memory_space<semaphore_mem>>)
        %dma_wait3A = arith.constant 0 : i32
        %dma_wait3A_96 = tpu.memref_slice %arg6[%dma_wait3A] : memref<3120xf32, #tpu.memory_space<vmem>> -> memref<160xf32, #tpu.memory_space<vmem>>
        %dma_wait3A_97 = tpu.memref_slice %arg3[%multiple_of3A_72] : memref<400000xf32, #tpu.memory_space<hbm>> -> memref<160xf32, #tpu.memory_space<hbm>>
        %dma_wait3A_98 = tpu.memref_slice %arg3[%multiple_of3A_72] : memref<400000xf32, #tpu.memory_space<hbm>> -> memref<160xf32, #tpu.memory_space<hbm>>
        %dma_wait3A_99 = arith.constant 0 : i32
        %dma_wait3A_100 = tpu.memref_slice %arg6[%dma_wait3A_99] : memref<3120xf32, #tpu.memory_space<vmem>> -> memref<160xf32, #tpu.memory_space<vmem>>
        tpu.wait_dma2 semaphore(%run_scoped3A : memref<!tpu.dma_semaphore, #tpu.memory_space<semaphore_mem>>) src(%dma_wait3A_100 : memref<160xf32, #tpu.memory_space<vmem>>) dst(%dma_wait3A_98 : memref<160xf32, #tpu.memory_space<hbm>>)
        tpu.yield
      }) : () -> ()
      %multiple_of3A_81 = arith.constant 399840 : i32
      %multiple_of3A_82 = tpu.assume_multiple %multiple_of3A_81, 8 : i32
      %multiple_of3A_83 = arith.constant 799840 : i32
      %multiple_of3A_84 = tpu.assume_multiple %multiple_of3A_83, 8 : i32
      "tpu.region"() ({
        %run_scoped3A = tpu.sem_alloc : memref<!tpu.dma_semaphore, #tpu.memory_space<semaphore_mem>>
        %dma_start3A = arith.constant 0 : i32
        %dma_start3A_91 = tpu.memref_slice %arg4[%dma_start3A] : memref<3120xf32, #tpu.memory_space<vmem>> -> memref<160xf32, #tpu.memory_space<vmem>>
        %dma_start3A_92 = tpu.memref_slice %arg2[%multiple_of3A_82] : memref<800000xf32, #tpu.memory_space<hbm>> -> memref<160xf32, #tpu.memory_space<hbm>>
        %dma_start3A_93 = arith.constant 0 : i32
        %dma_start3A_94 = tpu.memref_slice %arg4[%dma_start3A_93] : memref<3120xf32, #tpu.memory_space<vmem>> -> memref<160xf32, #tpu.memory_space<vmem>>
        %dma_start3A_95 = tpu.memref_slice %arg2[%multiple_of3A_82] : memref<800000xf32, #tpu.memory_space<hbm>> -> memref<160xf32, #tpu.memory_space<hbm>>
        tpu.enqueue_dma source(%dma_start3A_95 : memref<160xf32, #tpu.memory_space<hbm>>) target(%dma_start3A_94 : memref<160xf32, #tpu.memory_space<vmem>>) target_semaphore(%run_scoped3A : memref<!tpu.dma_semaphore, #tpu.memory_space<semaphore_mem>>)
        %dma_wait3A = arith.constant 0 : i32
        %dma_wait3A_96 = tpu.memref_slice %arg4[%dma_wait3A] : memref<3120xf32, #tpu.memory_space<vmem>> -> memref<160xf32, #tpu.memory_space<vmem>>
        %dma_wait3A_97 = tpu.memref_slice %arg2[%multiple_of3A_82] : memref<800000xf32, #tpu.memory_space<hbm>> -> memref<160xf32, #tpu.memory_space<hbm>>
        %dma_wait3A_98 = arith.constant 0 : i32
        %dma_wait3A_99 = tpu.memref_slice %arg4[%dma_wait3A_98] : memref<3120xf32, #tpu.memory_space<vmem>> -> memref<160xf32, #tpu.memory_space<vmem>>
        %dma_wait3A_100 = tpu.memref_slice %arg2[%multiple_of3A_82] : memref<800000xf32, #tpu.memory_space<hbm>> -> memref<160xf32, #tpu.memory_space<hbm>>
        tpu.wait_dma2 semaphore(%run_scoped3A : memref<!tpu.dma_semaphore, #tpu.memory_space<semaphore_mem>>) src(%dma_wait3A_100 : memref<160xf32, #tpu.memory_space<hbm>>) dst(%dma_wait3A_99 : memref<160xf32, #tpu.memory_space<vmem>>)
        tpu.yield
      }) : () -> ()
      "tpu.region"() ({
        %run_scoped3A = tpu.sem_alloc : memref<!tpu.dma_semaphore, #tpu.memory_space<semaphore_mem>>
        %dma_start3A = arith.constant 0 : i32
        %dma_start3A_91 = tpu.memref_slice %arg5[%dma_start3A] : memref<3120xf32, #tpu.memory_space<vmem>> -> memref<160xf32, #tpu.memory_space<vmem>>
        %dma_start3A_92 = tpu.memref_slice %arg2[%multiple_of3A_84] : memref<800000xf32, #tpu.memory_space<hbm>> -> memref<160xf32, #tpu.memory_space<hbm>>
        %dma_start3A_93 = arith.constant 0 : i32
        %dma_start3A_94 = tpu.memref_slice %arg5[%dma_start3A_93] : memref<3120xf32, #tpu.memory_space<vmem>> -> memref<160xf32, #tpu.memory_space<vmem>>
        %dma_start3A_95 = tpu.memref_slice %arg2[%multiple_of3A_84] : memref<800000xf32, #tpu.memory_space<hbm>> -> memref<160xf32, #tpu.memory_space<hbm>>
        tpu.enqueue_dma source(%dma_start3A_95 : memref<160xf32, #tpu.memory_space<hbm>>) target(%dma_start3A_94 : memref<160xf32, #tpu.memory_space<vmem>>) target_semaphore(%run_scoped3A : memref<!tpu.dma_semaphore, #tpu.memory_space<semaphore_mem>>)
        %dma_wait3A = arith.constant 0 : i32
        %dma_wait3A_96 = tpu.memref_slice %arg5[%dma_wait3A] : memref<3120xf32, #tpu.memory_space<vmem>> -> memref<160xf32, #tpu.memory_space<vmem>>
        %dma_wait3A_97 = tpu.memref_slice %arg2[%multiple_of3A_84] : memref<800000xf32, #tpu.memory_space<hbm>> -> memref<160xf32, #tpu.memory_space<hbm>>
        %dma_wait3A_98 = arith.constant 0 : i32
        %dma_wait3A_99 = tpu.memref_slice %arg5[%dma_wait3A_98] : memref<3120xf32, #tpu.memory_space<vmem>> -> memref<160xf32, #tpu.memory_space<vmem>>
        %dma_wait3A_100 = tpu.memref_slice %arg2[%multiple_of3A_84] : memref<800000xf32, #tpu.memory_space<hbm>> -> memref<160xf32, #tpu.memory_space<hbm>>
        tpu.wait_dma2 semaphore(%run_scoped3A : memref<!tpu.dma_semaphore, #tpu.memory_space<semaphore_mem>>) src(%dma_wait3A_100 : memref<160xf32, #tpu.memory_space<hbm>>) dst(%dma_wait3A_99 : memref<160xf32, #tpu.memory_space<vmem>>)
        tpu.yield
      }) : () -> ()
      %scan3A_85 = arith.constant 0 : i32
      %scan3A_86 = arith.constant 0 : i32
      %scan3A_87 = arith.constant 10 : i32
      %scan3A_88 = arith.addi %scan3A_86, %scan3A_87 : i32
      %scan3A_89 = arith.constant 1 : i32
      scf.for %scan3A_91 = %scan3A_86 to %scan3A_88 step %scan3A_89  : i32 {
        %mul3A_92 = arith.constant 16 : i32
        %mul3A_93 = arith.muli %scan3A_91, %mul3A_92 : i32
        %multiple_of3A_94 = tpu.assume_multiple %mul3A_93, 16 : i32
        %get3A = arith.index_cast %multiple_of3A_94 : i32 to index
        %get3A_95 = tpu.vector_load %arg4[%get3A] {strides = array<i32>} : memref<3120xf32, #tpu.memory_space<vmem>>, vector<16xf32>,
        %get3A_96 = arith.index_cast %multiple_of3A_94 : i32 to index
        %get3A_97 = tpu.vector_load %arg5[%get3A_96] {strides = array<i32>} : memref<3120xf32, #tpu.memory_space<vmem>>, vector<16xf32>,
        %add3A_98 = arith.addf %get3A_95, %get3A_97 : vector<16xf32>
        %swap3A = arith.index_cast %multiple_of3A_94 : i32 to index
        %swap3A_99 = tpu.vector_load %arg6[%swap3A] {strides = array<i32>} : memref<3120xf32, #tpu.memory_space<vmem>>, vector<16xf32>,
        tpu.vector_store %arg6[%swap3A], %add3A_98 {strides = array<i32>} : memref<3120xf32, #tpu.memory_space<vmem>>, vector<16xf32>,
      }
      %scan3A_90 = arith.constant 10 : i32
      "tpu.region"() ({
        %run_scoped3A = tpu.sem_alloc : memref<!tpu.dma_semaphore, #tpu.memory_space<semaphore_mem>>
        %dma_start3A = arith.constant 0 : i32
        %dma_start3A_91 = tpu.memref_slice %arg6[%dma_start3A] : memref<3120xf32, #tpu.memory_space<vmem>> -> memref<160xf32, #tpu.memory_space<vmem>>
        %dma_start3A_92 = tpu.memref_slice %arg3[%multiple_of3A_82] : memref<400000xf32, #tpu.memory_space<hbm>> -> memref<160xf32, #tpu.memory_space<hbm>>
        %dma_start3A_93 = tpu.memref_slice %arg3[%multiple_of3A_82] : memref<400000xf32, #tpu.memory_space<hbm>> -> memref<160xf32, #tpu.memory_space<hbm>>
        %dma_start3A_94 = arith.constant 0 : i32
        %dma_start3A_95 = tpu.memref_slice %arg6[%dma_start3A_94] : memref<3120xf32, #tpu.memory_space<vmem>> -> memref<160xf32, #tpu.memory_space<vmem>>
        tpu.enqueue_dma source(%dma_start3A_95 : memref<160xf32, #tpu.memory_space<vmem>>) target(%dma_start3A_93 : memref<160xf32, #tpu.memory_space<hbm>>) target_semaphore(%run_scoped3A : memref<!tpu.dma_semaphore, #tpu.memory_space<semaphore_mem>>)
        %dma_wait3A = arith.constant 0 : i32
        %dma_wait3A_96 = tpu.memref_slice %arg6[%dma_wait3A] : memref<3120xf32, #tpu.memory_space<vmem>> -> memref<160xf32, #tpu.memory_space<vmem>>
        %dma_wait3A_97 = tpu.memref_slice %arg3[%multiple_of3A_82] : memref<400000xf32, #tpu.memory_space<hbm>> -> memref<160xf32, #tpu.memory_space<hbm>>
        %dma_wait3A_98 = tpu.memref_slice %arg3[%multiple_of3A_82] : memref<400000xf32, #tpu.memory_space<hbm>> -> memref<160xf32, #tpu.memory_space<hbm>>
        %dma_wait3A_99 = arith.constant 0 : i32
        %dma_wait3A_100 = tpu.memref_slice %arg6[%dma_wait3A_99] : memref<3120xf32, #tpu.memory_space<vmem>> -> memref<160xf32, #tpu.memory_space<vmem>>
        tpu.wait_dma2 semaphore(%run_scoped3A : memref<!tpu.dma_semaphore, #tpu.memory_space<semaphore_mem>>) src(%dma_wait3A_100 : memref<160xf32, #tpu.memory_space<vmem>>) dst(%dma_wait3A_98 : memref<160xf32, #tpu.memory_space<hbm>>)
        tpu.yield
      }) : () -> ()
    } else {
    }
    return
  }
}

#map = affine_map<(d0, d1) -> (0)>
module attributes {stable_mosaic.version = 14 : i64} {
  func.func @k(%arg0: i32, %arg1: i32, %arg2: memref<1600000xf32, #tpu.memory_space<hbm>>, %arg3: memref<1600000xf32, #tpu.memory_space<hbm>>, %arg4: memref<1600000xf32, #tpu.memory_space<hbm>>, %arg5: memref<1600000xf32, #tpu.memory_space<hbm>>, %arg6: memref<1600000xi32, #tpu.memory_space<hbm>>, %arg7: memref<6240xf32, #tpu.memory_space<hbm>>, %arg8: memref<800000xf32, #tpu.memory_space<hbm>>, %arg9: memref<100000xf32, #tpu.memory_space<vmem_shared>>, %arg10: memref<100000xf32, #tpu.memory_space<vmem_shared>>, %arg11: memref<100000xf32, #tpu.memory_space<vmem_shared>>, %arg12: memref<100000xf32, #tpu.memory_space<vmem_shared>>, %arg13: memref<10000xf32, #tpu.memory_space<vmem>>, %arg14: memref<10000xf32, #tpu.memory_space<vmem>>, %arg15: memref<10000xf32, #tpu.memory_space<vmem>>, %arg16: memref<10000xf32, #tpu.memory_space<vmem>>, %arg17: memref<10000xi32, #tpu.memory_space<vmem>>, %arg18: memref<10000xf32, #tpu.memory_space<vmem>>, %arg19: memref<10000xf32, #tpu.memory_space<vmem>>, %arg20: memref<10000xf32, #tpu.memory_space<vmem>>, %arg21: memref<10000xf32, #tpu.memory_space<vmem>>, %arg22: memref<10000xi32, #tpu.memory_space<vmem>>, %arg23: memref<!tpu.dma_semaphore, #tpu.memory_space<semaphore_mem>>, %arg24: memref<!tpu.dma_semaphore, #tpu.memory_space<semaphore_mem>>, %arg25: memref<!tpu.dma_semaphore, #tpu.memory_space<semaphore_mem>>, %arg26: memref<!tpu.dma_semaphore, #tpu.memory_space<semaphore_mem>>) attributes {dimension_semantics = [#tpu.dimension_semantics<core_parallel>, #tpu.dimension_semantics<subcore_parallel>], iteration_bounds = array<i64: 2, 16>, scalar_prefetch = 0 : i64, scratch_operands = 18 : i64, tpu.core_type = #tpu.core_type<sc_vector_subcore>, window_params = [{transform_indices = #map}, {transform_indices = #map}, {transform_indices = #map}, {transform_indices = #map}, {transform_indices = #map}, {transform_indices = #map}, {transform_indices = #map}]} {
    %mul3A = arith.constant 16 : i32
    %mul3A_0 = arith.muli %arg0, %mul3A : i32
    %add3A = arith.addi %mul3A_0, %arg1 : i32
    "tpu.region"() ({
      %run_scoped3A = tpu.sem_alloc : memref<!tpu.dma_semaphore, #tpu.memory_space<semaphore_mem>>
      %dma_start3A_282 = arith.constant 0 : i32
      %dma_start3A_283 = tpu.memref_slice %arg13[%dma_start3A_282] : memref<10000xf32, #tpu.memory_space<vmem>> -> memref<6240xf32, #tpu.memory_space<vmem>>
      %dma_start3A_284 = arith.constant 0 : i32
      %dma_start3A_285 = tpu.memref_slice %arg13[%dma_start3A_284] : memref<10000xf32, #tpu.memory_space<vmem>> -> memref<6240xf32, #tpu.memory_space<vmem>>
      tpu.enqueue_dma source(%arg7 : memref<6240xf32, #tpu.memory_space<hbm>>) target(%dma_start3A_285 : memref<6240xf32, #tpu.memory_space<vmem>>) target_semaphore(%run_scoped3A : memref<!tpu.dma_semaphore, #tpu.memory_space<semaphore_mem>>)
      %dma_wait3A_286 = arith.constant 0 : i32
      %dma_wait3A_287 = tpu.memref_slice %arg13[%dma_wait3A_286] : memref<10000xf32, #tpu.memory_space<vmem>> -> memref<6240xf32, #tpu.memory_space<vmem>>
      %dma_wait3A_288 = arith.constant 0 : i32
      %dma_wait3A_289 = tpu.memref_slice %arg13[%dma_wait3A_288] : memref<10000xf32, #tpu.memory_space<vmem>> -> memref<6240xf32, #tpu.memory_space<vmem>>
      tpu.wait_dma2 semaphore(%run_scoped3A : memref<!tpu.dma_semaphore, #tpu.memory_space<semaphore_mem>>) src(%arg7 : memref<6240xf32, #tpu.memory_space<hbm>>) dst(%dma_wait3A_289 : memref<6240xf32, #tpu.memory_space<vmem>>)
      tpu.yield
    }) : () -> ()
    %mul3A_1 = arith.constant 6240 : i32
    %mul3A_2 = arith.muli %arg1, %mul3A_1 : i32
    "tpu.region"() ({
      %run_scoped3A = tpu.sem_alloc : memref<!tpu.dma_semaphore, #tpu.memory_space<semaphore_mem>>
      %dma_start3A_282 = arith.constant 0 : i32
      %dma_start3A_283 = tpu.memref_slice %arg13[%dma_start3A_282] : memref<10000xf32, #tpu.memory_space<vmem>> -> memref<6240xf32, #tpu.memory_space<vmem>>
      %dma_start3A_284 = tpu.memref_slice %arg9[%mul3A_2] : memref<100000xf32, #tpu.memory_space<vmem_shared>> -> memref<6240xf32, #tpu.memory_space<vmem_shared>>
      %dma_start3A_285 = tpu.memref_slice %arg9[%mul3A_2] : memref<100000xf32, #tpu.memory_space<vmem_shared>> -> memref<6240xf32, #tpu.memory_space<vmem_shared>>
      %dma_start3A_286 = arith.constant 0 : i32
      %dma_start3A_287 = tpu.memref_slice %arg13[%dma_start3A_286] : memref<10000xf32, #tpu.memory_space<vmem>> -> memref<6240xf32, #tpu.memory_space<vmem>>
      tpu.enqueue_dma source(%dma_start3A_287 : memref<6240xf32, #tpu.memory_space<vmem>>) target(%dma_start3A_285 : memref<6240xf32, #tpu.memory_space<vmem_shared>>) target_semaphore(%run_scoped3A : memref<!tpu.dma_semaphore, #tpu.memory_space<semaphore_mem>>)
      %dma_wait3A_288 = arith.constant 0 : i32
      %dma_wait3A_289 = tpu.memref_slice %arg13[%dma_wait3A_288] : memref<10000xf32, #tpu.memory_space<vmem>> -> memref<6240xf32, #tpu.memory_space<vmem>>
      %dma_wait3A_290 = tpu.memref_slice %arg9[%mul3A_2] : memref<100000xf32, #tpu.memory_space<vmem_shared>> -> memref<6240xf32, #tpu.memory_space<vmem_shared>>
      %dma_wait3A_291 = tpu.memref_slice %arg9[%mul3A_2] : memref<100000xf32, #tpu.memory_space<vmem_shared>> -> memref<6240xf32, #tpu.memory_space<vmem_shared>>
      %dma_wait3A_292 = arith.constant 0 : i32
      %dma_wait3A_293 = tpu.memref_slice %arg13[%dma_wait3A_292] : memref<10000xf32, #tpu.memory_space<vmem>> -> memref<6240xf32, #tpu.memory_space<vmem>>
      tpu.wait_dma2 semaphore(%run_scoped3A : memref<!tpu.dma_semaphore, #tpu.memory_space<semaphore_mem>>) src(%dma_wait3A_293 : memref<6240xf32, #tpu.memory_space<vmem>>) dst(%dma_wait3A_291 : memref<6240xf32, #tpu.memory_space<vmem_shared>>)
      tpu.yield
    }) : () -> ()
    %mul3A_3 = arith.constant 6240 : i32
    %mul3A_4 = arith.muli %arg1, %mul3A_3 : i32
    "tpu.region"() ({
      %run_scoped3A = tpu.sem_alloc : memref<!tpu.dma_semaphore, #tpu.memory_space<semaphore_mem>>
      %dma_start3A_282 = arith.constant 0 : i32
      %dma_start3A_283 = tpu.memref_slice %arg13[%dma_start3A_282] : memref<10000xf32, #tpu.memory_space<vmem>> -> memref<6240xf32, #tpu.memory_space<vmem>>
      %dma_start3A_284 = tpu.memref_slice %arg10[%mul3A_4] : memref<100000xf32, #tpu.memory_space<vmem_shared>> -> memref<6240xf32, #tpu.memory_space<vmem_shared>>
      %dma_start3A_285 = tpu.memref_slice %arg10[%mul3A_4] : memref<100000xf32, #tpu.memory_space<vmem_shared>> -> memref<6240xf32, #tpu.memory_space<vmem_shared>>
      %dma_start3A_286 = arith.constant 0 : i32
      %dma_start3A_287 = tpu.memref_slice %arg13[%dma_start3A_286] : memref<10000xf32, #tpu.memory_space<vmem>> -> memref<6240xf32, #tpu.memory_space<vmem>>
      tpu.enqueue_dma source(%dma_start3A_287 : memref<6240xf32, #tpu.memory_space<vmem>>) target(%dma_start3A_285 : memref<6240xf32, #tpu.memory_space<vmem_shared>>) target_semaphore(%run_scoped3A : memref<!tpu.dma_semaphore, #tpu.memory_space<semaphore_mem>>)
      %dma_wait3A_288 = arith.constant 0 : i32
      %dma_wait3A_289 = tpu.memref_slice %arg13[%dma_wait3A_288] : memref<10000xf32, #tpu.memory_space<vmem>> -> memref<6240xf32, #tpu.memory_space<vmem>>
      %dma_wait3A_290 = tpu.memref_slice %arg10[%mul3A_4] : memref<100000xf32, #tpu.memory_space<vmem_shared>> -> memref<6240xf32, #tpu.memory_space<vmem_shared>>
      %dma_wait3A_291 = tpu.memref_slice %arg10[%mul3A_4] : memref<100000xf32, #tpu.memory_space<vmem_shared>> -> memref<6240xf32, #tpu.memory_space<vmem_shared>>
      %dma_wait3A_292 = arith.constant 0 : i32
      %dma_wait3A_293 = tpu.memref_slice %arg13[%dma_wait3A_292] : memref<10000xf32, #tpu.memory_space<vmem>> -> memref<6240xf32, #tpu.memory_space<vmem>>
      tpu.wait_dma2 semaphore(%run_scoped3A : memref<!tpu.dma_semaphore, #tpu.memory_space<semaphore_mem>>) src(%dma_wait3A_293 : memref<6240xf32, #tpu.memory_space<vmem>>) dst(%dma_wait3A_291 : memref<6240xf32, #tpu.memory_space<vmem_shared>>)
      tpu.yield
    }) : () -> ()
    %mul3A_5 = arith.constant 6240 : i32
    %mul3A_6 = arith.muli %arg1, %mul3A_5 : i32
    "tpu.region"() ({
      %run_scoped3A = tpu.sem_alloc : memref<!tpu.dma_semaphore, #tpu.memory_space<semaphore_mem>>
      %dma_start3A_282 = arith.constant 0 : i32
      %dma_start3A_283 = tpu.memref_slice %arg13[%dma_start3A_282] : memref<10000xf32, #tpu.memory_space<vmem>> -> memref<6240xf32, #tpu.memory_space<vmem>>
      %dma_start3A_284 = tpu.memref_slice %arg11[%mul3A_6] : memref<100000xf32, #tpu.memory_space<vmem_shared>> -> memref<6240xf32, #tpu.memory_space<vmem_shared>>
      %dma_start3A_285 = tpu.memref_slice %arg11[%mul3A_6] : memref<100000xf32, #tpu.memory_space<vmem_shared>> -> memref<6240xf32, #tpu.memory_space<vmem_shared>>
      %dma_start3A_286 = arith.constant 0 : i32
      %dma_start3A_287 = tpu.memref_slice %arg13[%dma_start3A_286] : memref<10000xf32, #tpu.memory_space<vmem>> -> memref<6240xf32, #tpu.memory_space<vmem>>
      tpu.enqueue_dma source(%dma_start3A_287 : memref<6240xf32, #tpu.memory_space<vmem>>) target(%dma_start3A_285 : memref<6240xf32, #tpu.memory_space<vmem_shared>>) target_semaphore(%run_scoped3A : memref<!tpu.dma_semaphore, #tpu.memory_space<semaphore_mem>>)
      %dma_wait3A_288 = arith.constant 0 : i32
      %dma_wait3A_289 = tpu.memref_slice %arg13[%dma_wait3A_288] : memref<10000xf32, #tpu.memory_space<vmem>> -> memref<6240xf32, #tpu.memory_space<vmem>>
      %dma_wait3A_290 = tpu.memref_slice %arg11[%mul3A_6] : memref<100000xf32, #tpu.memory_space<vmem_shared>> -> memref<6240xf32, #tpu.memory_space<vmem_shared>>
      %dma_wait3A_291 = tpu.memref_slice %arg11[%mul3A_6] : memref<100000xf32, #tpu.memory_space<vmem_shared>> -> memref<6240xf32, #tpu.memory_space<vmem_shared>>
      %dma_wait3A_292 = arith.constant 0 : i32
      %dma_wait3A_293 = tpu.memref_slice %arg13[%dma_wait3A_292] : memref<10000xf32, #tpu.memory_space<vmem>> -> memref<6240xf32, #tpu.memory_space<vmem>>
      tpu.wait_dma2 semaphore(%run_scoped3A : memref<!tpu.dma_semaphore, #tpu.memory_space<semaphore_mem>>) src(%dma_wait3A_293 : memref<6240xf32, #tpu.memory_space<vmem>>) dst(%dma_wait3A_291 : memref<6240xf32, #tpu.memory_space<vmem_shared>>)
      tpu.yield
    }) : () -> ()
    %mul3A_7 = arith.constant 6240 : i32
    %mul3A_8 = arith.muli %arg1, %mul3A_7 : i32
    "tpu.region"() ({
      %run_scoped3A = tpu.sem_alloc : memref<!tpu.dma_semaphore, #tpu.memory_space<semaphore_mem>>
      %dma_start3A_282 = arith.constant 0 : i32
      %dma_start3A_283 = tpu.memref_slice %arg13[%dma_start3A_282] : memref<10000xf32, #tpu.memory_space<vmem>> -> memref<6240xf32, #tpu.memory_space<vmem>>
      %dma_start3A_284 = tpu.memref_slice %arg12[%mul3A_8] : memref<100000xf32, #tpu.memory_space<vmem_shared>> -> memref<6240xf32, #tpu.memory_space<vmem_shared>>
      %dma_start3A_285 = tpu.memref_slice %arg12[%mul3A_8] : memref<100000xf32, #tpu.memory_space<vmem_shared>> -> memref<6240xf32, #tpu.memory_space<vmem_shared>>
      %dma_start3A_286 = arith.constant 0 : i32
      %dma_start3A_287 = tpu.memref_slice %arg13[%dma_start3A_286] : memref<10000xf32, #tpu.memory_space<vmem>> -> memref<6240xf32, #tpu.memory_space<vmem>>
      tpu.enqueue_dma source(%dma_start3A_287 : memref<6240xf32, #tpu.memory_space<vmem>>) target(%dma_start3A_285 : memref<6240xf32, #tpu.memory_space<vmem_shared>>) target_semaphore(%run_scoped3A : memref<!tpu.dma_semaphore, #tpu.memory_space<semaphore_mem>>)
      %dma_wait3A_288 = arith.constant 0 : i32
      %dma_wait3A_289 = tpu.memref_slice %arg13[%dma_wait3A_288] : memref<10000xf32, #tpu.memory_space<vmem>> -> memref<6240xf32, #tpu.memory_space<vmem>>
      %dma_wait3A_290 = tpu.memref_slice %arg12[%mul3A_8] : memref<100000xf32, #tpu.memory_space<vmem_shared>> -> memref<6240xf32, #tpu.memory_space<vmem_shared>>
      %dma_wait3A_291 = tpu.memref_slice %arg12[%mul3A_8] : memref<100000xf32, #tpu.memory_space<vmem_shared>> -> memref<6240xf32, #tpu.memory_space<vmem_shared>>
      %dma_wait3A_292 = arith.constant 0 : i32
      %dma_wait3A_293 = tpu.memref_slice %arg13[%dma_wait3A_292] : memref<10000xf32, #tpu.memory_space<vmem>> -> memref<6240xf32, #tpu.memory_space<vmem>>
      tpu.wait_dma2 semaphore(%run_scoped3A : memref<!tpu.dma_semaphore, #tpu.memory_space<semaphore_mem>>) src(%dma_wait3A_293 : memref<6240xf32, #tpu.memory_space<vmem>>) dst(%dma_wait3A_291 : memref<6240xf32, #tpu.memory_space<vmem_shared>>)
      tpu.yield
    }) : () -> ()
    %eq3A = arith.constant 0 : i32
    %eq3A_9 = arith.cmpi eq, %arg1, %eq3A : i32
    %convert_element_type3A = arith.extui %eq3A_9 : i1 to i32
    %cond3A = arith.constant 0 : i32
    %cond3A_10 = arith.cmpi ne, %convert_element_type3A, %cond3A : i32
    scf.if %cond3A_10 {
      "tpu.region"() ({
        %run_scoped3A = tpu.sem_alloc : memref<!tpu.dma_semaphore, #tpu.memory_space<semaphore_mem>>
        %dma_start3A_282 = arith.constant 0 : i32
        %dma_start3A_283 = tpu.memref_slice %arg13[%dma_start3A_282] : memref<10000xf32, #tpu.memory_space<vmem>> -> memref<160xf32, #tpu.memory_space<vmem>>
        %dma_start3A_284 = arith.constant 99840 : i32
        %dma_start3A_285 = tpu.memref_slice %arg9[%dma_start3A_284] : memref<100000xf32, #tpu.memory_space<vmem_shared>> -> memref<160xf32, #tpu.memory_space<vmem_shared>>
        %dma_start3A_286 = arith.constant 99840 : i32
        %dma_start3A_287 = tpu.memref_slice %arg9[%dma_start3A_286] : memref<100000xf32, #tpu.memory_space<vmem_shared>> -> memref<160xf32, #tpu.memory_space<vmem_shared>>
        %dma_start3A_288 = arith.constant 0 : i32
        %dma_start3A_289 = tpu.memref_slice %arg13[%dma_start3A_288] : memref<10000xf32, #tpu.memory_space<vmem>> -> memref<160xf32, #tpu.memory_space<vmem>>
        tpu.enqueue_dma source(%dma_start3A_289 : memref<160xf32, #tpu.memory_space<vmem>>) target(%dma_start3A_287 : memref<160xf32, #tpu.memory_space<vmem_shared>>) target_semaphore(%run_scoped3A : memref<!tpu.dma_semaphore, #tpu.memory_space<semaphore_mem>>)
        %dma_wait3A_290 = arith.constant 0 : i32
        %dma_wait3A_291 = tpu.memref_slice %arg13[%dma_wait3A_290] : memref<10000xf32, #tpu.memory_space<vmem>> -> memref<160xf32, #tpu.memory_space<vmem>>
        %dma_wait3A_292 = arith.constant 99840 : i32
        %dma_wait3A_293 = tpu.memref_slice %arg9[%dma_wait3A_292] : memref<100000xf32, #tpu.memory_space<vmem_shared>> -> memref<160xf32, #tpu.memory_space<vmem_shared>>
        %dma_wait3A_294 = arith.constant 99840 : i32
        %dma_wait3A_295 = tpu.memref_slice %arg9[%dma_wait3A_294] : memref<100000xf32, #tpu.memory_space<vmem_shared>> -> memref<160xf32, #tpu.memory_space<vmem_shared>>
        %dma_wait3A_296 = arith.constant 0 : i32
        %dma_wait3A_297 = tpu.memref_slice %arg13[%dma_wait3A_296] : memref<10000xf32, #tpu.memory_space<vmem>> -> memref<160xf32, #tpu.memory_space<vmem>>
        tpu.wait_dma2 semaphore(%run_scoped3A : memref<!tpu.dma_semaphore, #tpu.memory_space<semaphore_mem>>) src(%dma_wait3A_297 : memref<160xf32, #tpu.memory_space<vmem>>) dst(%dma_wait3A_295 : memref<160xf32, #tpu.memory_space<vmem_shared>>)
        tpu.yield
      }) : () -> ()
      "tpu.region"() ({
        %run_scoped3A = tpu.sem_alloc : memref<!tpu.dma_semaphore, #tpu.memory_space<semaphore_mem>>
        %dma_start3A_282 = arith.constant 0 : i32
        %dma_start3A_283 = tpu.memref_slice %arg13[%dma_start3A_282] : memref<10000xf32, #tpu.memory_space<vmem>> -> memref<160xf32, #tpu.memory_space<vmem>>
        %dma_start3A_284 = arith.constant 99840 : i32
        %dma_start3A_285 = tpu.memref_slice %arg10[%dma_start3A_284] : memref<100000xf32, #tpu.memory_space<vmem_shared>> -> memref<160xf32, #tpu.memory_space<vmem_shared>>
        %dma_start3A_286 = arith.constant 99840 : i32
        %dma_start3A_287 = tpu.memref_slice %arg10[%dma_start3A_286] : memref<100000xf32, #tpu.memory_space<vmem_shared>> -> memref<160xf32, #tpu.memory_space<vmem_shared>>
        %dma_start3A_288 = arith.constant 0 : i32
        %dma_start3A_289 = tpu.memref_slice %arg13[%dma_start3A_288] : memref<10000xf32, #tpu.memory_space<vmem>> -> memref<160xf32, #tpu.memory_space<vmem>>
        tpu.enqueue_dma source(%dma_start3A_289 : memref<160xf32, #tpu.memory_space<vmem>>) target(%dma_start3A_287 : memref<160xf32, #tpu.memory_space<vmem_shared>>) target_semaphore(%run_scoped3A : memref<!tpu.dma_semaphore, #tpu.memory_space<semaphore_mem>>)
        %dma_wait3A_290 = arith.constant 0 : i32
        %dma_wait3A_291 = tpu.memref_slice %arg13[%dma_wait3A_290] : memref<10000xf32, #tpu.memory_space<vmem>> -> memref<160xf32, #tpu.memory_space<vmem>>
        %dma_wait3A_292 = arith.constant 99840 : i32
        %dma_wait3A_293 = tpu.memref_slice %arg10[%dma_wait3A_292] : memref<100000xf32, #tpu.memory_space<vmem_shared>> -> memref<160xf32, #tpu.memory_space<vmem_shared>>
        %dma_wait3A_294 = arith.constant 99840 : i32
        %dma_wait3A_295 = tpu.memref_slice %arg10[%dma_wait3A_294] : memref<100000xf32, #tpu.memory_space<vmem_shared>> -> memref<160xf32, #tpu.memory_space<vmem_shared>>
        %dma_wait3A_296 = arith.constant 0 : i32
        %dma_wait3A_297 = tpu.memref_slice %arg13[%dma_wait3A_296] : memref<10000xf32, #tpu.memory_space<vmem>> -> memref<160xf32, #tpu.memory_space<vmem>>
        tpu.wait_dma2 semaphore(%run_scoped3A : memref<!tpu.dma_semaphore, #tpu.memory_space<semaphore_mem>>) src(%dma_wait3A_297 : memref<160xf32, #tpu.memory_space<vmem>>) dst(%dma_wait3A_295 : memref<160xf32, #tpu.memory_space<vmem_shared>>)
        tpu.yield
      }) : () -> ()
      "tpu.region"() ({
        %run_scoped3A = tpu.sem_alloc : memref<!tpu.dma_semaphore, #tpu.memory_space<semaphore_mem>>
        %dma_start3A_282 = arith.constant 0 : i32
        %dma_start3A_283 = tpu.memref_slice %arg13[%dma_start3A_282] : memref<10000xf32, #tpu.memory_space<vmem>> -> memref<160xf32, #tpu.memory_space<vmem>>
        %dma_start3A_284 = arith.constant 99840 : i32
        %dma_start3A_285 = tpu.memref_slice %arg11[%dma_start3A_284] : memref<100000xf32, #tpu.memory_space<vmem_shared>> -> memref<160xf32, #tpu.memory_space<vmem_shared>>
        %dma_start3A_286 = arith.constant 99840 : i32
        %dma_start3A_287 = tpu.memref_slice %arg11[%dma_start3A_286] : memref<100000xf32, #tpu.memory_space<vmem_shared>> -> memref<160xf32, #tpu.memory_space<vmem_shared>>
        %dma_start3A_288 = arith.constant 0 : i32
        %dma_start3A_289 = tpu.memref_slice %arg13[%dma_start3A_288] : memref<10000xf32, #tpu.memory_space<vmem>> -> memref<160xf32, #tpu.memory_space<vmem>>
        tpu.enqueue_dma source(%dma_start3A_289 : memref<160xf32, #tpu.memory_space<vmem>>) target(%dma_start3A_287 : memref<160xf32, #tpu.memory_space<vmem_shared>>) target_semaphore(%run_scoped3A : memref<!tpu.dma_semaphore, #tpu.memory_space<semaphore_mem>>)
        %dma_wait3A_290 = arith.constant 0 : i32
        %dma_wait3A_291 = tpu.memref_slice %arg13[%dma_wait3A_290] : memref<10000xf32, #tpu.memory_space<vmem>> -> memref<160xf32, #tpu.memory_space<vmem>>
        %dma_wait3A_292 = arith.constant 99840 : i32
        %dma_wait3A_293 = tpu.memref_slice %arg11[%dma_wait3A_292] : memref<100000xf32, #tpu.memory_space<vmem_shared>> -> memref<160xf32, #tpu.memory_space<vmem_shared>>
        %dma_wait3A_294 = arith.constant 99840 : i32
        %dma_wait3A_295 = tpu.memref_slice %arg11[%dma_wait3A_294] : memref<100000xf32, #tpu.memory_space<vmem_shared>> -> memref<160xf32, #tpu.memory_space<vmem_shared>>
        %dma_wait3A_296 = arith.constant 0 : i32
        %dma_wait3A_297 = tpu.memref_slice %arg13[%dma_wait3A_296] : memref<10000xf32, #tpu.memory_space<vmem>> -> memref<160xf32, #tpu.memory_space<vmem>>
        tpu.wait_dma2 semaphore(%run_scoped3A : memref<!tpu.dma_semaphore, #tpu.memory_space<semaphore_mem>>) src(%dma_wait3A_297 : memref<160xf32, #tpu.memory_space<vmem>>) dst(%dma_wait3A_295 : memref<160xf32, #tpu.memory_space<vmem_shared>>)
        tpu.yield
      }) : () -> ()
      "tpu.region"() ({
        %run_scoped3A = tpu.sem_alloc : memref<!tpu.dma_semaphore, #tpu.memory_space<semaphore_mem>>
        %dma_start3A_282 = arith.constant 0 : i32
        %dma_start3A_283 = tpu.memref_slice %arg13[%dma_start3A_282] : memref<10000xf32, #tpu.memory_space<vmem>> -> memref<160xf32, #tpu.memory_space<vmem>>
        %dma_start3A_284 = arith.constant 99840 : i32
        %dma_start3A_285 = tpu.memref_slice %arg12[%dma_start3A_284] : memref<100000xf32, #tpu.memory_space<vmem_shared>> -> memref<160xf32, #tpu.memory_space<vmem_shared>>
        %dma_start3A_286 = arith.constant 99840 : i32
        %dma_start3A_287 = tpu.memref_slice %arg12[%dma_start3A_286] : memref<100000xf32, #tpu.memory_space<vmem_shared>> -> memref<160xf32, #tpu.memory_space<vmem_shared>>
        %dma_start3A_288 = arith.constant 0 : i32
        %dma_start3A_289 = tpu.memref_slice %arg13[%dma_start3A_288] : memref<10000xf32, #tpu.memory_space<vmem>> -> memref<160xf32, #tpu.memory_space<vmem>>
        tpu.enqueue_dma source(%dma_start3A_289 : memref<160xf32, #tpu.memory_space<vmem>>) target(%dma_start3A_287 : memref<160xf32, #tpu.memory_space<vmem_shared>>) target_semaphore(%run_scoped3A : memref<!tpu.dma_semaphore, #tpu.memory_space<semaphore_mem>>)
        %dma_wait3A_290 = arith.constant 0 : i32
        %dma_wait3A_291 = tpu.memref_slice %arg13[%dma_wait3A_290] : memref<10000xf32, #tpu.memory_space<vmem>> -> memref<160xf32, #tpu.memory_space<vmem>>
        %dma_wait3A_292 = arith.constant 99840 : i32
        %dma_wait3A_293 = tpu.memref_slice %arg12[%dma_wait3A_292] : memref<100000xf32, #tpu.memory_space<vmem_shared>> -> memref<160xf32, #tpu.memory_space<vmem_shared>>
        %dma_wait3A_294 = arith.constant 99840 : i32
        %dma_wait3A_295 = tpu.memref_slice %arg12[%dma_wait3A_294] : memref<100000xf32, #tpu.memory_space<vmem_shared>> -> memref<160xf32, #tpu.memory_space<vmem_shared>>
        %dma_wait3A_296 = arith.constant 0 : i32
        %dma_wait3A_297 = tpu.memref_slice %arg13[%dma_wait3A_296] : memref<10000xf32, #tpu.memory_space<vmem>> -> memref<160xf32, #tpu.memory_space<vmem>>
        tpu.wait_dma2 semaphore(%run_scoped3A : memref<!tpu.dma_semaphore, #tpu.memory_space<semaphore_mem>>) src(%dma_wait3A_297 : memref<160xf32, #tpu.memory_space<vmem>>) dst(%dma_wait3A_295 : memref<160xf32, #tpu.memory_space<vmem_shared>>)
        tpu.yield
      }) : () -> ()
    } else {
    }
    %barrier3A = arith.constant 0 : index
    tpu.barrier barrier_id(%barrier3A)
    %mul3A_11 = arith.constant 50000 : i32
    %mul3A_12 = arith.muli %add3A, %mul3A_11 : i32
    %add3A_13 = arith.constant 0 : i32
    %add3A_14 = arith.addi %mul3A_12, %add3A_13 : i32
    %multiple_of3A = tpu.assume_multiple %add3A_14, 8 : i32
    %dma_start3A = tpu.memref_slice %arg2[%multiple_of3A] : memref<1600000xf32, #tpu.memory_space<hbm>> -> memref<10000xf32, #tpu.memory_space<hbm>>
    %dma_start3A_15 = tpu.memref_slice %arg2[%multiple_of3A] : memref<1600000xf32, #tpu.memory_space<hbm>> -> memref<10000xf32, #tpu.memory_space<hbm>>
    tpu.enqueue_dma source(%dma_start3A_15 : memref<10000xf32, #tpu.memory_space<hbm>>) target(%arg13 : memref<10000xf32, #tpu.memory_space<vmem>>) target_semaphore(%arg23 : memref<!tpu.dma_semaphore, #tpu.memory_space<semaphore_mem>>)
    %dma_start3A_16 = tpu.memref_slice %arg3[%multiple_of3A] : memref<1600000xf32, #tpu.memory_space<hbm>> -> memref<10000xf32, #tpu.memory_space<hbm>>
    %dma_start3A_17 = tpu.memref_slice %arg3[%multiple_of3A] : memref<1600000xf32, #tpu.memory_space<hbm>> -> memref<10000xf32, #tpu.memory_space<hbm>>
    tpu.enqueue_dma source(%dma_start3A_17 : memref<10000xf32, #tpu.memory_space<hbm>>) target(%arg14 : memref<10000xf32, #tpu.memory_space<vmem>>) target_semaphore(%arg23 : memref<!tpu.dma_semaphore, #tpu.memory_space<semaphore_mem>>)
    %dma_start3A_18 = tpu.memref_slice %arg4[%multiple_of3A] : memref<1600000xf32, #tpu.memory_space<hbm>> -> memref<10000xf32, #tpu.memory_space<hbm>>
    %dma_start3A_19 = tpu.memref_slice %arg4[%multiple_of3A] : memref<1600000xf32, #tpu.memory_space<hbm>> -> memref<10000xf32, #tpu.memory_space<hbm>>
    tpu.enqueue_dma source(%dma_start3A_19 : memref<10000xf32, #tpu.memory_space<hbm>>) target(%arg15 : memref<10000xf32, #tpu.memory_space<vmem>>) target_semaphore(%arg23 : memref<!tpu.dma_semaphore, #tpu.memory_space<semaphore_mem>>)
    %dma_start3A_20 = tpu.memref_slice %arg5[%multiple_of3A] : memref<1600000xf32, #tpu.memory_space<hbm>> -> memref<10000xf32, #tpu.memory_space<hbm>>
    %dma_start3A_21 = tpu.memref_slice %arg5[%multiple_of3A] : memref<1600000xf32, #tpu.memory_space<hbm>> -> memref<10000xf32, #tpu.memory_space<hbm>>
    tpu.enqueue_dma source(%dma_start3A_21 : memref<10000xf32, #tpu.memory_space<hbm>>) target(%arg16 : memref<10000xf32, #tpu.memory_space<vmem>>) target_semaphore(%arg23 : memref<!tpu.dma_semaphore, #tpu.memory_space<semaphore_mem>>)
    %dma_start3A_22 = tpu.memref_slice %arg6[%multiple_of3A] : memref<1600000xi32, #tpu.memory_space<hbm>> -> memref<10000xi32, #tpu.memory_space<hbm>>
    %dma_start3A_23 = tpu.memref_slice %arg6[%multiple_of3A] : memref<1600000xi32, #tpu.memory_space<hbm>> -> memref<10000xi32, #tpu.memory_space<hbm>>
    tpu.enqueue_dma source(%dma_start3A_23 : memref<10000xi32, #tpu.memory_space<hbm>>) target(%arg17 : memref<10000xi32, #tpu.memory_space<vmem>>) target_semaphore(%arg23 : memref<!tpu.dma_semaphore, #tpu.memory_space<semaphore_mem>>)
    %dma_wait3A = tpu.memref_slice %arg2[%multiple_of3A] : memref<1600000xf32, #tpu.memory_space<hbm>> -> memref<10000xf32, #tpu.memory_space<hbm>>
    %dma_wait3A_24 = tpu.memref_slice %arg2[%multiple_of3A] : memref<1600000xf32, #tpu.memory_space<hbm>> -> memref<10000xf32, #tpu.memory_space<hbm>>
    tpu.wait_dma2 semaphore(%arg23 : memref<!tpu.dma_semaphore, #tpu.memory_space<semaphore_mem>>) src(%dma_wait3A_24 : memref<10000xf32, #tpu.memory_space<hbm>>) dst(%arg13 : memref<10000xf32, #tpu.memory_space<vmem>>)
    %dma_wait3A_25 = tpu.memref_slice %arg3[%multiple_of3A] : memref<1600000xf32, #tpu.memory_space<hbm>> -> memref<10000xf32, #tpu.memory_space<hbm>>
    %dma_wait3A_26 = tpu.memref_slice %arg3[%multiple_of3A] : memref<1600000xf32, #tpu.memory_space<hbm>> -> memref<10000xf32, #tpu.memory_space<hbm>>
    tpu.wait_dma2 semaphore(%arg23 : memref<!tpu.dma_semaphore, #tpu.memory_space<semaphore_mem>>) src(%dma_wait3A_26 : memref<10000xf32, #tpu.memory_space<hbm>>) dst(%arg14 : memref<10000xf32, #tpu.memory_space<vmem>>)
    %dma_wait3A_27 = tpu.memref_slice %arg4[%multiple_of3A] : memref<1600000xf32, #tpu.memory_space<hbm>> -> memref<10000xf32, #tpu.memory_space<hbm>>
    %dma_wait3A_28 = tpu.memref_slice %arg4[%multiple_of3A] : memref<1600000xf32, #tpu.memory_space<hbm>> -> memref<10000xf32, #tpu.memory_space<hbm>>
    tpu.wait_dma2 semaphore(%arg23 : memref<!tpu.dma_semaphore, #tpu.memory_space<semaphore_mem>>) src(%dma_wait3A_28 : memref<10000xf32, #tpu.memory_space<hbm>>) dst(%arg15 : memref<10000xf32, #tpu.memory_space<vmem>>)
    %dma_wait3A_29 = tpu.memref_slice %arg5[%multiple_of3A] : memref<1600000xf32, #tpu.memory_space<hbm>> -> memref<10000xf32, #tpu.memory_space<hbm>>
    %dma_wait3A_30 = tpu.memref_slice %arg5[%multiple_of3A] : memref<1600000xf32, #tpu.memory_space<hbm>> -> memref<10000xf32, #tpu.memory_space<hbm>>
    tpu.wait_dma2 semaphore(%arg23 : memref<!tpu.dma_semaphore, #tpu.memory_space<semaphore_mem>>) src(%dma_wait3A_30 : memref<10000xf32, #tpu.memory_space<hbm>>) dst(%arg16 : memref<10000xf32, #tpu.memory_space<vmem>>)
    %dma_wait3A_31 = tpu.memref_slice %arg6[%multiple_of3A] : memref<1600000xi32, #tpu.memory_space<hbm>> -> memref<10000xi32, #tpu.memory_space<hbm>>
    %dma_wait3A_32 = tpu.memref_slice %arg6[%multiple_of3A] : memref<1600000xi32, #tpu.memory_space<hbm>> -> memref<10000xi32, #tpu.memory_space<hbm>>
    tpu.wait_dma2 semaphore(%arg23 : memref<!tpu.dma_semaphore, #tpu.memory_space<semaphore_mem>>) src(%dma_wait3A_32 : memref<10000xi32, #tpu.memory_space<hbm>>) dst(%arg17 : memref<10000xi32, #tpu.memory_space<vmem>>)
    %mul3A_33 = arith.constant 50000 : i32
    %mul3A_34 = arith.muli %add3A, %mul3A_33 : i32
    %add3A_35 = arith.constant 10000 : i32
    %add3A_36 = arith.addi %mul3A_34, %add3A_35 : i32
    %multiple_of3A_37 = tpu.assume_multiple %add3A_36, 8 : i32
    %dma_start3A_38 = tpu.memref_slice %arg2[%multiple_of3A_37] : memref<1600000xf32, #tpu.memory_space<hbm>> -> memref<10000xf32, #tpu.memory_space<hbm>>
    %dma_start3A_39 = tpu.memref_slice %arg2[%multiple_of3A_37] : memref<1600000xf32, #tpu.memory_space<hbm>> -> memref<10000xf32, #tpu.memory_space<hbm>>
    tpu.enqueue_dma source(%dma_start3A_39 : memref<10000xf32, #tpu.memory_space<hbm>>) target(%arg18 : memref<10000xf32, #tpu.memory_space<vmem>>) target_semaphore(%arg24 : memref<!tpu.dma_semaphore, #tpu.memory_space<semaphore_mem>>)
    %dma_start3A_40 = tpu.memref_slice %arg3[%multiple_of3A_37] : memref<1600000xf32, #tpu.memory_space<hbm>> -> memref<10000xf32, #tpu.memory_space<hbm>>
    %dma_start3A_41 = tpu.memref_slice %arg3[%multiple_of3A_37] : memref<1600000xf32, #tpu.memory_space<hbm>> -> memref<10000xf32, #tpu.memory_space<hbm>>
    tpu.enqueue_dma source(%dma_start3A_41 : memref<10000xf32, #tpu.memory_space<hbm>>) target(%arg19 : memref<10000xf32, #tpu.memory_space<vmem>>) target_semaphore(%arg24 : memref<!tpu.dma_semaphore, #tpu.memory_space<semaphore_mem>>)
    %dma_start3A_42 = tpu.memref_slice %arg4[%multiple_of3A_37] : memref<1600000xf32, #tpu.memory_space<hbm>> -> memref<10000xf32, #tpu.memory_space<hbm>>
    %dma_start3A_43 = tpu.memref_slice %arg4[%multiple_of3A_37] : memref<1600000xf32, #tpu.memory_space<hbm>> -> memref<10000xf32, #tpu.memory_space<hbm>>
    tpu.enqueue_dma source(%dma_start3A_43 : memref<10000xf32, #tpu.memory_space<hbm>>) target(%arg20 : memref<10000xf32, #tpu.memory_space<vmem>>) target_semaphore(%arg24 : memref<!tpu.dma_semaphore, #tpu.memory_space<semaphore_mem>>)
    %dma_start3A_44 = tpu.memref_slice %arg5[%multiple_of3A_37] : memref<1600000xf32, #tpu.memory_space<hbm>> -> memref<10000xf32, #tpu.memory_space<hbm>>
    %dma_start3A_45 = tpu.memref_slice %arg5[%multiple_of3A_37] : memref<1600000xf32, #tpu.memory_space<hbm>> -> memref<10000xf32, #tpu.memory_space<hbm>>
    tpu.enqueue_dma source(%dma_start3A_45 : memref<10000xf32, #tpu.memory_space<hbm>>) target(%arg21 : memref<10000xf32, #tpu.memory_space<vmem>>) target_semaphore(%arg24 : memref<!tpu.dma_semaphore, #tpu.memory_space<semaphore_mem>>)
    %dma_start3A_46 = tpu.memref_slice %arg6[%multiple_of3A_37] : memref<1600000xi32, #tpu.memory_space<hbm>> -> memref<10000xi32, #tpu.memory_space<hbm>>
    %dma_start3A_47 = tpu.memref_slice %arg6[%multiple_of3A_37] : memref<1600000xi32, #tpu.memory_space<hbm>> -> memref<10000xi32, #tpu.memory_space<hbm>>
    tpu.enqueue_dma source(%dma_start3A_47 : memref<10000xi32, #tpu.memory_space<hbm>>) target(%arg22 : memref<10000xi32, #tpu.memory_space<vmem>>) target_semaphore(%arg24 : memref<!tpu.dma_semaphore, #tpu.memory_space<semaphore_mem>>)
    %scan3A = arith.constant 0 : i32
    %scan3A_48 = arith.constant 0 : i32
    %scan3A_49 = arith.constant 625 : i32
    %scan3A_50 = arith.addi %scan3A_48, %scan3A_49 : i32
    %scan3A_51 = arith.constant 1 : i32
    scf.for %scan3A_282 = %scan3A_48 to %scan3A_50 step %scan3A_51  : i32 {
      %mul3A_283 = arith.constant 16 : i32
      %mul3A_284 = arith.muli %scan3A_282, %mul3A_283 : i32
      %multiple_of3A_285 = tpu.assume_multiple %mul3A_284, 16 : i32
      %get3A = arith.index_cast %multiple_of3A_285 : i32 to index
      %get3A_286 = tpu.vector_load %arg13[%get3A] {strides = array<i32>} : memref<10000xf32, #tpu.memory_space<vmem>>, vector<16xf32>,
      %get3A_287 = arith.index_cast %multiple_of3A_285 : i32 to index
      %get3A_288 = tpu.vector_load %arg14[%get3A_287] {strides = array<i32>} : memref<10000xf32, #tpu.memory_space<vmem>>, vector<16xf32>,
      %mul3A_289 = arith.mulf %get3A_286, %get3A_288 : vector<16xf32>
      %swap3A = arith.index_cast %multiple_of3A_285 : i32 to index
      %swap3A_290 = tpu.vector_load %arg14[%swap3A] {strides = array<i32>} : memref<10000xf32, #tpu.memory_space<vmem>>, vector<16xf32>,
      tpu.vector_store %arg14[%swap3A], %mul3A_289 {strides = array<i32>} : memref<10000xf32, #tpu.memory_space<vmem>>, vector<16xf32>,
      %get3A_291 = arith.index_cast %multiple_of3A_285 : i32 to index
      %get3A_292 = tpu.vector_load %arg15[%get3A_291] {strides = array<i32>} : memref<10000xf32, #tpu.memory_space<vmem>>, vector<16xf32>,
      %mul3A_293 = arith.mulf %get3A_286, %get3A_292 : vector<16xf32>
      %swap3A_294 = arith.index_cast %multiple_of3A_285 : i32 to index
      %swap3A_295 = tpu.vector_load %arg15[%swap3A_294] {strides = array<i32>} : memref<10000xf32, #tpu.memory_space<vmem>>, vector<16xf32>,
      tpu.vector_store %arg15[%swap3A_294], %mul3A_293 {strides = array<i32>} : memref<10000xf32, #tpu.memory_space<vmem>>, vector<16xf32>,
      %get3A_296 = arith.index_cast %multiple_of3A_285 : i32 to index
      %get3A_297 = tpu.vector_load %arg16[%get3A_296] {strides = array<i32>} : memref<10000xf32, #tpu.memory_space<vmem>>, vector<16xf32>,
      %mul3A_298 = arith.mulf %get3A_286, %get3A_297 : vector<16xf32>
      %swap3A_299 = arith.index_cast %multiple_of3A_285 : i32 to index
      %swap3A_300 = tpu.vector_load %arg16[%swap3A_299] {strides = array<i32>} : memref<10000xf32, #tpu.memory_space<vmem>>, vector<16xf32>,
      tpu.vector_store %arg16[%swap3A_299], %mul3A_298 {strides = array<i32>} : memref<10000xf32, #tpu.memory_space<vmem>>, vector<16xf32>,
    }
    %scan3A_52 = arith.constant 625 : i32
    %dma_start3A_53 = arith.constant 0 : i32
    %dma_start3A_54 = tpu.memref_slice %arg9[%dma_start3A_53] : memref<100000xf32, #tpu.memory_space<vmem_shared>> -> memref<100000xf32, #tpu.memory_space<vmem_shared>>
    tpu.enqueue_indirect_dma source(%arg13 : memref<10000xf32, #tpu.memory_space<vmem>>) target(%dma_start3A_54 : memref<100000xf32, #tpu.memory_space<vmem_shared>>) offsets(%arg17 : memref<10000xi32, #tpu.memory_space<vmem>>) semaphore(%arg25 : memref<!tpu.dma_semaphore, #tpu.memory_space<semaphore_mem>>) {add = true}
    %dma_start3A_55 = arith.constant 0 : i32
    %dma_start3A_56 = tpu.memref_slice %arg10[%dma_start3A_55] : memref<100000xf32, #tpu.memory_space<vmem_shared>> -> memref<100000xf32, #tpu.memory_space<vmem_shared>>
    tpu.enqueue_indirect_dma source(%arg14 : memref<10000xf32, #tpu.memory_space<vmem>>) target(%dma_start3A_56 : memref<100000xf32, #tpu.memory_space<vmem_shared>>) offsets(%arg17 : memref<10000xi32, #tpu.memory_space<vmem>>) semaphore(%arg25 : memref<!tpu.dma_semaphore, #tpu.memory_space<semaphore_mem>>) {add = true}
    %dma_start3A_57 = arith.constant 0 : i32
    %dma_start3A_58 = tpu.memref_slice %arg11[%dma_start3A_57] : memref<100000xf32, #tpu.memory_space<vmem_shared>> -> memref<100000xf32, #tpu.memory_space<vmem_shared>>
    tpu.enqueue_indirect_dma source(%arg15 : memref<10000xf32, #tpu.memory_space<vmem>>) target(%dma_start3A_58 : memref<100000xf32, #tpu.memory_space<vmem_shared>>) offsets(%arg17 : memref<10000xi32, #tpu.memory_space<vmem>>) semaphore(%arg25 : memref<!tpu.dma_semaphore, #tpu.memory_space<semaphore_mem>>) {add = true}
    %dma_start3A_59 = arith.constant 0 : i32
    %dma_start3A_60 = tpu.memref_slice %arg12[%dma_start3A_59] : memref<100000xf32, #tpu.memory_space<vmem_shared>> -> memref<100000xf32, #tpu.memory_space<vmem_shared>>
    tpu.enqueue_indirect_dma source(%arg16 : memref<10000xf32, #tpu.memory_space<vmem>>) target(%dma_start3A_60 : memref<100000xf32, #tpu.memory_space<vmem_shared>>) offsets(%arg17 : memref<10000xi32, #tpu.memory_space<vmem>>) semaphore(%arg25 : memref<!tpu.dma_semaphore, #tpu.memory_space<semaphore_mem>>) {add = true}
    %dma_wait3A_61 = tpu.memref_slice %arg2[%multiple_of3A_37] : memref<1600000xf32, #tpu.memory_space<hbm>> -> memref<10000xf32, #tpu.memory_space<hbm>>
    %dma_wait3A_62 = tpu.memref_slice %arg2[%multiple_of3A_37] : memref<1600000xf32, #tpu.memory_space<hbm>> -> memref<10000xf32, #tpu.memory_space<hbm>>
    tpu.wait_dma2 semaphore(%arg24 : memref<!tpu.dma_semaphore, #tpu.memory_space<semaphore_mem>>) src(%dma_wait3A_62 : memref<10000xf32, #tpu.memory_space<hbm>>) dst(%arg18 : memref<10000xf32, #tpu.memory_space<vmem>>)
    %dma_wait3A_63 = tpu.memref_slice %arg3[%multiple_of3A_37] : memref<1600000xf32, #tpu.memory_space<hbm>> -> memref<10000xf32, #tpu.memory_space<hbm>>
    %dma_wait3A_64 = tpu.memref_slice %arg3[%multiple_of3A_37] : memref<1600000xf32, #tpu.memory_space<hbm>> -> memref<10000xf32, #tpu.memory_space<hbm>>
    tpu.wait_dma2 semaphore(%arg24 : memref<!tpu.dma_semaphore, #tpu.memory_space<semaphore_mem>>) src(%dma_wait3A_64 : memref<10000xf32, #tpu.memory_space<hbm>>) dst(%arg19 : memref<10000xf32, #tpu.memory_space<vmem>>)
    %dma_wait3A_65 = tpu.memref_slice %arg4[%multiple_of3A_37] : memref<1600000xf32, #tpu.memory_space<hbm>> -> memref<10000xf32, #tpu.memory_space<hbm>>
    %dma_wait3A_66 = tpu.memref_slice %arg4[%multiple_of3A_37] : memref<1600000xf32, #tpu.memory_space<hbm>> -> memref<10000xf32, #tpu.memory_space<hbm>>
    tpu.wait_dma2 semaphore(%arg24 : memref<!tpu.dma_semaphore, #tpu.memory_space<semaphore_mem>>) src(%dma_wait3A_66 : memref<10000xf32, #tpu.memory_space<hbm>>) dst(%arg20 : memref<10000xf32, #tpu.memory_space<vmem>>)
    %dma_wait3A_67 = tpu.memref_slice %arg5[%multiple_of3A_37] : memref<1600000xf32, #tpu.memory_space<hbm>> -> memref<10000xf32, #tpu.memory_space<hbm>>
    %dma_wait3A_68 = tpu.memref_slice %arg5[%multiple_of3A_37] : memref<1600000xf32, #tpu.memory_space<hbm>> -> memref<10000xf32, #tpu.memory_space<hbm>>
    tpu.wait_dma2 semaphore(%arg24 : memref<!tpu.dma_semaphore, #tpu.memory_space<semaphore_mem>>) src(%dma_wait3A_68 : memref<10000xf32, #tpu.memory_space<hbm>>) dst(%arg21 : memref<10000xf32, #tpu.memory_space<vmem>>)
    %dma_wait3A_69 = tpu.memref_slice %arg6[%multiple_of3A_37] : memref<1600000xi32, #tpu.memory_space<hbm>> -> memref<10000xi32, #tpu.memory_space<hbm>>
    %dma_wait3A_70 = tpu.memref_slice %arg6[%multiple_of3A_37] : memref<1600000xi32, #tpu.memory_space<hbm>> -> memref<10000xi32, #tpu.memory_space<hbm>>
    tpu.wait_dma2 semaphore(%arg24 : memref<!tpu.dma_semaphore, #tpu.memory_space<semaphore_mem>>) src(%dma_wait3A_70 : memref<10000xi32, #tpu.memory_space<hbm>>) dst(%arg22 : memref<10000xi32, #tpu.memory_space<vmem>>)
    %dma_wait3A_71 = arith.constant 0 : i32
    %dma_wait3A_72 = tpu.memref_slice %arg9[%dma_wait3A_71] : memref<100000xf32, #tpu.memory_space<vmem_shared>> -> memref<100000xf32, #tpu.memory_space<vmem_shared>>
    tpu.wait_indirect_dma semaphore(%arg25 : memref<!tpu.dma_semaphore, #tpu.memory_space<semaphore_mem>>) src(%arg13 : memref<10000xf32, #tpu.memory_space<vmem>>) dst(%dma_wait3A_72 : memref<100000xf32, #tpu.memory_space<vmem_shared>>)
    %dma_wait3A_73 = arith.constant 0 : i32
    %dma_wait3A_74 = tpu.memref_slice %arg10[%dma_wait3A_73] : memref<100000xf32, #tpu.memory_space<vmem_shared>> -> memref<100000xf32, #tpu.memory_space<vmem_shared>>
    tpu.wait_indirect_dma semaphore(%arg25 : memref<!tpu.dma_semaphore, #tpu.memory_space<semaphore_mem>>) src(%arg14 : memref<10000xf32, #tpu.memory_space<vmem>>) dst(%dma_wait3A_74 : memref<100000xf32, #tpu.memory_space<vmem_shared>>)
    %dma_wait3A_75 = arith.constant 0 : i32
    %dma_wait3A_76 = tpu.memref_slice %arg11[%dma_wait3A_75] : memref<100000xf32, #tpu.memory_space<vmem_shared>> -> memref<100000xf32, #tpu.memory_space<vmem_shared>>
    tpu.wait_indirect_dma semaphore(%arg25 : memref<!tpu.dma_semaphore, #tpu.memory_space<semaphore_mem>>) src(%arg15 : memref<10000xf32, #tpu.memory_space<vmem>>) dst(%dma_wait3A_76 : memref<100000xf32, #tpu.memory_space<vmem_shared>>)
    %dma_wait3A_77 = arith.constant 0 : i32
    %dma_wait3A_78 = tpu.memref_slice %arg12[%dma_wait3A_77] : memref<100000xf32, #tpu.memory_space<vmem_shared>> -> memref<100000xf32, #tpu.memory_space<vmem_shared>>
    tpu.wait_indirect_dma semaphore(%arg25 : memref<!tpu.dma_semaphore, #tpu.memory_space<semaphore_mem>>) src(%arg16 : memref<10000xf32, #tpu.memory_space<vmem>>) dst(%dma_wait3A_78 : memref<100000xf32, #tpu.memory_space<vmem_shared>>)
    %mul3A_79 = arith.constant 50000 : i32
    %mul3A_80 = arith.muli %add3A, %mul3A_79 : i32
    %add3A_81 = arith.constant 20000 : i32
    %add3A_82 = arith.addi %mul3A_80, %add3A_81 : i32
    %multiple_of3A_83 = tpu.assume_multiple %add3A_82, 8 : i32
    %dma_start3A_84 = tpu.memref_slice %arg2[%multiple_of3A_83] : memref<1600000xf32, #tpu.memory_space<hbm>> -> memref<10000xf32, #tpu.memory_space<hbm>>
    %dma_start3A_85 = tpu.memref_slice %arg2[%multiple_of3A_83] : memref<1600000xf32, #tpu.memory_space<hbm>> -> memref<10000xf32, #tpu.memory_space<hbm>>
    tpu.enqueue_dma source(%dma_start3A_85 : memref<10000xf32, #tpu.memory_space<hbm>>) target(%arg13 : memref<10000xf32, #tpu.memory_space<vmem>>) target_semaphore(%arg23 : memref<!tpu.dma_semaphore, #tpu.memory_space<semaphore_mem>>)
    %dma_start3A_86 = tpu.memref_slice %arg3[%multiple_of3A_83] : memref<1600000xf32, #tpu.memory_space<hbm>> -> memref<10000xf32, #tpu.memory_space<hbm>>
    %dma_start3A_87 = tpu.memref_slice %arg3[%multiple_of3A_83] : memref<1600000xf32, #tpu.memory_space<hbm>> -> memref<10000xf32, #tpu.memory_space<hbm>>
    tpu.enqueue_dma source(%dma_start3A_87 : memref<10000xf32, #tpu.memory_space<hbm>>) target(%arg14 : memref<10000xf32, #tpu.memory_space<vmem>>) target_semaphore(%arg23 : memref<!tpu.dma_semaphore, #tpu.memory_space<semaphore_mem>>)
    %dma_start3A_88 = tpu.memref_slice %arg4[%multiple_of3A_83] : memref<1600000xf32, #tpu.memory_space<hbm>> -> memref<10000xf32, #tpu.memory_space<hbm>>
    %dma_start3A_89 = tpu.memref_slice %arg4[%multiple_of3A_83] : memref<1600000xf32, #tpu.memory_space<hbm>> -> memref<10000xf32, #tpu.memory_space<hbm>>
    tpu.enqueue_dma source(%dma_start3A_89 : memref<10000xf32, #tpu.memory_space<hbm>>) target(%arg15 : memref<10000xf32, #tpu.memory_space<vmem>>) target_semaphore(%arg23 : memref<!tpu.dma_semaphore, #tpu.memory_space<semaphore_mem>>)
    %dma_start3A_90 = tpu.memref_slice %arg5[%multiple_of3A_83] : memref<1600000xf32, #tpu.memory_space<hbm>> -> memref<10000xf32, #tpu.memory_space<hbm>>
    %dma_start3A_91 = tpu.memref_slice %arg5[%multiple_of3A_83] : memref<1600000xf32, #tpu.memory_space<hbm>> -> memref<10000xf32, #tpu.memory_space<hbm>>
    tpu.enqueue_dma source(%dma_start3A_91 : memref<10000xf32, #tpu.memory_space<hbm>>) target(%arg16 : memref<10000xf32, #tpu.memory_space<vmem>>) target_semaphore(%arg23 : memref<!tpu.dma_semaphore, #tpu.memory_space<semaphore_mem>>)
    %dma_start3A_92 = tpu.memref_slice %arg6[%multiple_of3A_83] : memref<1600000xi32, #tpu.memory_space<hbm>> -> memref<10000xi32, #tpu.memory_space<hbm>>
    %dma_start3A_93 = tpu.memref_slice %arg6[%multiple_of3A_83] : memref<1600000xi32, #tpu.memory_space<hbm>> -> memref<10000xi32, #tpu.memory_space<hbm>>
    tpu.enqueue_dma source(%dma_start3A_93 : memref<10000xi32, #tpu.memory_space<hbm>>) target(%arg17 : memref<10000xi32, #tpu.memory_space<vmem>>) target_semaphore(%arg23 : memref<!tpu.dma_semaphore, #tpu.memory_space<semaphore_mem>>)
    %scan3A_94 = arith.constant 0 : i32
    %scan3A_95 = arith.constant 0 : i32
    %scan3A_96 = arith.constant 625 : i32
    %scan3A_97 = arith.addi %scan3A_95, %scan3A_96 : i32
    %scan3A_98 = arith.constant 1 : i32
    scf.for %scan3A_282 = %scan3A_95 to %scan3A_97 step %scan3A_98  : i32 {
      %mul3A_283 = arith.constant 16 : i32
      %mul3A_284 = arith.muli %scan3A_282, %mul3A_283 : i32
      %multiple_of3A_285 = tpu.assume_multiple %mul3A_284, 16 : i32
      %get3A = arith.index_cast %multiple_of3A_285 : i32 to index
      %get3A_286 = tpu.vector_load %arg18[%get3A] {strides = array<i32>} : memref<10000xf32, #tpu.memory_space<vmem>>, vector<16xf32>,
      %get3A_287 = arith.index_cast %multiple_of3A_285 : i32 to index
      %get3A_288 = tpu.vector_load %arg19[%get3A_287] {strides = array<i32>} : memref<10000xf32, #tpu.memory_space<vmem>>, vector<16xf32>,
      %mul3A_289 = arith.mulf %get3A_286, %get3A_288 : vector<16xf32>
      %swap3A = arith.index_cast %multiple_of3A_285 : i32 to index
      %swap3A_290 = tpu.vector_load %arg19[%swap3A] {strides = array<i32>} : memref<10000xf32, #tpu.memory_space<vmem>>, vector<16xf32>,
      tpu.vector_store %arg19[%swap3A], %mul3A_289 {strides = array<i32>} : memref<10000xf32, #tpu.memory_space<vmem>>, vector<16xf32>,
      %get3A_291 = arith.index_cast %multiple_of3A_285 : i32 to index
      %get3A_292 = tpu.vector_load %arg20[%get3A_291] {strides = array<i32>} : memref<10000xf32, #tpu.memory_space<vmem>>, vector<16xf32>,
      %mul3A_293 = arith.mulf %get3A_286, %get3A_292 : vector<16xf32>
      %swap3A_294 = arith.index_cast %multiple_of3A_285 : i32 to index
      %swap3A_295 = tpu.vector_load %arg20[%swap3A_294] {strides = array<i32>} : memref<10000xf32, #tpu.memory_space<vmem>>, vector<16xf32>,
      tpu.vector_store %arg20[%swap3A_294], %mul3A_293 {strides = array<i32>} : memref<10000xf32, #tpu.memory_space<vmem>>, vector<16xf32>,
      %get3A_296 = arith.index_cast %multiple_of3A_285 : i32 to index
      %get3A_297 = tpu.vector_load %arg21[%get3A_296] {strides = array<i32>} : memref<10000xf32, #tpu.memory_space<vmem>>, vector<16xf32>,
      %mul3A_298 = arith.mulf %get3A_286, %get3A_297 : vector<16xf32>
      %swap3A_299 = arith.index_cast %multiple_of3A_285 : i32 to index
      %swap3A_300 = tpu.vector_load %arg21[%swap3A_299] {strides = array<i32>} : memref<10000xf32, #tpu.memory_space<vmem>>, vector<16xf32>,
      tpu.vector_store %arg21[%swap3A_299], %mul3A_298 {strides = array<i32>} : memref<10000xf32, #tpu.memory_space<vmem>>, vector<16xf32>,
    }
    %scan3A_99 = arith.constant 625 : i32
    %dma_start3A_100 = arith.constant 0 : i32
    %dma_start3A_101 = tpu.memref_slice %arg9[%dma_start3A_100] : memref<100000xf32, #tpu.memory_space<vmem_shared>> -> memref<100000xf32, #tpu.memory_space<vmem_shared>>
    tpu.enqueue_indirect_dma source(%arg18 : memref<10000xf32, #tpu.memory_space<vmem>>) target(%dma_start3A_101 : memref<100000xf32, #tpu.memory_space<vmem_shared>>) offsets(%arg22 : memref<10000xi32, #tpu.memory_space<vmem>>) semaphore(%arg26 : memref<!tpu.dma_semaphore, #tpu.memory_space<semaphore_mem>>) {add = true}
    %dma_start3A_102 = arith.constant 0 : i32
    %dma_start3A_103 = tpu.memref_slice %arg10[%dma_start3A_102] : memref<100000xf32, #tpu.memory_space<vmem_shared>> -> memref<100000xf32, #tpu.memory_space<vmem_shared>>
    tpu.enqueue_indirect_dma source(%arg19 : memref<10000xf32, #tpu.memory_space<vmem>>) target(%dma_start3A_103 : memref<100000xf32, #tpu.memory_space<vmem_shared>>) offsets(%arg22 : memref<10000xi32, #tpu.memory_space<vmem>>) semaphore(%arg26 : memref<!tpu.dma_semaphore, #tpu.memory_space<semaphore_mem>>) {add = true}
    %dma_start3A_104 = arith.constant 0 : i32
    %dma_start3A_105 = tpu.memref_slice %arg11[%dma_start3A_104] : memref<100000xf32, #tpu.memory_space<vmem_shared>> -> memref<100000xf32, #tpu.memory_space<vmem_shared>>
    tpu.enqueue_indirect_dma source(%arg20 : memref<10000xf32, #tpu.memory_space<vmem>>) target(%dma_start3A_105 : memref<100000xf32, #tpu.memory_space<vmem_shared>>) offsets(%arg22 : memref<10000xi32, #tpu.memory_space<vmem>>) semaphore(%arg26 : memref<!tpu.dma_semaphore, #tpu.memory_space<semaphore_mem>>) {add = true}
    %dma_start3A_106 = arith.constant 0 : i32
    %dma_start3A_107 = tpu.memref_slice %arg12[%dma_start3A_106] : memref<100000xf32, #tpu.memory_space<vmem_shared>> -> memref<100000xf32, #tpu.memory_space<vmem_shared>>
    tpu.enqueue_indirect_dma source(%arg21 : memref<10000xf32, #tpu.memory_space<vmem>>) target(%dma_start3A_107 : memref<100000xf32, #tpu.memory_space<vmem_shared>>) offsets(%arg22 : memref<10000xi32, #tpu.memory_space<vmem>>) semaphore(%arg26 : memref<!tpu.dma_semaphore, #tpu.memory_space<semaphore_mem>>) {add = true}
    %dma_wait3A_108 = tpu.memref_slice %arg2[%multiple_of3A_83] : memref<1600000xf32, #tpu.memory_space<hbm>> -> memref<10000xf32, #tpu.memory_space<hbm>>
    %dma_wait3A_109 = tpu.memref_slice %arg2[%multiple_of3A_83] : memref<1600000xf32, #tpu.memory_space<hbm>> -> memref<10000xf32, #tpu.memory_space<hbm>>
    tpu.wait_dma2 semaphore(%arg23 : memref<!tpu.dma_semaphore, #tpu.memory_space<semaphore_mem>>) src(%dma_wait3A_109 : memref<10000xf32, #tpu.memory_space<hbm>>) dst(%arg13 : memref<10000xf32, #tpu.memory_space<vmem>>)
    %dma_wait3A_110 = tpu.memref_slice %arg3[%multiple_of3A_83] : memref<1600000xf32, #tpu.memory_space<hbm>> -> memref<10000xf32, #tpu.memory_space<hbm>>
    %dma_wait3A_111 = tpu.memref_slice %arg3[%multiple_of3A_83] : memref<1600000xf32, #tpu.memory_space<hbm>> -> memref<10000xf32, #tpu.memory_space<hbm>>
    tpu.wait_dma2 semaphore(%arg23 : memref<!tpu.dma_semaphore, #tpu.memory_space<semaphore_mem>>) src(%dma_wait3A_111 : memref<10000xf32, #tpu.memory_space<hbm>>) dst(%arg14 : memref<10000xf32, #tpu.memory_space<vmem>>)
    %dma_wait3A_112 = tpu.memref_slice %arg4[%multiple_of3A_83] : memref<1600000xf32, #tpu.memory_space<hbm>> -> memref<10000xf32, #tpu.memory_space<hbm>>
    %dma_wait3A_113 = tpu.memref_slice %arg4[%multiple_of3A_83] : memref<1600000xf32, #tpu.memory_space<hbm>> -> memref<10000xf32, #tpu.memory_space<hbm>>
    tpu.wait_dma2 semaphore(%arg23 : memref<!tpu.dma_semaphore, #tpu.memory_space<semaphore_mem>>) src(%dma_wait3A_113 : memref<10000xf32, #tpu.memory_space<hbm>>) dst(%arg15 : memref<10000xf32, #tpu.memory_space<vmem>>)
    %dma_wait3A_114 = tpu.memref_slice %arg5[%multiple_of3A_83] : memref<1600000xf32, #tpu.memory_space<hbm>> -> memref<10000xf32, #tpu.memory_space<hbm>>
    %dma_wait3A_115 = tpu.memref_slice %arg5[%multiple_of3A_83] : memref<1600000xf32, #tpu.memory_space<hbm>> -> memref<10000xf32, #tpu.memory_space<hbm>>
    tpu.wait_dma2 semaphore(%arg23 : memref<!tpu.dma_semaphore, #tpu.memory_space<semaphore_mem>>) src(%dma_wait3A_115 : memref<10000xf32, #tpu.memory_space<hbm>>) dst(%arg16 : memref<10000xf32, #tpu.memory_space<vmem>>)
    %dma_wait3A_116 = tpu.memref_slice %arg6[%multiple_of3A_83] : memref<1600000xi32, #tpu.memory_space<hbm>> -> memref<10000xi32, #tpu.memory_space<hbm>>
    %dma_wait3A_117 = tpu.memref_slice %arg6[%multiple_of3A_83] : memref<1600000xi32, #tpu.memory_space<hbm>> -> memref<10000xi32, #tpu.memory_space<hbm>>
    tpu.wait_dma2 semaphore(%arg23 : memref<!tpu.dma_semaphore, #tpu.memory_space<semaphore_mem>>) src(%dma_wait3A_117 : memref<10000xi32, #tpu.memory_space<hbm>>) dst(%arg17 : memref<10000xi32, #tpu.memory_space<vmem>>)
    %dma_wait3A_118 = arith.constant 0 : i32
    %dma_wait3A_119 = tpu.memref_slice %arg9[%dma_wait3A_118] : memref<100000xf32, #tpu.memory_space<vmem_shared>> -> memref<100000xf32, #tpu.memory_space<vmem_shared>>
    tpu.wait_indirect_dma semaphore(%arg26 : memref<!tpu.dma_semaphore, #tpu.memory_space<semaphore_mem>>) src(%arg18 : memref<10000xf32, #tpu.memory_space<vmem>>) dst(%dma_wait3A_119 : memref<100000xf32, #tpu.memory_space<vmem_shared>>)
    %dma_wait3A_120 = arith.constant 0 : i32
    %dma_wait3A_121 = tpu.memref_slice %arg10[%dma_wait3A_120] : memref<100000xf32, #tpu.memory_space<vmem_shared>> -> memref<100000xf32, #tpu.memory_space<vmem_shared>>
    tpu.wait_indirect_dma semaphore(%arg26 : memref<!tpu.dma_semaphore, #tpu.memory_space<semaphore_mem>>) src(%arg19 : memref<10000xf32, #tpu.memory_space<vmem>>) dst(%dma_wait3A_121 : memref<100000xf32, #tpu.memory_space<vmem_shared>>)
    %dma_wait3A_122 = arith.constant 0 : i32
    %dma_wait3A_123 = tpu.memref_slice %arg11[%dma_wait3A_122] : memref<100000xf32, #tpu.memory_space<vmem_shared>> -> memref<100000xf32, #tpu.memory_space<vmem_shared>>
    tpu.wait_indirect_dma semaphore(%arg26 : memref<!tpu.dma_semaphore, #tpu.memory_space<semaphore_mem>>) src(%arg20 : memref<10000xf32, #tpu.memory_space<vmem>>) dst(%dma_wait3A_123 : memref<100000xf32, #tpu.memory_space<vmem_shared>>)
    %dma_wait3A_124 = arith.constant 0 : i32
    %dma_wait3A_125 = tpu.memref_slice %arg12[%dma_wait3A_124] : memref<100000xf32, #tpu.memory_space<vmem_shared>> -> memref<100000xf32, #tpu.memory_space<vmem_shared>>
    tpu.wait_indirect_dma semaphore(%arg26 : memref<!tpu.dma_semaphore, #tpu.memory_space<semaphore_mem>>) src(%arg21 : memref<10000xf32, #tpu.memory_space<vmem>>) dst(%dma_wait3A_125 : memref<100000xf32, #tpu.memory_space<vmem_shared>>)
    %mul3A_126 = arith.constant 50000 : i32
    %mul3A_127 = arith.muli %add3A, %mul3A_126 : i32
    %add3A_128 = arith.constant 30000 : i32
    %add3A_129 = arith.addi %mul3A_127, %add3A_128 : i32
    %multiple_of3A_130 = tpu.assume_multiple %add3A_129, 8 : i32
    %dma_start3A_131 = tpu.memref_slice %arg2[%multiple_of3A_130] : memref<1600000xf32, #tpu.memory_space<hbm>> -> memref<10000xf32, #tpu.memory_space<hbm>>
    %dma_start3A_132 = tpu.memref_slice %arg2[%multiple_of3A_130] : memref<1600000xf32, #tpu.memory_space<hbm>> -> memref<10000xf32, #tpu.memory_space<hbm>>
    tpu.enqueue_dma source(%dma_start3A_132 : memref<10000xf32, #tpu.memory_space<hbm>>) target(%arg18 : memref<10000xf32, #tpu.memory_space<vmem>>) target_semaphore(%arg24 : memref<!tpu.dma_semaphore, #tpu.memory_space<semaphore_mem>>)
    %dma_start3A_133 = tpu.memref_slice %arg3[%multiple_of3A_130] : memref<1600000xf32, #tpu.memory_space<hbm>> -> memref<10000xf32, #tpu.memory_space<hbm>>
    %dma_start3A_134 = tpu.memref_slice %arg3[%multiple_of3A_130] : memref<1600000xf32, #tpu.memory_space<hbm>> -> memref<10000xf32, #tpu.memory_space<hbm>>
    tpu.enqueue_dma source(%dma_start3A_134 : memref<10000xf32, #tpu.memory_space<hbm>>) target(%arg19 : memref<10000xf32, #tpu.memory_space<vmem>>) target_semaphore(%arg24 : memref<!tpu.dma_semaphore, #tpu.memory_space<semaphore_mem>>)
    %dma_start3A_135 = tpu.memref_slice %arg4[%multiple_of3A_130] : memref<1600000xf32, #tpu.memory_space<hbm>> -> memref<10000xf32, #tpu.memory_space<hbm>>
    %dma_start3A_136 = tpu.memref_slice %arg4[%multiple_of3A_130] : memref<1600000xf32, #tpu.memory_space<hbm>> -> memref<10000xf32, #tpu.memory_space<hbm>>
    tpu.enqueue_dma source(%dma_start3A_136 : memref<10000xf32, #tpu.memory_space<hbm>>) target(%arg20 : memref<10000xf32, #tpu.memory_space<vmem>>) target_semaphore(%arg24 : memref<!tpu.dma_semaphore, #tpu.memory_space<semaphore_mem>>)
    %dma_start3A_137 = tpu.memref_slice %arg5[%multiple_of3A_130] : memref<1600000xf32, #tpu.memory_space<hbm>> -> memref<10000xf32, #tpu.memory_space<hbm>>
    %dma_start3A_138 = tpu.memref_slice %arg5[%multiple_of3A_130] : memref<1600000xf32, #tpu.memory_space<hbm>> -> memref<10000xf32, #tpu.memory_space<hbm>>
    tpu.enqueue_dma source(%dma_start3A_138 : memref<10000xf32, #tpu.memory_space<hbm>>) target(%arg21 : memref<10000xf32, #tpu.memory_space<vmem>>) target_semaphore(%arg24 : memref<!tpu.dma_semaphore, #tpu.memory_space<semaphore_mem>>)
    %dma_start3A_139 = tpu.memref_slice %arg6[%multiple_of3A_130] : memref<1600000xi32, #tpu.memory_space<hbm>> -> memref<10000xi32, #tpu.memory_space<hbm>>
    %dma_start3A_140 = tpu.memref_slice %arg6[%multiple_of3A_130] : memref<1600000xi32, #tpu.memory_space<hbm>> -> memref<10000xi32, #tpu.memory_space<hbm>>
    tpu.enqueue_dma source(%dma_start3A_140 : memref<10000xi32, #tpu.memory_space<hbm>>) target(%arg22 : memref<10000xi32, #tpu.memory_space<vmem>>) target_semaphore(%arg24 : memref<!tpu.dma_semaphore, #tpu.memory_space<semaphore_mem>>)
    %scan3A_141 = arith.constant 0 : i32
    %scan3A_142 = arith.constant 0 : i32
    %scan3A_143 = arith.constant 625 : i32
    %scan3A_144 = arith.addi %scan3A_142, %scan3A_143 : i32
    %scan3A_145 = arith.constant 1 : i32
    scf.for %scan3A_282 = %scan3A_142 to %scan3A_144 step %scan3A_145  : i32 {
      %mul3A_283 = arith.constant 16 : i32
      %mul3A_284 = arith.muli %scan3A_282, %mul3A_283 : i32
      %multiple_of3A_285 = tpu.assume_multiple %mul3A_284, 16 : i32
      %get3A = arith.index_cast %multiple_of3A_285 : i32 to index
      %get3A_286 = tpu.vector_load %arg13[%get3A] {strides = array<i32>} : memref<10000xf32, #tpu.memory_space<vmem>>, vector<16xf32>,
      %get3A_287 = arith.index_cast %multiple_of3A_285 : i32 to index
      %get3A_288 = tpu.vector_load %arg14[%get3A_287] {strides = array<i32>} : memref<10000xf32, #tpu.memory_space<vmem>>, vector<16xf32>,
      %mul3A_289 = arith.mulf %get3A_286, %get3A_288 : vector<16xf32>
      %swap3A = arith.index_cast %multiple_of3A_285 : i32 to index
      %swap3A_290 = tpu.vector_load %arg14[%swap3A] {strides = array<i32>} : memref<10000xf32, #tpu.memory_space<vmem>>, vector<16xf32>,
      tpu.vector_store %arg14[%swap3A], %mul3A_289 {strides = array<i32>} : memref<10000xf32, #tpu.memory_space<vmem>>, vector<16xf32>,
      %get3A_291 = arith.index_cast %multiple_of3A_285 : i32 to index
      %get3A_292 = tpu.vector_load %arg15[%get3A_291] {strides = array<i32>} : memref<10000xf32, #tpu.memory_space<vmem>>, vector<16xf32>,
      %mul3A_293 = arith.mulf %get3A_286, %get3A_292 : vector<16xf32>
      %swap3A_294 = arith.index_cast %multiple_of3A_285 : i32 to index
      %swap3A_295 = tpu.vector_load %arg15[%swap3A_294] {strides = array<i32>} : memref<10000xf32, #tpu.memory_space<vmem>>, vector<16xf32>,
      tpu.vector_store %arg15[%swap3A_294], %mul3A_293 {strides = array<i32>} : memref<10000xf32, #tpu.memory_space<vmem>>, vector<16xf32>,
      %get3A_296 = arith.index_cast %multiple_of3A_285 : i32 to index
      %get3A_297 = tpu.vector_load %arg16[%get3A_296] {strides = array<i32>} : memref<10000xf32, #tpu.memory_space<vmem>>, vector<16xf32>,
      %mul3A_298 = arith.mulf %get3A_286, %get3A_297 : vector<16xf32>
      %swap3A_299 = arith.index_cast %multiple_of3A_285 : i32 to index
      %swap3A_300 = tpu.vector_load %arg16[%swap3A_299] {strides = array<i32>} : memref<10000xf32, #tpu.memory_space<vmem>>, vector<16xf32>,
      tpu.vector_store %arg16[%swap3A_299], %mul3A_298 {strides = array<i32>} : memref<10000xf32, #tpu.memory_space<vmem>>, vector<16xf32>,
    }
    %scan3A_146 = arith.constant 625 : i32
    %dma_start3A_147 = arith.constant 0 : i32
    %dma_start3A_148 = tpu.memref_slice %arg9[%dma_start3A_147] : memref<100000xf32, #tpu.memory_space<vmem_shared>> -> memref<100000xf32, #tpu.memory_space<vmem_shared>>
    tpu.enqueue_indirect_dma source(%arg13 : memref<10000xf32, #tpu.memory_space<vmem>>) target(%dma_start3A_148 : memref<100000xf32, #tpu.memory_space<vmem_shared>>) offsets(%arg17 : memref<10000xi32, #tpu.memory_space<vmem>>) semaphore(%arg25 : memref<!tpu.dma_semaphore, #tpu.memory_space<semaphore_mem>>) {add = true}
    %dma_start3A_149 = arith.constant 0 : i32
    %dma_start3A_150 = tpu.memref_slice %arg10[%dma_start3A_149] : memref<100000xf32, #tpu.memory_space<vmem_shared>> -> memref<100000xf32, #tpu.memory_space<vmem_shared>>
    tpu.enqueue_indirect_dma source(%arg14 : memref<10000xf32, #tpu.memory_space<vmem>>) target(%dma_start3A_150 : memref<100000xf32, #tpu.memory_space<vmem_shared>>) offsets(%arg17 : memref<10000xi32, #tpu.memory_space<vmem>>) semaphore(%arg25 : memref<!tpu.dma_semaphore, #tpu.memory_space<semaphore_mem>>) {add = true}
    %dma_start3A_151 = arith.constant 0 : i32
    %dma_start3A_152 = tpu.memref_slice %arg11[%dma_start3A_151] : memref<100000xf32, #tpu.memory_space<vmem_shared>> -> memref<100000xf32, #tpu.memory_space<vmem_shared>>
    tpu.enqueue_indirect_dma source(%arg15 : memref<10000xf32, #tpu.memory_space<vmem>>) target(%dma_start3A_152 : memref<100000xf32, #tpu.memory_space<vmem_shared>>) offsets(%arg17 : memref<10000xi32, #tpu.memory_space<vmem>>) semaphore(%arg25 : memref<!tpu.dma_semaphore, #tpu.memory_space<semaphore_mem>>) {add = true}
    %dma_start3A_153 = arith.constant 0 : i32
    %dma_start3A_154 = tpu.memref_slice %arg12[%dma_start3A_153] : memref<100000xf32, #tpu.memory_space<vmem_shared>> -> memref<100000xf32, #tpu.memory_space<vmem_shared>>
    tpu.enqueue_indirect_dma source(%arg16 : memref<10000xf32, #tpu.memory_space<vmem>>) target(%dma_start3A_154 : memref<100000xf32, #tpu.memory_space<vmem_shared>>) offsets(%arg17 : memref<10000xi32, #tpu.memory_space<vmem>>) semaphore(%arg25 : memref<!tpu.dma_semaphore, #tpu.memory_space<semaphore_mem>>) {add = true}
    %dma_wait3A_155 = tpu.memref_slice %arg2[%multiple_of3A_130] : memref<1600000xf32, #tpu.memory_space<hbm>> -> memref<10000xf32, #tpu.memory_space<hbm>>
    %dma_wait3A_156 = tpu.memref_slice %arg2[%multiple_of3A_130] : memref<1600000xf32, #tpu.memory_space<hbm>> -> memref<10000xf32, #tpu.memory_space<hbm>>
    tpu.wait_dma2 semaphore(%arg24 : memref<!tpu.dma_semaphore, #tpu.memory_space<semaphore_mem>>) src(%dma_wait3A_156 : memref<10000xf32, #tpu.memory_space<hbm>>) dst(%arg18 : memref<10000xf32, #tpu.memory_space<vmem>>)
    %dma_wait3A_157 = tpu.memref_slice %arg3[%multiple_of3A_130] : memref<1600000xf32, #tpu.memory_space<hbm>> -> memref<10000xf32, #tpu.memory_space<hbm>>
    %dma_wait3A_158 = tpu.memref_slice %arg3[%multiple_of3A_130] : memref<1600000xf32, #tpu.memory_space<hbm>> -> memref<10000xf32, #tpu.memory_space<hbm>>
    tpu.wait_dma2 semaphore(%arg24 : memref<!tpu.dma_semaphore, #tpu.memory_space<semaphore_mem>>) src(%dma_wait3A_158 : memref<10000xf32, #tpu.memory_space<hbm>>) dst(%arg19 : memref<10000xf32, #tpu.memory_space<vmem>>)
    %dma_wait3A_159 = tpu.memref_slice %arg4[%multiple_of3A_130] : memref<1600000xf32, #tpu.memory_space<hbm>> -> memref<10000xf32, #tpu.memory_space<hbm>>
    %dma_wait3A_160 = tpu.memref_slice %arg4[%multiple_of3A_130] : memref<1600000xf32, #tpu.memory_space<hbm>> -> memref<10000xf32, #tpu.memory_space<hbm>>
    tpu.wait_dma2 semaphore(%arg24 : memref<!tpu.dma_semaphore, #tpu.memory_space<semaphore_mem>>) src(%dma_wait3A_160 : memref<10000xf32, #tpu.memory_space<hbm>>) dst(%arg20 : memref<10000xf32, #tpu.memory_space<vmem>>)
    %dma_wait3A_161 = tpu.memref_slice %arg5[%multiple_of3A_130] : memref<1600000xf32, #tpu.memory_space<hbm>> -> memref<10000xf32, #tpu.memory_space<hbm>>
    %dma_wait3A_162 = tpu.memref_slice %arg5[%multiple_of3A_130] : memref<1600000xf32, #tpu.memory_space<hbm>> -> memref<10000xf32, #tpu.memory_space<hbm>>
    tpu.wait_dma2 semaphore(%arg24 : memref<!tpu.dma_semaphore, #tpu.memory_space<semaphore_mem>>) src(%dma_wait3A_162 : memref<10000xf32, #tpu.memory_space<hbm>>) dst(%arg21 : memref<10000xf32, #tpu.memory_space<vmem>>)
    %dma_wait3A_163 = tpu.memref_slice %arg6[%multiple_of3A_130] : memref<1600000xi32, #tpu.memory_space<hbm>> -> memref<10000xi32, #tpu.memory_space<hbm>>
    %dma_wait3A_164 = tpu.memref_slice %arg6[%multiple_of3A_130] : memref<1600000xi32, #tpu.memory_space<hbm>> -> memref<10000xi32, #tpu.memory_space<hbm>>
    tpu.wait_dma2 semaphore(%arg24 : memref<!tpu.dma_semaphore, #tpu.memory_space<semaphore_mem>>) src(%dma_wait3A_164 : memref<10000xi32, #tpu.memory_space<hbm>>) dst(%arg22 : memref<10000xi32, #tpu.memory_space<vmem>>)
    %dma_wait3A_165 = arith.constant 0 : i32
    %dma_wait3A_166 = tpu.memref_slice %arg9[%dma_wait3A_165] : memref<100000xf32, #tpu.memory_space<vmem_shared>> -> memref<100000xf32, #tpu.memory_space<vmem_shared>>
    tpu.wait_indirect_dma semaphore(%arg25 : memref<!tpu.dma_semaphore, #tpu.memory_space<semaphore_mem>>) src(%arg13 : memref<10000xf32, #tpu.memory_space<vmem>>) dst(%dma_wait3A_166 : memref<100000xf32, #tpu.memory_space<vmem_shared>>)
    %dma_wait3A_167 = arith.constant 0 : i32
    %dma_wait3A_168 = tpu.memref_slice %arg10[%dma_wait3A_167] : memref<100000xf32, #tpu.memory_space<vmem_shared>> -> memref<100000xf32, #tpu.memory_space<vmem_shared>>
    tpu.wait_indirect_dma semaphore(%arg25 : memref<!tpu.dma_semaphore, #tpu.memory_space<semaphore_mem>>) src(%arg14 : memref<10000xf32, #tpu.memory_space<vmem>>) dst(%dma_wait3A_168 : memref<100000xf32, #tpu.memory_space<vmem_shared>>)
    %dma_wait3A_169 = arith.constant 0 : i32
    %dma_wait3A_170 = tpu.memref_slice %arg11[%dma_wait3A_169] : memref<100000xf32, #tpu.memory_space<vmem_shared>> -> memref<100000xf32, #tpu.memory_space<vmem_shared>>
    tpu.wait_indirect_dma semaphore(%arg25 : memref<!tpu.dma_semaphore, #tpu.memory_space<semaphore_mem>>) src(%arg15 : memref<10000xf32, #tpu.memory_space<vmem>>) dst(%dma_wait3A_170 : memref<100000xf32, #tpu.memory_space<vmem_shared>>)
    %dma_wait3A_171 = arith.constant 0 : i32
    %dma_wait3A_172 = tpu.memref_slice %arg12[%dma_wait3A_171] : memref<100000xf32, #tpu.memory_space<vmem_shared>> -> memref<100000xf32, #tpu.memory_space<vmem_shared>>
    tpu.wait_indirect_dma semaphore(%arg25 : memref<!tpu.dma_semaphore, #tpu.memory_space<semaphore_mem>>) src(%arg16 : memref<10000xf32, #tpu.memory_space<vmem>>) dst(%dma_wait3A_172 : memref<100000xf32, #tpu.memory_space<vmem_shared>>)
    %mul3A_173 = arith.constant 50000 : i32
    %mul3A_174 = arith.muli %add3A, %mul3A_173 : i32
    %add3A_175 = arith.constant 40000 : i32
    %add3A_176 = arith.addi %mul3A_174, %add3A_175 : i32
    %multiple_of3A_177 = tpu.assume_multiple %add3A_176, 8 : i32
    %dma_start3A_178 = tpu.memref_slice %arg2[%multiple_of3A_177] : memref<1600000xf32, #tpu.memory_space<hbm>> -> memref<10000xf32, #tpu.memory_space<hbm>>
    %dma_start3A_179 = tpu.memref_slice %arg2[%multiple_of3A_177] : memref<1600000xf32, #tpu.memory_space<hbm>> -> memref<10000xf32, #tpu.memory_space<hbm>>
    tpu.enqueue_dma source(%dma_start3A_179 : memref<10000xf32, #tpu.memory_space<hbm>>) target(%arg13 : memref<10000xf32, #tpu.memory_space<vmem>>) target_semaphore(%arg23 : memref<!tpu.dma_semaphore, #tpu.memory_space<semaphore_mem>>)
    %dma_start3A_180 = tpu.memref_slice %arg3[%multiple_of3A_177] : memref<1600000xf32, #tpu.memory_space<hbm>> -> memref<10000xf32, #tpu.memory_space<hbm>>
    %dma_start3A_181 = tpu.memref_slice %arg3[%multiple_of3A_177] : memref<1600000xf32, #tpu.memory_space<hbm>> -> memref<10000xf32, #tpu.memory_space<hbm>>
    tpu.enqueue_dma source(%dma_start3A_181 : memref<10000xf32, #tpu.memory_space<hbm>>) target(%arg14 : memref<10000xf32, #tpu.memory_space<vmem>>) target_semaphore(%arg23 : memref<!tpu.dma_semaphore, #tpu.memory_space<semaphore_mem>>)
    %dma_start3A_182 = tpu.memref_slice %arg4[%multiple_of3A_177] : memref<1600000xf32, #tpu.memory_space<hbm>> -> memref<10000xf32, #tpu.memory_space<hbm>>
    %dma_start3A_183 = tpu.memref_slice %arg4[%multiple_of3A_177] : memref<1600000xf32, #tpu.memory_space<hbm>> -> memref<10000xf32, #tpu.memory_space<hbm>>
    tpu.enqueue_dma source(%dma_start3A_183 : memref<10000xf32, #tpu.memory_space<hbm>>) target(%arg15 : memref<10000xf32, #tpu.memory_space<vmem>>) target_semaphore(%arg23 : memref<!tpu.dma_semaphore, #tpu.memory_space<semaphore_mem>>)
    %dma_start3A_184 = tpu.memref_slice %arg5[%multiple_of3A_177] : memref<1600000xf32, #tpu.memory_space<hbm>> -> memref<10000xf32, #tpu.memory_space<hbm>>
    %dma_start3A_185 = tpu.memref_slice %arg5[%multiple_of3A_177] : memref<1600000xf32, #tpu.memory_space<hbm>> -> memref<10000xf32, #tpu.memory_space<hbm>>
    tpu.enqueue_dma source(%dma_start3A_185 : memref<10000xf32, #tpu.memory_space<hbm>>) target(%arg16 : memref<10000xf32, #tpu.memory_space<vmem>>) target_semaphore(%arg23 : memref<!tpu.dma_semaphore, #tpu.memory_space<semaphore_mem>>)
    %dma_start3A_186 = tpu.memref_slice %arg6[%multiple_of3A_177] : memref<1600000xi32, #tpu.memory_space<hbm>> -> memref<10000xi32, #tpu.memory_space<hbm>>
    %dma_start3A_187 = tpu.memref_slice %arg6[%multiple_of3A_177] : memref<1600000xi32, #tpu.memory_space<hbm>> -> memref<10000xi32, #tpu.memory_space<hbm>>
    tpu.enqueue_dma source(%dma_start3A_187 : memref<10000xi32, #tpu.memory_space<hbm>>) target(%arg17 : memref<10000xi32, #tpu.memory_space<vmem>>) target_semaphore(%arg23 : memref<!tpu.dma_semaphore, #tpu.memory_space<semaphore_mem>>)
    %scan3A_188 = arith.constant 0 : i32
    %scan3A_189 = arith.constant 0 : i32
    %scan3A_190 = arith.constant 625 : i32
    %scan3A_191 = arith.addi %scan3A_189, %scan3A_190 : i32
    %scan3A_192 = arith.constant 1 : i32
    scf.for %scan3A_282 = %scan3A_189 to %scan3A_191 step %scan3A_192  : i32 {
      %mul3A_283 = arith.constant 16 : i32
      %mul3A_284 = arith.muli %scan3A_282, %mul3A_283 : i32
      %multiple_of3A_285 = tpu.assume_multiple %mul3A_284, 16 : i32
      %get3A = arith.index_cast %multiple_of3A_285 : i32 to index
      %get3A_286 = tpu.vector_load %arg18[%get3A] {strides = array<i32>} : memref<10000xf32, #tpu.memory_space<vmem>>, vector<16xf32>,
      %get3A_287 = arith.index_cast %multiple_of3A_285 : i32 to index
      %get3A_288 = tpu.vector_load %arg19[%get3A_287] {strides = array<i32>} : memref<10000xf32, #tpu.memory_space<vmem>>, vector<16xf32>,
      %mul3A_289 = arith.mulf %get3A_286, %get3A_288 : vector<16xf32>
      %swap3A = arith.index_cast %multiple_of3A_285 : i32 to index
      %swap3A_290 = tpu.vector_load %arg19[%swap3A] {strides = array<i32>} : memref<10000xf32, #tpu.memory_space<vmem>>, vector<16xf32>,
      tpu.vector_store %arg19[%swap3A], %mul3A_289 {strides = array<i32>} : memref<10000xf32, #tpu.memory_space<vmem>>, vector<16xf32>,
      %get3A_291 = arith.index_cast %multiple_of3A_285 : i32 to index
      %get3A_292 = tpu.vector_load %arg20[%get3A_291] {strides = array<i32>} : memref<10000xf32, #tpu.memory_space<vmem>>, vector<16xf32>,
      %mul3A_293 = arith.mulf %get3A_286, %get3A_292 : vector<16xf32>
      %swap3A_294 = arith.index_cast %multiple_of3A_285 : i32 to index
      %swap3A_295 = tpu.vector_load %arg20[%swap3A_294] {strides = array<i32>} : memref<10000xf32, #tpu.memory_space<vmem>>, vector<16xf32>,
      tpu.vector_store %arg20[%swap3A_294], %mul3A_293 {strides = array<i32>} : memref<10000xf32, #tpu.memory_space<vmem>>, vector<16xf32>,
      %get3A_296 = arith.index_cast %multiple_of3A_285 : i32 to index
      %get3A_297 = tpu.vector_load %arg21[%get3A_296] {strides = array<i32>} : memref<10000xf32, #tpu.memory_space<vmem>>, vector<16xf32>,
      %mul3A_298 = arith.mulf %get3A_286, %get3A_297 : vector<16xf32>
      %swap3A_299 = arith.index_cast %multiple_of3A_285 : i32 to index
      %swap3A_300 = tpu.vector_load %arg21[%swap3A_299] {strides = array<i32>} : memref<10000xf32, #tpu.memory_space<vmem>>, vector<16xf32>,
      tpu.vector_store %arg21[%swap3A_299], %mul3A_298 {strides = array<i32>} : memref<10000xf32, #tpu.memory_space<vmem>>, vector<16xf32>,
    }
    %scan3A_193 = arith.constant 625 : i32
    %dma_start3A_194 = arith.constant 0 : i32
    %dma_start3A_195 = tpu.memref_slice %arg9[%dma_start3A_194] : memref<100000xf32, #tpu.memory_space<vmem_shared>> -> memref<100000xf32, #tpu.memory_space<vmem_shared>>
    tpu.enqueue_indirect_dma source(%arg18 : memref<10000xf32, #tpu.memory_space<vmem>>) target(%dma_start3A_195 : memref<100000xf32, #tpu.memory_space<vmem_shared>>) offsets(%arg22 : memref<10000xi32, #tpu.memory_space<vmem>>) semaphore(%arg26 : memref<!tpu.dma_semaphore, #tpu.memory_space<semaphore_mem>>) {add = true}
    %dma_start3A_196 = arith.constant 0 : i32
    %dma_start3A_197 = tpu.memref_slice %arg10[%dma_start3A_196] : memref<100000xf32, #tpu.memory_space<vmem_shared>> -> memref<100000xf32, #tpu.memory_space<vmem_shared>>
    tpu.enqueue_indirect_dma source(%arg19 : memref<10000xf32, #tpu.memory_space<vmem>>) target(%dma_start3A_197 : memref<100000xf32, #tpu.memory_space<vmem_shared>>) offsets(%arg22 : memref<10000xi32, #tpu.memory_space<vmem>>) semaphore(%arg26 : memref<!tpu.dma_semaphore, #tpu.memory_space<semaphore_mem>>) {add = true}
    %dma_start3A_198 = arith.constant 0 : i32
    %dma_start3A_199 = tpu.memref_slice %arg11[%dma_start3A_198] : memref<100000xf32, #tpu.memory_space<vmem_shared>> -> memref<100000xf32, #tpu.memory_space<vmem_shared>>
    tpu.enqueue_indirect_dma source(%arg20 : memref<10000xf32, #tpu.memory_space<vmem>>) target(%dma_start3A_199 : memref<100000xf32, #tpu.memory_space<vmem_shared>>) offsets(%arg22 : memref<10000xi32, #tpu.memory_space<vmem>>) semaphore(%arg26 : memref<!tpu.dma_semaphore, #tpu.memory_space<semaphore_mem>>) {add = true}
    %dma_start3A_200 = arith.constant 0 : i32
    %dma_start3A_201 = tpu.memref_slice %arg12[%dma_start3A_200] : memref<100000xf32, #tpu.memory_space<vmem_shared>> -> memref<100000xf32, #tpu.memory_space<vmem_shared>>
    tpu.enqueue_indirect_dma source(%arg21 : memref<10000xf32, #tpu.memory_space<vmem>>) target(%dma_start3A_201 : memref<100000xf32, #tpu.memory_space<vmem_shared>>) offsets(%arg22 : memref<10000xi32, #tpu.memory_space<vmem>>) semaphore(%arg26 : memref<!tpu.dma_semaphore, #tpu.memory_space<semaphore_mem>>) {add = true}
    %dma_wait3A_202 = tpu.memref_slice %arg2[%multiple_of3A_177] : memref<1600000xf32, #tpu.memory_space<hbm>> -> memref<10000xf32, #tpu.memory_space<hbm>>
    %dma_wait3A_203 = tpu.memref_slice %arg2[%multiple_of3A_177] : memref<1600000xf32, #tpu.memory_space<hbm>> -> memref<10000xf32, #tpu.memory_space<hbm>>
    tpu.wait_dma2 semaphore(%arg23 : memref<!tpu.dma_semaphore, #tpu.memory_space<semaphore_mem>>) src(%dma_wait3A_203 : memref<10000xf32, #tpu.memory_space<hbm>>) dst(%arg13 : memref<10000xf32, #tpu.memory_space<vmem>>)
    %dma_wait3A_204 = tpu.memref_slice %arg3[%multiple_of3A_177] : memref<1600000xf32, #tpu.memory_space<hbm>> -> memref<10000xf32, #tpu.memory_space<hbm>>
    %dma_wait3A_205 = tpu.memref_slice %arg3[%multiple_of3A_177] : memref<1600000xf32, #tpu.memory_space<hbm>> -> memref<10000xf32, #tpu.memory_space<hbm>>
    tpu.wait_dma2 semaphore(%arg23 : memref<!tpu.dma_semaphore, #tpu.memory_space<semaphore_mem>>) src(%dma_wait3A_205 : memref<10000xf32, #tpu.memory_space<hbm>>) dst(%arg14 : memref<10000xf32, #tpu.memory_space<vmem>>)
    %dma_wait3A_206 = tpu.memref_slice %arg4[%multiple_of3A_177] : memref<1600000xf32, #tpu.memory_space<hbm>> -> memref<10000xf32, #tpu.memory_space<hbm>>
    %dma_wait3A_207 = tpu.memref_slice %arg4[%multiple_of3A_177] : memref<1600000xf32, #tpu.memory_space<hbm>> -> memref<10000xf32, #tpu.memory_space<hbm>>
    tpu.wait_dma2 semaphore(%arg23 : memref<!tpu.dma_semaphore, #tpu.memory_space<semaphore_mem>>) src(%dma_wait3A_207 : memref<10000xf32, #tpu.memory_space<hbm>>) dst(%arg15 : memref<10000xf32, #tpu.memory_space<vmem>>)
    %dma_wait3A_208 = tpu.memref_slice %arg5[%multiple_of3A_177] : memref<1600000xf32, #tpu.memory_space<hbm>> -> memref<10000xf32, #tpu.memory_space<hbm>>
    %dma_wait3A_209 = tpu.memref_slice %arg5[%multiple_of3A_177] : memref<1600000xf32, #tpu.memory_space<hbm>> -> memref<10000xf32, #tpu.memory_space<hbm>>
    tpu.wait_dma2 semaphore(%arg23 : memref<!tpu.dma_semaphore, #tpu.memory_space<semaphore_mem>>) src(%dma_wait3A_209 : memref<10000xf32, #tpu.memory_space<hbm>>) dst(%arg16 : memref<10000xf32, #tpu.memory_space<vmem>>)
    %dma_wait3A_210 = tpu.memref_slice %arg6[%multiple_of3A_177] : memref<1600000xi32, #tpu.memory_space<hbm>> -> memref<10000xi32, #tpu.memory_space<hbm>>
    %dma_wait3A_211 = tpu.memref_slice %arg6[%multiple_of3A_177] : memref<1600000xi32, #tpu.memory_space<hbm>> -> memref<10000xi32, #tpu.memory_space<hbm>>
    tpu.wait_dma2 semaphore(%arg23 : memref<!tpu.dma_semaphore, #tpu.memory_space<semaphore_mem>>) src(%dma_wait3A_211 : memref<10000xi32, #tpu.memory_space<hbm>>) dst(%arg17 : memref<10000xi32, #tpu.memory_space<vmem>>)
    %dma_wait3A_212 = arith.constant 0 : i32
    %dma_wait3A_213 = tpu.memref_slice %arg9[%dma_wait3A_212] : memref<100000xf32, #tpu.memory_space<vmem_shared>> -> memref<100000xf32, #tpu.memory_space<vmem_shared>>
    tpu.wait_indirect_dma semaphore(%arg26 : memref<!tpu.dma_semaphore, #tpu.memory_space<semaphore_mem>>) src(%arg18 : memref<10000xf32, #tpu.memory_space<vmem>>) dst(%dma_wait3A_213 : memref<100000xf32, #tpu.memory_space<vmem_shared>>)
    %dma_wait3A_214 = arith.constant 0 : i32
    %dma_wait3A_215 = tpu.memref_slice %arg10[%dma_wait3A_214] : memref<100000xf32, #tpu.memory_space<vmem_shared>> -> memref<100000xf32, #tpu.memory_space<vmem_shared>>
    tpu.wait_indirect_dma semaphore(%arg26 : memref<!tpu.dma_semaphore, #tpu.memory_space<semaphore_mem>>) src(%arg19 : memref<10000xf32, #tpu.memory_space<vmem>>) dst(%dma_wait3A_215 : memref<100000xf32, #tpu.memory_space<vmem_shared>>)
    %dma_wait3A_216 = arith.constant 0 : i32
    %dma_wait3A_217 = tpu.memref_slice %arg11[%dma_wait3A_216] : memref<100000xf32, #tpu.memory_space<vmem_shared>> -> memref<100000xf32, #tpu.memory_space<vmem_shared>>
    tpu.wait_indirect_dma semaphore(%arg26 : memref<!tpu.dma_semaphore, #tpu.memory_space<semaphore_mem>>) src(%arg20 : memref<10000xf32, #tpu.memory_space<vmem>>) dst(%dma_wait3A_217 : memref<100000xf32, #tpu.memory_space<vmem_shared>>)
    %dma_wait3A_218 = arith.constant 0 : i32
    %dma_wait3A_219 = tpu.memref_slice %arg12[%dma_wait3A_218] : memref<100000xf32, #tpu.memory_space<vmem_shared>> -> memref<100000xf32, #tpu.memory_space<vmem_shared>>
    tpu.wait_indirect_dma semaphore(%arg26 : memref<!tpu.dma_semaphore, #tpu.memory_space<semaphore_mem>>) src(%arg21 : memref<10000xf32, #tpu.memory_space<vmem>>) dst(%dma_wait3A_219 : memref<100000xf32, #tpu.memory_space<vmem_shared>>)
    %scan3A_220 = arith.constant 0 : i32
    %scan3A_221 = arith.constant 0 : i32
    %scan3A_222 = arith.constant 625 : i32
    %scan3A_223 = arith.addi %scan3A_221, %scan3A_222 : i32
    %scan3A_224 = arith.constant 1 : i32
    scf.for %scan3A_282 = %scan3A_221 to %scan3A_223 step %scan3A_224  : i32 {
      %mul3A_283 = arith.constant 16 : i32
      %mul3A_284 = arith.muli %scan3A_282, %mul3A_283 : i32
      %multiple_of3A_285 = tpu.assume_multiple %mul3A_284, 16 : i32
      %get3A = arith.index_cast %multiple_of3A_285 : i32 to index
      %get3A_286 = tpu.vector_load %arg13[%get3A] {strides = array<i32>} : memref<10000xf32, #tpu.memory_space<vmem>>, vector<16xf32>,
      %get3A_287 = arith.index_cast %multiple_of3A_285 : i32 to index
      %get3A_288 = tpu.vector_load %arg14[%get3A_287] {strides = array<i32>} : memref<10000xf32, #tpu.memory_space<vmem>>, vector<16xf32>,
      %mul3A_289 = arith.mulf %get3A_286, %get3A_288 : vector<16xf32>
      %swap3A = arith.index_cast %multiple_of3A_285 : i32 to index
      %swap3A_290 = tpu.vector_load %arg14[%swap3A] {strides = array<i32>} : memref<10000xf32, #tpu.memory_space<vmem>>, vector<16xf32>,
      tpu.vector_store %arg14[%swap3A], %mul3A_289 {strides = array<i32>} : memref<10000xf32, #tpu.memory_space<vmem>>, vector<16xf32>,
      %get3A_291 = arith.index_cast %multiple_of3A_285 : i32 to index
      %get3A_292 = tpu.vector_load %arg15[%get3A_291] {strides = array<i32>} : memref<10000xf32, #tpu.memory_space<vmem>>, vector<16xf32>,
      %mul3A_293 = arith.mulf %get3A_286, %get3A_292 : vector<16xf32>
      %swap3A_294 = arith.index_cast %multiple_of3A_285 : i32 to index
      %swap3A_295 = tpu.vector_load %arg15[%swap3A_294] {strides = array<i32>} : memref<10000xf32, #tpu.memory_space<vmem>>, vector<16xf32>,
      tpu.vector_store %arg15[%swap3A_294], %mul3A_293 {strides = array<i32>} : memref<10000xf32, #tpu.memory_space<vmem>>, vector<16xf32>,
      %get3A_296 = arith.index_cast %multiple_of3A_285 : i32 to index
      %get3A_297 = tpu.vector_load %arg16[%get3A_296] {strides = array<i32>} : memref<10000xf32, #tpu.memory_space<vmem>>, vector<16xf32>,
      %mul3A_298 = arith.mulf %get3A_286, %get3A_297 : vector<16xf32>
      %swap3A_299 = arith.index_cast %multiple_of3A_285 : i32 to index
      %swap3A_300 = tpu.vector_load %arg16[%swap3A_299] {strides = array<i32>} : memref<10000xf32, #tpu.memory_space<vmem>>, vector<16xf32>,
      tpu.vector_store %arg16[%swap3A_299], %mul3A_298 {strides = array<i32>} : memref<10000xf32, #tpu.memory_space<vmem>>, vector<16xf32>,
    }
    %scan3A_225 = arith.constant 625 : i32
    %dma_start3A_226 = arith.constant 0 : i32
    %dma_start3A_227 = tpu.memref_slice %arg9[%dma_start3A_226] : memref<100000xf32, #tpu.memory_space<vmem_shared>> -> memref<100000xf32, #tpu.memory_space<vmem_shared>>
    tpu.enqueue_indirect_dma source(%arg13 : memref<10000xf32, #tpu.memory_space<vmem>>) target(%dma_start3A_227 : memref<100000xf32, #tpu.memory_space<vmem_shared>>) offsets(%arg17 : memref<10000xi32, #tpu.memory_space<vmem>>) semaphore(%arg25 : memref<!tpu.dma_semaphore, #tpu.memory_space<semaphore_mem>>) {add = true}
    %dma_start3A_228 = arith.constant 0 : i32
    %dma_start3A_229 = tpu.memref_slice %arg10[%dma_start3A_228] : memref<100000xf32, #tpu.memory_space<vmem_shared>> -> memref<100000xf32, #tpu.memory_space<vmem_shared>>
    tpu.enqueue_indirect_dma source(%arg14 : memref<10000xf32, #tpu.memory_space<vmem>>) target(%dma_start3A_229 : memref<100000xf32, #tpu.memory_space<vmem_shared>>) offsets(%arg17 : memref<10000xi32, #tpu.memory_space<vmem>>) semaphore(%arg25 : memref<!tpu.dma_semaphore, #tpu.memory_space<semaphore_mem>>) {add = true}
    %dma_start3A_230 = arith.constant 0 : i32
    %dma_start3A_231 = tpu.memref_slice %arg11[%dma_start3A_230] : memref<100000xf32, #tpu.memory_space<vmem_shared>> -> memref<100000xf32, #tpu.memory_space<vmem_shared>>
    tpu.enqueue_indirect_dma source(%arg15 : memref<10000xf32, #tpu.memory_space<vmem>>) target(%dma_start3A_231 : memref<100000xf32, #tpu.memory_space<vmem_shared>>) offsets(%arg17 : memref<10000xi32, #tpu.memory_space<vmem>>) semaphore(%arg25 : memref<!tpu.dma_semaphore, #tpu.memory_space<semaphore_mem>>) {add = true}
    %dma_start3A_232 = arith.constant 0 : i32
    %dma_start3A_233 = tpu.memref_slice %arg12[%dma_start3A_232] : memref<100000xf32, #tpu.memory_space<vmem_shared>> -> memref<100000xf32, #tpu.memory_space<vmem_shared>>
    tpu.enqueue_indirect_dma source(%arg16 : memref<10000xf32, #tpu.memory_space<vmem>>) target(%dma_start3A_233 : memref<100000xf32, #tpu.memory_space<vmem_shared>>) offsets(%arg17 : memref<10000xi32, #tpu.memory_space<vmem>>) semaphore(%arg25 : memref<!tpu.dma_semaphore, #tpu.memory_space<semaphore_mem>>) {add = true}
    %dma_wait3A_234 = arith.constant 0 : i32
    %dma_wait3A_235 = tpu.memref_slice %arg9[%dma_wait3A_234] : memref<100000xf32, #tpu.memory_space<vmem_shared>> -> memref<100000xf32, #tpu.memory_space<vmem_shared>>
    tpu.wait_indirect_dma semaphore(%arg25 : memref<!tpu.dma_semaphore, #tpu.memory_space<semaphore_mem>>) src(%arg13 : memref<10000xf32, #tpu.memory_space<vmem>>) dst(%dma_wait3A_235 : memref<100000xf32, #tpu.memory_space<vmem_shared>>)
    %dma_wait3A_236 = arith.constant 0 : i32
    %dma_wait3A_237 = tpu.memref_slice %arg10[%dma_wait3A_236] : memref<100000xf32, #tpu.memory_space<vmem_shared>> -> memref<100000xf32, #tpu.memory_space<vmem_shared>>
    tpu.wait_indirect_dma semaphore(%arg25 : memref<!tpu.dma_semaphore, #tpu.memory_space<semaphore_mem>>) src(%arg14 : memref<10000xf32, #tpu.memory_space<vmem>>) dst(%dma_wait3A_237 : memref<100000xf32, #tpu.memory_space<vmem_shared>>)
    %dma_wait3A_238 = arith.constant 0 : i32
    %dma_wait3A_239 = tpu.memref_slice %arg11[%dma_wait3A_238] : memref<100000xf32, #tpu.memory_space<vmem_shared>> -> memref<100000xf32, #tpu.memory_space<vmem_shared>>
    tpu.wait_indirect_dma semaphore(%arg25 : memref<!tpu.dma_semaphore, #tpu.memory_space<semaphore_mem>>) src(%arg15 : memref<10000xf32, #tpu.memory_space<vmem>>) dst(%dma_wait3A_239 : memref<100000xf32, #tpu.memory_space<vmem_shared>>)
    %dma_wait3A_240 = arith.constant 0 : i32
    %dma_wait3A_241 = tpu.memref_slice %arg12[%dma_wait3A_240] : memref<100000xf32, #tpu.memory_space<vmem_shared>> -> memref<100000xf32, #tpu.memory_space<vmem_shared>>
    tpu.wait_indirect_dma semaphore(%arg25 : memref<!tpu.dma_semaphore, #tpu.memory_space<semaphore_mem>>) src(%arg16 : memref<10000xf32, #tpu.memory_space<vmem>>) dst(%dma_wait3A_241 : memref<100000xf32, #tpu.memory_space<vmem_shared>>)
    %barrier3A_242 = arith.constant 0 : index
    tpu.barrier barrier_id(%barrier3A_242)
    %mul3A_243 = arith.constant 6240 : i32
    %mul3A_244 = arith.muli %arg1, %mul3A_243 : i32
    "tpu.region"() ({
      %run_scoped3A = tpu.sem_alloc : memref<!tpu.dma_semaphore, #tpu.memory_space<semaphore_mem>>
      %dma_start3A_282 = arith.constant 0 : i32
      %dma_start3A_283 = tpu.memref_slice %arg13[%dma_start3A_282] : memref<10000xf32, #tpu.memory_space<vmem>> -> memref<6240xf32, #tpu.memory_space<vmem>>
      %dma_start3A_284 = tpu.memref_slice %arg9[%mul3A_244] : memref<100000xf32, #tpu.memory_space<vmem_shared>> -> memref<6240xf32, #tpu.memory_space<vmem_shared>>
      %dma_start3A_285 = arith.constant 0 : i32
      %dma_start3A_286 = tpu.memref_slice %arg13[%dma_start3A_285] : memref<10000xf32, #tpu.memory_space<vmem>> -> memref<6240xf32, #tpu.memory_space<vmem>>
      %dma_start3A_287 = tpu.memref_slice %arg9[%mul3A_244] : memref<100000xf32, #tpu.memory_space<vmem_shared>> -> memref<6240xf32, #tpu.memory_space<vmem_shared>>
      tpu.enqueue_dma source(%dma_start3A_287 : memref<6240xf32, #tpu.memory_space<vmem_shared>>) target(%dma_start3A_286 : memref<6240xf32, #tpu.memory_space<vmem>>) target_semaphore(%run_scoped3A : memref<!tpu.dma_semaphore, #tpu.memory_space<semaphore_mem>>)
      %dma_wait3A_288 = arith.constant 0 : i32
      %dma_wait3A_289 = tpu.memref_slice %arg13[%dma_wait3A_288] : memref<10000xf32, #tpu.memory_space<vmem>> -> memref<6240xf32, #tpu.memory_space<vmem>>
      %dma_wait3A_290 = tpu.memref_slice %arg9[%mul3A_244] : memref<100000xf32, #tpu.memory_space<vmem_shared>> -> memref<6240xf32, #tpu.memory_space<vmem_shared>>
      %dma_wait3A_291 = arith.constant 0 : i32
      %dma_wait3A_292 = tpu.memref_slice %arg13[%dma_wait3A_291] : memref<10000xf32, #tpu.memory_space<vmem>> -> memref<6240xf32, #tpu.memory_space<vmem>>
      %dma_wait3A_293 = tpu.memref_slice %arg9[%mul3A_244] : memref<100000xf32, #tpu.memory_space<vmem_shared>> -> memref<6240xf32, #tpu.memory_space<vmem_shared>>
      tpu.wait_dma2 semaphore(%run_scoped3A : memref<!tpu.dma_semaphore, #tpu.memory_space<semaphore_mem>>) src(%dma_wait3A_293 : memref<6240xf32, #tpu.memory_space<vmem_shared>>) dst(%dma_wait3A_292 : memref<6240xf32, #tpu.memory_space<vmem>>)
      tpu.yield
    }) : () -> ()
    %mul3A_245 = arith.constant 4 : i32
    %mul3A_246 = arith.muli %arg0, %mul3A_245 : i32
    %mul3A_247 = arith.constant 100000 : i32
    %mul3A_248 = arith.muli %mul3A_246, %mul3A_247 : i32
    %add3A_249 = arith.constant 0 : i32
    %add3A_250 = arith.addi %mul3A_248, %add3A_249 : i32
    %add3A_251 = arith.addi %add3A_250, %mul3A_244 : i32
    %multiple_of3A_252 = tpu.assume_multiple %add3A_251, 8 : i32
    "tpu.region"() ({
      %run_scoped3A = tpu.sem_alloc : memref<!tpu.dma_semaphore, #tpu.memory_space<semaphore_mem>>
      %dma_start3A_282 = arith.constant 0 : i32
      %dma_start3A_283 = tpu.memref_slice %arg13[%dma_start3A_282] : memref<10000xf32, #tpu.memory_space<vmem>> -> memref<6240xf32, #tpu.memory_space<vmem>>
      %dma_start3A_284 = tpu.memref_slice %arg8[%multiple_of3A_252] : memref<800000xf32, #tpu.memory_space<hbm>> -> memref<6240xf32, #tpu.memory_space<hbm>>
      %dma_start3A_285 = tpu.memref_slice %arg8[%multiple_of3A_252] : memref<800000xf32, #tpu.memory_space<hbm>> -> memref<6240xf32, #tpu.memory_space<hbm>>
      %dma_start3A_286 = arith.constant 0 : i32
      %dma_start3A_287 = tpu.memref_slice %arg13[%dma_start3A_286] : memref<10000xf32, #tpu.memory_space<vmem>> -> memref<6240xf32, #tpu.memory_space<vmem>>
      tpu.enqueue_dma source(%dma_start3A_287 : memref<6240xf32, #tpu.memory_space<vmem>>) target(%dma_start3A_285 : memref<6240xf32, #tpu.memory_space<hbm>>) target_semaphore(%run_scoped3A : memref<!tpu.dma_semaphore, #tpu.memory_space<semaphore_mem>>)
      %dma_wait3A_288 = arith.constant 0 : i32
      %dma_wait3A_289 = tpu.memref_slice %arg13[%dma_wait3A_288] : memref<10000xf32, #tpu.memory_space<vmem>> -> memref<6240xf32, #tpu.memory_space<vmem>>
      %dma_wait3A_290 = tpu.memref_slice %arg8[%multiple_of3A_252] : memref<800000xf32, #tpu.memory_space<hbm>> -> memref<6240xf32, #tpu.memory_space<hbm>>
      %dma_wait3A_291 = tpu.memref_slice %arg8[%multiple_of3A_252] : memref<800000xf32, #tpu.memory_space<hbm>> -> memref<6240xf32, #tpu.memory_space<hbm>>
      %dma_wait3A_292 = arith.constant 0 : i32
      %dma_wait3A_293 = tpu.memref_slice %arg13[%dma_wait3A_292] : memref<10000xf32, #tpu.memory_space<vmem>> -> memref<6240xf32, #tpu.memory_space<vmem>>
      tpu.wait_dma2 semaphore(%run_scoped3A : memref<!tpu.dma_semaphore, #tpu.memory_space<semaphore_mem>>) src(%dma_wait3A_293 : memref<6240xf32, #tpu.memory_space<vmem>>) dst(%dma_wait3A_291 : memref<6240xf32, #tpu.memory_space<hbm>>)
      tpu.yield
    }) : () -> ()
    "tpu.region"() ({
      %run_scoped3A = tpu.sem_alloc : memref<!tpu.dma_semaphore, #tpu.memory_space<semaphore_mem>>
      %dma_start3A_282 = arith.constant 0 : i32
      %dma_start3A_283 = tpu.memref_slice %arg14[%dma_start3A_282] : memref<10000xf32, #tpu.memory_space<vmem>> -> memref<6240xf32, #tpu.memory_space<vmem>>
      %dma_start3A_284 = tpu.memref_slice %arg10[%mul3A_244] : memref<100000xf32, #tpu.memory_space<vmem_shared>> -> memref<6240xf32, #tpu.memory_space<vmem_shared>>
      %dma_start3A_285 = arith.constant 0 : i32
      %dma_start3A_286 = tpu.memref_slice %arg14[%dma_start3A_285] : memref<10000xf32, #tpu.memory_space<vmem>> -> memref<6240xf32, #tpu.memory_space<vmem>>
      %dma_start3A_287 = tpu.memref_slice %arg10[%mul3A_244] : memref<100000xf32, #tpu.memory_space<vmem_shared>> -> memref<6240xf32, #tpu.memory_space<vmem_shared>>
      tpu.enqueue_dma source(%dma_start3A_287 : memref<6240xf32, #tpu.memory_space<vmem_shared>>) target(%dma_start3A_286 : memref<6240xf32, #tpu.memory_space<vmem>>) target_semaphore(%run_scoped3A : memref<!tpu.dma_semaphore, #tpu.memory_space<semaphore_mem>>)
      %dma_wait3A_288 = arith.constant 0 : i32
      %dma_wait3A_289 = tpu.memref_slice %arg14[%dma_wait3A_288] : memref<10000xf32, #tpu.memory_space<vmem>> -> memref<6240xf32, #tpu.memory_space<vmem>>
      %dma_wait3A_290 = tpu.memref_slice %arg10[%mul3A_244] : memref<100000xf32, #tpu.memory_space<vmem_shared>> -> memref<6240xf32, #tpu.memory_space<vmem_shared>>
      %dma_wait3A_291 = arith.constant 0 : i32
      %dma_wait3A_292 = tpu.memref_slice %arg14[%dma_wait3A_291] : memref<10000xf32, #tpu.memory_space<vmem>> -> memref<6240xf32, #tpu.memory_space<vmem>>
      %dma_wait3A_293 = tpu.memref_slice %arg10[%mul3A_244] : memref<100000xf32, #tpu.memory_space<vmem_shared>> -> memref<6240xf32, #tpu.memory_space<vmem_shared>>
      tpu.wait_dma2 semaphore(%run_scoped3A : memref<!tpu.dma_semaphore, #tpu.memory_space<semaphore_mem>>) src(%dma_wait3A_293 : memref<6240xf32, #tpu.memory_space<vmem_shared>>) dst(%dma_wait3A_292 : memref<6240xf32, #tpu.memory_space<vmem>>)
      tpu.yield
    }) : () -> ()
    %mul3A_253 = arith.constant 4 : i32
    %mul3A_254 = arith.muli %arg0, %mul3A_253 : i32
    %mul3A_255 = arith.constant 100000 : i32
    %mul3A_256 = arith.muli %mul3A_254, %mul3A_255 : i32
    %add3A_257 = arith.constant 100000 : i32
    %add3A_258 = arith.addi %mul3A_256, %add3A_257 : i32
    %add3A_259 = arith.addi %add3A_258, %mul3A_244 : i32
    %multiple_of3A_260 = tpu.assume_multiple %add3A_259, 8 : i32
    "tpu.region"() ({
      %run_scoped3A = tpu.sem_alloc : memref<!tpu.dma_semaphore, #tpu.memory_space<semaphore_mem>>
      %dma_start3A_282 = arith.constant 0 : i32
      %dma_start3A_283 = tpu.memref_slice %arg14[%dma_start3A_282] : memref<10000xf32, #tpu.memory_space<vmem>> -> memref<6240xf32, #tpu.memory_space<vmem>>
      %dma_start3A_284 = tpu.memref_slice %arg8[%multiple_of3A_260] : memref<800000xf32, #tpu.memory_space<hbm>> -> memref<6240xf32, #tpu.memory_space<hbm>>
      %dma_start3A_285 = tpu.memref_slice %arg8[%multiple_of3A_260] : memref<800000xf32, #tpu.memory_space<hbm>> -> memref<6240xf32, #tpu.memory_space<hbm>>
      %dma_start3A_286 = arith.constant 0 : i32
      %dma_start3A_287 = tpu.memref_slice %arg14[%dma_start3A_286] : memref<10000xf32, #tpu.memory_space<vmem>> -> memref<6240xf32, #tpu.memory_space<vmem>>
      tpu.enqueue_dma source(%dma_start3A_287 : memref<6240xf32, #tpu.memory_space<vmem>>) target(%dma_start3A_285 : memref<6240xf32, #tpu.memory_space<hbm>>) target_semaphore(%run_scoped3A : memref<!tpu.dma_semaphore, #tpu.memory_space<semaphore_mem>>)
      %dma_wait3A_288 = arith.constant 0 : i32
      %dma_wait3A_289 = tpu.memref_slice %arg14[%dma_wait3A_288] : memref<10000xf32, #tpu.memory_space<vmem>> -> memref<6240xf32, #tpu.memory_space<vmem>>
      %dma_wait3A_290 = tpu.memref_slice %arg8[%multiple_of3A_260] : memref<800000xf32, #tpu.memory_space<hbm>> -> memref<6240xf32, #tpu.memory_space<hbm>>
      %dma_wait3A_291 = tpu.memref_slice %arg8[%multiple_of3A_260] : memref<800000xf32, #tpu.memory_space<hbm>> -> memref<6240xf32, #tpu.memory_space<hbm>>
      %dma_wait3A_292 = arith.constant 0 : i32
      %dma_wait3A_293 = tpu.memref_slice %arg14[%dma_wait3A_292] : memref<10000xf32, #tpu.memory_space<vmem>> -> memref<6240xf32, #tpu.memory_space<vmem>>
      tpu.wait_dma2 semaphore(%run_scoped3A : memref<!tpu.dma_semaphore, #tpu.memory_space<semaphore_mem>>) src(%dma_wait3A_293 : memref<6240xf32, #tpu.memory_space<vmem>>) dst(%dma_wait3A_291 : memref<6240xf32, #tpu.memory_space<hbm>>)
      tpu.yield
    }) : () -> ()
    "tpu.region"() ({
      %run_scoped3A = tpu.sem_alloc : memref<!tpu.dma_semaphore, #tpu.memory_space<semaphore_mem>>
      %dma_start3A_282 = arith.constant 0 : i32
      %dma_start3A_283 = tpu.memref_slice %arg15[%dma_start3A_282] : memref<10000xf32, #tpu.memory_space<vmem>> -> memref<6240xf32, #tpu.memory_space<vmem>>
      %dma_start3A_284 = tpu.memref_slice %arg11[%mul3A_244] : memref<100000xf32, #tpu.memory_space<vmem_shared>> -> memref<6240xf32, #tpu.memory_space<vmem_shared>>
      %dma_start3A_285 = arith.constant 0 : i32
      %dma_start3A_286 = tpu.memref_slice %arg15[%dma_start3A_285] : memref<10000xf32, #tpu.memory_space<vmem>> -> memref<6240xf32, #tpu.memory_space<vmem>>
      %dma_start3A_287 = tpu.memref_slice %arg11[%mul3A_244] : memref<100000xf32, #tpu.memory_space<vmem_shared>> -> memref<6240xf32, #tpu.memory_space<vmem_shared>>
      tpu.enqueue_dma source(%dma_start3A_287 : memref<6240xf32, #tpu.memory_space<vmem_shared>>) target(%dma_start3A_286 : memref<6240xf32, #tpu.memory_space<vmem>>) target_semaphore(%run_scoped3A : memref<!tpu.dma_semaphore, #tpu.memory_space<semaphore_mem>>)
      %dma_wait3A_288 = arith.constant 0 : i32
      %dma_wait3A_289 = tpu.memref_slice %arg15[%dma_wait3A_288] : memref<10000xf32, #tpu.memory_space<vmem>> -> memref<6240xf32, #tpu.memory_space<vmem>>
      %dma_wait3A_290 = tpu.memref_slice %arg11[%mul3A_244] : memref<100000xf32, #tpu.memory_space<vmem_shared>> -> memref<6240xf32, #tpu.memory_space<vmem_shared>>
      %dma_wait3A_291 = arith.constant 0 : i32
      %dma_wait3A_292 = tpu.memref_slice %arg15[%dma_wait3A_291] : memref<10000xf32, #tpu.memory_space<vmem>> -> memref<6240xf32, #tpu.memory_space<vmem>>
      %dma_wait3A_293 = tpu.memref_slice %arg11[%mul3A_244] : memref<100000xf32, #tpu.memory_space<vmem_shared>> -> memref<6240xf32, #tpu.memory_space<vmem_shared>>
      tpu.wait_dma2 semaphore(%run_scoped3A : memref<!tpu.dma_semaphore, #tpu.memory_space<semaphore_mem>>) src(%dma_wait3A_293 : memref<6240xf32, #tpu.memory_space<vmem_shared>>) dst(%dma_wait3A_292 : memref<6240xf32, #tpu.memory_space<vmem>>)
      tpu.yield
    }) : () -> ()
    %mul3A_261 = arith.constant 4 : i32
    %mul3A_262 = arith.muli %arg0, %mul3A_261 : i32
    %mul3A_263 = arith.constant 100000 : i32
    %mul3A_264 = arith.muli %mul3A_262, %mul3A_263 : i32
    %add3A_265 = arith.constant 200000 : i32
    %add3A_266 = arith.addi %mul3A_264, %add3A_265 : i32
    %add3A_267 = arith.addi %add3A_266, %mul3A_244 : i32
    %multiple_of3A_268 = tpu.assume_multiple %add3A_267, 8 : i32
    "tpu.region"() ({
      %run_scoped3A = tpu.sem_alloc : memref<!tpu.dma_semaphore, #tpu.memory_space<semaphore_mem>>
      %dma_start3A_282 = arith.constant 0 : i32
      %dma_start3A_283 = tpu.memref_slice %arg15[%dma_start3A_282] : memref<10000xf32, #tpu.memory_space<vmem>> -> memref<6240xf32, #tpu.memory_space<vmem>>
      %dma_start3A_284 = tpu.memref_slice %arg8[%multiple_of3A_268] : memref<800000xf32, #tpu.memory_space<hbm>> -> memref<6240xf32, #tpu.memory_space<hbm>>
      %dma_start3A_285 = tpu.memref_slice %arg8[%multiple_of3A_268] : memref<800000xf32, #tpu.memory_space<hbm>> -> memref<6240xf32, #tpu.memory_space<hbm>>
      %dma_start3A_286 = arith.constant 0 : i32
      %dma_start3A_287 = tpu.memref_slice %arg15[%dma_start3A_286] : memref<10000xf32, #tpu.memory_space<vmem>> -> memref<6240xf32, #tpu.memory_space<vmem>>
      tpu.enqueue_dma source(%dma_start3A_287 : memref<6240xf32, #tpu.memory_space<vmem>>) target(%dma_start3A_285 : memref<6240xf32, #tpu.memory_space<hbm>>) target_semaphore(%run_scoped3A : memref<!tpu.dma_semaphore, #tpu.memory_space<semaphore_mem>>)
      %dma_wait3A_288 = arith.constant 0 : i32
      %dma_wait3A_289 = tpu.memref_slice %arg15[%dma_wait3A_288] : memref<10000xf32, #tpu.memory_space<vmem>> -> memref<6240xf32, #tpu.memory_space<vmem>>
      %dma_wait3A_290 = tpu.memref_slice %arg8[%multiple_of3A_268] : memref<800000xf32, #tpu.memory_space<hbm>> -> memref<6240xf32, #tpu.memory_space<hbm>>
      %dma_wait3A_291 = tpu.memref_slice %arg8[%multiple_of3A_268] : memref<800000xf32, #tpu.memory_space<hbm>> -> memref<6240xf32, #tpu.memory_space<hbm>>
      %dma_wait3A_292 = arith.constant 0 : i32
      %dma_wait3A_293 = tpu.memref_slice %arg15[%dma_wait3A_292] : memref<10000xf32, #tpu.memory_space<vmem>> -> memref<6240xf32, #tpu.memory_space<vmem>>
      tpu.wait_dma2 semaphore(%run_scoped3A : memref<!tpu.dma_semaphore, #tpu.memory_space<semaphore_mem>>) src(%dma_wait3A_293 : memref<6240xf32, #tpu.memory_space<vmem>>) dst(%dma_wait3A_291 : memref<6240xf32, #tpu.memory_space<hbm>>)
      tpu.yield
    }) : () -> ()
    "tpu.region"() ({
      %run_scoped3A = tpu.sem_alloc : memref<!tpu.dma_semaphore, #tpu.memory_space<semaphore_mem>>
      %dma_start3A_282 = arith.constant 0 : i32
      %dma_start3A_283 = tpu.memref_slice %arg16[%dma_start3A_282] : memref<10000xf32, #tpu.memory_space<vmem>> -> memref<6240xf32, #tpu.memory_space<vmem>>
      %dma_start3A_284 = tpu.memref_slice %arg12[%mul3A_244] : memref<100000xf32, #tpu.memory_space<vmem_shared>> -> memref<6240xf32, #tpu.memory_space<vmem_shared>>
      %dma_start3A_285 = arith.constant 0 : i32
      %dma_start3A_286 = tpu.memref_slice %arg16[%dma_start3A_285] : memref<10000xf32, #tpu.memory_space<vmem>> -> memref<6240xf32, #tpu.memory_space<vmem>>
      %dma_start3A_287 = tpu.memref_slice %arg12[%mul3A_244] : memref<100000xf32, #tpu.memory_space<vmem_shared>> -> memref<6240xf32, #tpu.memory_space<vmem_shared>>
      tpu.enqueue_dma source(%dma_start3A_287 : memref<6240xf32, #tpu.memory_space<vmem_shared>>) target(%dma_start3A_286 : memref<6240xf32, #tpu.memory_space<vmem>>) target_semaphore(%run_scoped3A : memref<!tpu.dma_semaphore, #tpu.memory_space<semaphore_mem>>)
      %dma_wait3A_288 = arith.constant 0 : i32
      %dma_wait3A_289 = tpu.memref_slice %arg16[%dma_wait3A_288] : memref<10000xf32, #tpu.memory_space<vmem>> -> memref<6240xf32, #tpu.memory_space<vmem>>
      %dma_wait3A_290 = tpu.memref_slice %arg12[%mul3A_244] : memref<100000xf32, #tpu.memory_space<vmem_shared>> -> memref<6240xf32, #tpu.memory_space<vmem_shared>>
      %dma_wait3A_291 = arith.constant 0 : i32
      %dma_wait3A_292 = tpu.memref_slice %arg16[%dma_wait3A_291] : memref<10000xf32, #tpu.memory_space<vmem>> -> memref<6240xf32, #tpu.memory_space<vmem>>
      %dma_wait3A_293 = tpu.memref_slice %arg12[%mul3A_244] : memref<100000xf32, #tpu.memory_space<vmem_shared>> -> memref<6240xf32, #tpu.memory_space<vmem_shared>>
      tpu.wait_dma2 semaphore(%run_scoped3A : memref<!tpu.dma_semaphore, #tpu.memory_space<semaphore_mem>>) src(%dma_wait3A_293 : memref<6240xf32, #tpu.memory_space<vmem_shared>>) dst(%dma_wait3A_292 : memref<6240xf32, #tpu.memory_space<vmem>>)
      tpu.yield
    }) : () -> ()
    %mul3A_269 = arith.constant 4 : i32
    %mul3A_270 = arith.muli %arg0, %mul3A_269 : i32
    %mul3A_271 = arith.constant 100000 : i32
    %mul3A_272 = arith.muli %mul3A_270, %mul3A_271 : i32
    %add3A_273 = arith.constant 300000 : i32
    %add3A_274 = arith.addi %mul3A_272, %add3A_273 : i32
    %add3A_275 = arith.addi %add3A_274, %mul3A_244 : i32
    %multiple_of3A_276 = tpu.assume_multiple %add3A_275, 8 : i32
    "tpu.region"() ({
      %run_scoped3A = tpu.sem_alloc : memref<!tpu.dma_semaphore, #tpu.memory_space<semaphore_mem>>
      %dma_start3A_282 = arith.constant 0 : i32
      %dma_start3A_283 = tpu.memref_slice %arg16[%dma_start3A_282] : memref<10000xf32, #tpu.memory_space<vmem>> -> memref<6240xf32, #tpu.memory_space<vmem>>
      %dma_start3A_284 = tpu.memref_slice %arg8[%multiple_of3A_276] : memref<800000xf32, #tpu.memory_space<hbm>> -> memref<6240xf32, #tpu.memory_space<hbm>>
      %dma_start3A_285 = tpu.memref_slice %arg8[%multiple_of3A_276] : memref<800000xf32, #tpu.memory_space<hbm>> -> memref<6240xf32, #tpu.memory_space<hbm>>
      %dma_start3A_286 = arith.constant 0 : i32
      %dma_start3A_287 = tpu.memref_slice %arg16[%dma_start3A_286] : memref<10000xf32, #tpu.memory_space<vmem>> -> memref<6240xf32, #tpu.memory_space<vmem>>
      tpu.enqueue_dma source(%dma_start3A_287 : memref<6240xf32, #tpu.memory_space<vmem>>) target(%dma_start3A_285 : memref<6240xf32, #tpu.memory_space<hbm>>) target_semaphore(%run_scoped3A : memref<!tpu.dma_semaphore, #tpu.memory_space<semaphore_mem>>)
      %dma_wait3A_288 = arith.constant 0 : i32
      %dma_wait3A_289 = tpu.memref_slice %arg16[%dma_wait3A_288] : memref<10000xf32, #tpu.memory_space<vmem>> -> memref<6240xf32, #tpu.memory_space<vmem>>
      %dma_wait3A_290 = tpu.memref_slice %arg8[%multiple_of3A_276] : memref<800000xf32, #tpu.memory_space<hbm>> -> memref<6240xf32, #tpu.memory_space<hbm>>
      %dma_wait3A_291 = tpu.memref_slice %arg8[%multiple_of3A_276] : memref<800000xf32, #tpu.memory_space<hbm>> -> memref<6240xf32, #tpu.memory_space<hbm>>
      %dma_wait3A_292 = arith.constant 0 : i32
      %dma_wait3A_293 = tpu.memref_slice %arg16[%dma_wait3A_292] : memref<10000xf32, #tpu.memory_space<vmem>> -> memref<6240xf32, #tpu.memory_space<vmem>>
      tpu.wait_dma2 semaphore(%run_scoped3A : memref<!tpu.dma_semaphore, #tpu.memory_space<semaphore_mem>>) src(%dma_wait3A_293 : memref<6240xf32, #tpu.memory_space<vmem>>) dst(%dma_wait3A_291 : memref<6240xf32, #tpu.memory_space<hbm>>)
      tpu.yield
    }) : () -> ()
    %eq3A_277 = arith.constant 0 : i32
    %eq3A_278 = arith.cmpi eq, %arg1, %eq3A_277 : i32
    %convert_element_type3A_279 = arith.extui %eq3A_278 : i1 to i32
    %cond3A_280 = arith.constant 0 : i32
    %cond3A_281 = arith.cmpi ne, %convert_element_type3A_279, %cond3A_280 : i32
    scf.if %cond3A_281 {
      "tpu.region"() ({
        %run_scoped3A = tpu.sem_alloc : memref<!tpu.dma_semaphore, #tpu.memory_space<semaphore_mem>>
        %dma_start3A_318 = arith.constant 0 : i32
        %dma_start3A_319 = tpu.memref_slice %arg13[%dma_start3A_318] : memref<10000xf32, #tpu.memory_space<vmem>> -> memref<160xf32, #tpu.memory_space<vmem>>
        %dma_start3A_320 = arith.constant 99840 : i32
        %dma_start3A_321 = tpu.memref_slice %arg9[%dma_start3A_320] : memref<100000xf32, #tpu.memory_space<vmem_shared>> -> memref<160xf32, #tpu.memory_space<vmem_shared>>
        %dma_start3A_322 = arith.constant 0 : i32
        %dma_start3A_323 = tpu.memref_slice %arg13[%dma_start3A_322] : memref<10000xf32, #tpu.memory_space<vmem>> -> memref<160xf32, #tpu.memory_space<vmem>>
        %dma_start3A_324 = arith.constant 99840 : i32
        %dma_start3A_325 = tpu.memref_slice %arg9[%dma_start3A_324] : memref<100000xf32, #tpu.memory_space<vmem_shared>> -> memref<160xf32, #tpu.memory_space<vmem_shared>>
        tpu.enqueue_dma source(%dma_start3A_325 : memref<160xf32, #tpu.memory_space<vmem_shared>>) target(%dma_start3A_323 : memref<160xf32, #tpu.memory_space<vmem>>) target_semaphore(%run_scoped3A : memref<!tpu.dma_semaphore, #tpu.memory_space<semaphore_mem>>)
        %dma_wait3A_326 = arith.constant 0 : i32
        %dma_wait3A_327 = tpu.memref_slice %arg13[%dma_wait3A_326] : memref<10000xf32, #tpu.memory_space<vmem>> -> memref<160xf32, #tpu.memory_space<vmem>>
        %dma_wait3A_328 = arith.constant 99840 : i32
        %dma_wait3A_329 = tpu.memref_slice %arg9[%dma_wait3A_328] : memref<100000xf32, #tpu.memory_space<vmem_shared>> -> memref<160xf32, #tpu.memory_space<vmem_shared>>
        %dma_wait3A_330 = arith.constant 0 : i32
        %dma_wait3A_331 = tpu.memref_slice %arg13[%dma_wait3A_330] : memref<10000xf32, #tpu.memory_space<vmem>> -> memref<160xf32, #tpu.memory_space<vmem>>
        %dma_wait3A_332 = arith.constant 99840 : i32
        %dma_wait3A_333 = tpu.memref_slice %arg9[%dma_wait3A_332] : memref<100000xf32, #tpu.memory_space<vmem_shared>> -> memref<160xf32, #tpu.memory_space<vmem_shared>>
        tpu.wait_dma2 semaphore(%run_scoped3A : memref<!tpu.dma_semaphore, #tpu.memory_space<semaphore_mem>>) src(%dma_wait3A_333 : memref<160xf32, #tpu.memory_space<vmem_shared>>) dst(%dma_wait3A_331 : memref<160xf32, #tpu.memory_space<vmem>>)
        tpu.yield
      }) : () -> ()
      %mul3A_282 = arith.constant 4 : i32
      %mul3A_283 = arith.muli %arg0, %mul3A_282 : i32
      %mul3A_284 = arith.constant 100000 : i32
      %mul3A_285 = arith.muli %mul3A_283, %mul3A_284 : i32
      %add3A_286 = arith.constant 0 : i32
      %add3A_287 = arith.addi %mul3A_285, %add3A_286 : i32
      %add3A_288 = arith.constant 99840 : i32
      %add3A_289 = arith.addi %add3A_287, %add3A_288 : i32
      %multiple_of3A_290 = tpu.assume_multiple %add3A_289, 8 : i32
      "tpu.region"() ({
        %run_scoped3A = tpu.sem_alloc : memref<!tpu.dma_semaphore, #tpu.memory_space<semaphore_mem>>
        %dma_start3A_318 = arith.constant 0 : i32
        %dma_start3A_319 = tpu.memref_slice %arg13[%dma_start3A_318] : memref<10000xf32, #tpu.memory_space<vmem>> -> memref<160xf32, #tpu.memory_space<vmem>>
        %dma_start3A_320 = tpu.memref_slice %arg8[%multiple_of3A_290] : memref<800000xf32, #tpu.memory_space<hbm>> -> memref<160xf32, #tpu.memory_space<hbm>>
        %dma_start3A_321 = tpu.memref_slice %arg8[%multiple_of3A_290] : memref<800000xf32, #tpu.memory_space<hbm>> -> memref<160xf32, #tpu.memory_space<hbm>>
        %dma_start3A_322 = arith.constant 0 : i32
        %dma_start3A_323 = tpu.memref_slice %arg13[%dma_start3A_322] : memref<10000xf32, #tpu.memory_space<vmem>> -> memref<160xf32, #tpu.memory_space<vmem>>
        tpu.enqueue_dma source(%dma_start3A_323 : memref<160xf32, #tpu.memory_space<vmem>>) target(%dma_start3A_321 : memref<160xf32, #tpu.memory_space<hbm>>) target_semaphore(%run_scoped3A : memref<!tpu.dma_semaphore, #tpu.memory_space<semaphore_mem>>)
        %dma_wait3A_324 = arith.constant 0 : i32
        %dma_wait3A_325 = tpu.memref_slice %arg13[%dma_wait3A_324] : memref<10000xf32, #tpu.memory_space<vmem>> -> memref<160xf32, #tpu.memory_space<vmem>>
        %dma_wait3A_326 = tpu.memref_slice %arg8[%multiple_of3A_290] : memref<800000xf32, #tpu.memory_space<hbm>> -> memref<160xf32, #tpu.memory_space<hbm>>
        %dma_wait3A_327 = tpu.memref_slice %arg8[%multiple_of3A_290] : memref<800000xf32, #tpu.memory_space<hbm>> -> memref<160xf32, #tpu.memory_space<hbm>>
        %dma_wait3A_328 = arith.constant 0 : i32
        %dma_wait3A_329 = tpu.memref_slice %arg13[%dma_wait3A_328] : memref<10000xf32, #tpu.memory_space<vmem>> -> memref<160xf32, #tpu.memory_space<vmem>>
        tpu.wait_dma2 semaphore(%run_scoped3A : memref<!tpu.dma_semaphore, #tpu.memory_space<semaphore_mem>>) src(%dma_wait3A_329 : memref<160xf32, #tpu.memory_space<vmem>>) dst(%dma_wait3A_327 : memref<160xf32, #tpu.memory_space<hbm>>)
        tpu.yield
      }) : () -> ()
      "tpu.region"() ({
        %run_scoped3A = tpu.sem_alloc : memref<!tpu.dma_semaphore, #tpu.memory_space<semaphore_mem>>
        %dma_start3A_318 = arith.constant 0 : i32
        %dma_start3A_319 = tpu.memref_slice %arg14[%dma_start3A_318] : memref<10000xf32, #tpu.memory_space<vmem>> -> memref<160xf32, #tpu.memory_space<vmem>>
        %dma_start3A_320 = arith.constant 99840 : i32
        %dma_start3A_321 = tpu.memref_slice %arg10[%dma_start3A_320] : memref<100000xf32, #tpu.memory_space<vmem_shared>> -> memref<160xf32, #tpu.memory_space<vmem_shared>>
        %dma_start3A_322 = arith.constant 0 : i32
        %dma_start3A_323 = tpu.memref_slice %arg14[%dma_start3A_322] : memref<10000xf32, #tpu.memory_space<vmem>> -> memref<160xf32, #tpu.memory_space<vmem>>
        %dma_start3A_324 = arith.constant 99840 : i32
        %dma_start3A_325 = tpu.memref_slice %arg10[%dma_start3A_324] : memref<100000xf32, #tpu.memory_space<vmem_shared>> -> memref<160xf32, #tpu.memory_space<vmem_shared>>
        tpu.enqueue_dma source(%dma_start3A_325 : memref<160xf32, #tpu.memory_space<vmem_shared>>) target(%dma_start3A_323 : memref<160xf32, #tpu.memory_space<vmem>>) target_semaphore(%run_scoped3A : memref<!tpu.dma_semaphore, #tpu.memory_space<semaphore_mem>>)
        %dma_wait3A_326 = arith.constant 0 : i32
        %dma_wait3A_327 = tpu.memref_slice %arg14[%dma_wait3A_326] : memref<10000xf32, #tpu.memory_space<vmem>> -> memref<160xf32, #tpu.memory_space<vmem>>
        %dma_wait3A_328 = arith.constant 99840 : i32
        %dma_wait3A_329 = tpu.memref_slice %arg10[%dma_wait3A_328] : memref<100000xf32, #tpu.memory_space<vmem_shared>> -> memref<160xf32, #tpu.memory_space<vmem_shared>>
        %dma_wait3A_330 = arith.constant 0 : i32
        %dma_wait3A_331 = tpu.memref_slice %arg14[%dma_wait3A_330] : memref<10000xf32, #tpu.memory_space<vmem>> -> memref<160xf32, #tpu.memory_space<vmem>>
        %dma_wait3A_332 = arith.constant 99840 : i32
        %dma_wait3A_333 = tpu.memref_slice %arg10[%dma_wait3A_332] : memref<100000xf32, #tpu.memory_space<vmem_shared>> -> memref<160xf32, #tpu.memory_space<vmem_shared>>
        tpu.wait_dma2 semaphore(%run_scoped3A : memref<!tpu.dma_semaphore, #tpu.memory_space<semaphore_mem>>) src(%dma_wait3A_333 : memref<160xf32, #tpu.memory_space<vmem_shared>>) dst(%dma_wait3A_331 : memref<160xf32, #tpu.memory_space<vmem>>)
        tpu.yield
      }) : () -> ()
      %mul3A_291 = arith.constant 4 : i32
      %mul3A_292 = arith.muli %arg0, %mul3A_291 : i32
      %mul3A_293 = arith.constant 100000 : i32
      %mul3A_294 = arith.muli %mul3A_292, %mul3A_293 : i32
      %add3A_295 = arith.constant 100000 : i32
      %add3A_296 = arith.addi %mul3A_294, %add3A_295 : i32
      %add3A_297 = arith.constant 99840 : i32
      %add3A_298 = arith.addi %add3A_296, %add3A_297 : i32
      %multiple_of3A_299 = tpu.assume_multiple %add3A_298, 8 : i32
      "tpu.region"() ({
        %run_scoped3A = tpu.sem_alloc : memref<!tpu.dma_semaphore, #tpu.memory_space<semaphore_mem>>
        %dma_start3A_318 = arith.constant 0 : i32
        %dma_start3A_319 = tpu.memref_slice %arg14[%dma_start3A_318] : memref<10000xf32, #tpu.memory_space<vmem>> -> memref<160xf32, #tpu.memory_space<vmem>>
        %dma_start3A_320 = tpu.memref_slice %arg8[%multiple_of3A_299] : memref<800000xf32, #tpu.memory_space<hbm>> -> memref<160xf32, #tpu.memory_space<hbm>>
        %dma_start3A_321 = tpu.memref_slice %arg8[%multiple_of3A_299] : memref<800000xf32, #tpu.memory_space<hbm>> -> memref<160xf32, #tpu.memory_space<hbm>>
        %dma_start3A_322 = arith.constant 0 : i32
        %dma_start3A_323 = tpu.memref_slice %arg14[%dma_start3A_322] : memref<10000xf32, #tpu.memory_space<vmem>> -> memref<160xf32, #tpu.memory_space<vmem>>
        tpu.enqueue_dma source(%dma_start3A_323 : memref<160xf32, #tpu.memory_space<vmem>>) target(%dma_start3A_321 : memref<160xf32, #tpu.memory_space<hbm>>) target_semaphore(%run_scoped3A : memref<!tpu.dma_semaphore, #tpu.memory_space<semaphore_mem>>)
        %dma_wait3A_324 = arith.constant 0 : i32
        %dma_wait3A_325 = tpu.memref_slice %arg14[%dma_wait3A_324] : memref<10000xf32, #tpu.memory_space<vmem>> -> memref<160xf32, #tpu.memory_space<vmem>>
        %dma_wait3A_326 = tpu.memref_slice %arg8[%multiple_of3A_299] : memref<800000xf32, #tpu.memory_space<hbm>> -> memref<160xf32, #tpu.memory_space<hbm>>
        %dma_wait3A_327 = tpu.memref_slice %arg8[%multiple_of3A_299] : memref<800000xf32, #tpu.memory_space<hbm>> -> memref<160xf32, #tpu.memory_space<hbm>>
        %dma_wait3A_328 = arith.constant 0 : i32
        %dma_wait3A_329 = tpu.memref_slice %arg14[%dma_wait3A_328] : memref<10000xf32, #tpu.memory_space<vmem>> -> memref<160xf32, #tpu.memory_space<vmem>>
        tpu.wait_dma2 semaphore(%run_scoped3A : memref<!tpu.dma_semaphore, #tpu.memory_space<semaphore_mem>>) src(%dma_wait3A_329 : memref<160xf32, #tpu.memory_space<vmem>>) dst(%dma_wait3A_327 : memref<160xf32, #tpu.memory_space<hbm>>)
        tpu.yield
      }) : () -> ()
      "tpu.region"() ({
        %run_scoped3A = tpu.sem_alloc : memref<!tpu.dma_semaphore, #tpu.memory_space<semaphore_mem>>
        %dma_start3A_318 = arith.constant 0 : i32
        %dma_start3A_319 = tpu.memref_slice %arg15[%dma_start3A_318] : memref<10000xf32, #tpu.memory_space<vmem>> -> memref<160xf32, #tpu.memory_space<vmem>>
        %dma_start3A_320 = arith.constant 99840 : i32
        %dma_start3A_321 = tpu.memref_slice %arg11[%dma_start3A_320] : memref<100000xf32, #tpu.memory_space<vmem_shared>> -> memref<160xf32, #tpu.memory_space<vmem_shared>>
        %dma_start3A_322 = arith.constant 0 : i32
        %dma_start3A_323 = tpu.memref_slice %arg15[%dma_start3A_322] : memref<10000xf32, #tpu.memory_space<vmem>> -> memref<160xf32, #tpu.memory_space<vmem>>
        %dma_start3A_324 = arith.constant 99840 : i32
        %dma_start3A_325 = tpu.memref_slice %arg11[%dma_start3A_324] : memref<100000xf32, #tpu.memory_space<vmem_shared>> -> memref<160xf32, #tpu.memory_space<vmem_shared>>
        tpu.enqueue_dma source(%dma_start3A_325 : memref<160xf32, #tpu.memory_space<vmem_shared>>) target(%dma_start3A_323 : memref<160xf32, #tpu.memory_space<vmem>>) target_semaphore(%run_scoped3A : memref<!tpu.dma_semaphore, #tpu.memory_space<semaphore_mem>>)
        %dma_wait3A_326 = arith.constant 0 : i32
        %dma_wait3A_327 = tpu.memref_slice %arg15[%dma_wait3A_326] : memref<10000xf32, #tpu.memory_space<vmem>> -> memref<160xf32, #tpu.memory_space<vmem>>
        %dma_wait3A_328 = arith.constant 99840 : i32
        %dma_wait3A_329 = tpu.memref_slice %arg11[%dma_wait3A_328] : memref<100000xf32, #tpu.memory_space<vmem_shared>> -> memref<160xf32, #tpu.memory_space<vmem_shared>>
        %dma_wait3A_330 = arith.constant 0 : i32
        %dma_wait3A_331 = tpu.memref_slice %arg15[%dma_wait3A_330] : memref<10000xf32, #tpu.memory_space<vmem>> -> memref<160xf32, #tpu.memory_space<vmem>>
        %dma_wait3A_332 = arith.constant 99840 : i32
        %dma_wait3A_333 = tpu.memref_slice %arg11[%dma_wait3A_332] : memref<100000xf32, #tpu.memory_space<vmem_shared>> -> memref<160xf32, #tpu.memory_space<vmem_shared>>
        tpu.wait_dma2 semaphore(%run_scoped3A : memref<!tpu.dma_semaphore, #tpu.memory_space<semaphore_mem>>) src(%dma_wait3A_333 : memref<160xf32, #tpu.memory_space<vmem_shared>>) dst(%dma_wait3A_331 : memref<160xf32, #tpu.memory_space<vmem>>)
        tpu.yield
      }) : () -> ()
      %mul3A_300 = arith.constant 4 : i32
      %mul3A_301 = arith.muli %arg0, %mul3A_300 : i32
      %mul3A_302 = arith.constant 100000 : i32
      %mul3A_303 = arith.muli %mul3A_301, %mul3A_302 : i32
      %add3A_304 = arith.constant 200000 : i32
      %add3A_305 = arith.addi %mul3A_303, %add3A_304 : i32
      %add3A_306 = arith.constant 99840 : i32
      %add3A_307 = arith.addi %add3A_305, %add3A_306 : i32
      %multiple_of3A_308 = tpu.assume_multiple %add3A_307, 8 : i32
      "tpu.region"() ({
        %run_scoped3A = tpu.sem_alloc : memref<!tpu.dma_semaphore, #tpu.memory_space<semaphore_mem>>
        %dma_start3A_318 = arith.constant 0 : i32
        %dma_start3A_319 = tpu.memref_slice %arg15[%dma_start3A_318] : memref<10000xf32, #tpu.memory_space<vmem>> -> memref<160xf32, #tpu.memory_space<vmem>>
        %dma_start3A_320 = tpu.memref_slice %arg8[%multiple_of3A_308] : memref<800000xf32, #tpu.memory_space<hbm>> -> memref<160xf32, #tpu.memory_space<hbm>>
        %dma_start3A_321 = tpu.memref_slice %arg8[%multiple_of3A_308] : memref<800000xf32, #tpu.memory_space<hbm>> -> memref<160xf32, #tpu.memory_space<hbm>>
        %dma_start3A_322 = arith.constant 0 : i32
        %dma_start3A_323 = tpu.memref_slice %arg15[%dma_start3A_322] : memref<10000xf32, #tpu.memory_space<vmem>> -> memref<160xf32, #tpu.memory_space<vmem>>
        tpu.enqueue_dma source(%dma_start3A_323 : memref<160xf32, #tpu.memory_space<vmem>>) target(%dma_start3A_321 : memref<160xf32, #tpu.memory_space<hbm>>) target_semaphore(%run_scoped3A : memref<!tpu.dma_semaphore, #tpu.memory_space<semaphore_mem>>)
        %dma_wait3A_324 = arith.constant 0 : i32
        %dma_wait3A_325 = tpu.memref_slice %arg15[%dma_wait3A_324] : memref<10000xf32, #tpu.memory_space<vmem>> -> memref<160xf32, #tpu.memory_space<vmem>>
        %dma_wait3A_326 = tpu.memref_slice %arg8[%multiple_of3A_308] : memref<800000xf32, #tpu.memory_space<hbm>> -> memref<160xf32, #tpu.memory_space<hbm>>
        %dma_wait3A_327 = tpu.memref_slice %arg8[%multiple_of3A_308] : memref<800000xf32, #tpu.memory_space<hbm>> -> memref<160xf32, #tpu.memory_space<hbm>>
        %dma_wait3A_328 = arith.constant 0 : i32
        %dma_wait3A_329 = tpu.memref_slice %arg15[%dma_wait3A_328] : memref<10000xf32, #tpu.memory_space<vmem>> -> memref<160xf32, #tpu.memory_space<vmem>>
        tpu.wait_dma2 semaphore(%run_scoped3A : memref<!tpu.dma_semaphore, #tpu.memory_space<semaphore_mem>>) src(%dma_wait3A_329 : memref<160xf32, #tpu.memory_space<vmem>>) dst(%dma_wait3A_327 : memref<160xf32, #tpu.memory_space<hbm>>)
        tpu.yield
      }) : () -> ()
      "tpu.region"() ({
        %run_scoped3A = tpu.sem_alloc : memref<!tpu.dma_semaphore, #tpu.memory_space<semaphore_mem>>
        %dma_start3A_318 = arith.constant 0 : i32
        %dma_start3A_319 = tpu.memref_slice %arg16[%dma_start3A_318] : memref<10000xf32, #tpu.memory_space<vmem>> -> memref<160xf32, #tpu.memory_space<vmem>>
        %dma_start3A_320 = arith.constant 99840 : i32
        %dma_start3A_321 = tpu.memref_slice %arg12[%dma_start3A_320] : memref<100000xf32, #tpu.memory_space<vmem_shared>> -> memref<160xf32, #tpu.memory_space<vmem_shared>>
        %dma_start3A_322 = arith.constant 0 : i32
        %dma_start3A_323 = tpu.memref_slice %arg16[%dma_start3A_322] : memref<10000xf32, #tpu.memory_space<vmem>> -> memref<160xf32, #tpu.memory_space<vmem>>
        %dma_start3A_324 = arith.constant 99840 : i32
        %dma_start3A_325 = tpu.memref_slice %arg12[%dma_start3A_324] : memref<100000xf32, #tpu.memory_space<vmem_shared>> -> memref<160xf32, #tpu.memory_space<vmem_shared>>
        tpu.enqueue_dma source(%dma_start3A_325 : memref<160xf32, #tpu.memory_space<vmem_shared>>) target(%dma_start3A_323 : memref<160xf32, #tpu.memory_space<vmem>>) target_semaphore(%run_scoped3A : memref<!tpu.dma_semaphore, #tpu.memory_space<semaphore_mem>>)
        %dma_wait3A_326 = arith.constant 0 : i32
        %dma_wait3A_327 = tpu.memref_slice %arg16[%dma_wait3A_326] : memref<10000xf32, #tpu.memory_space<vmem>> -> memref<160xf32, #tpu.memory_space<vmem>>
        %dma_wait3A_328 = arith.constant 99840 : i32
        %dma_wait3A_329 = tpu.memref_slice %arg12[%dma_wait3A_328] : memref<100000xf32, #tpu.memory_space<vmem_shared>> -> memref<160xf32, #tpu.memory_space<vmem_shared>>
        %dma_wait3A_330 = arith.constant 0 : i32
        %dma_wait3A_331 = tpu.memref_slice %arg16[%dma_wait3A_330] : memref<10000xf32, #tpu.memory_space<vmem>> -> memref<160xf32, #tpu.memory_space<vmem>>
        %dma_wait3A_332 = arith.constant 99840 : i32
        %dma_wait3A_333 = tpu.memref_slice %arg12[%dma_wait3A_332] : memref<100000xf32, #tpu.memory_space<vmem_shared>> -> memref<160xf32, #tpu.memory_space<vmem_shared>>
        tpu.wait_dma2 semaphore(%run_scoped3A : memref<!tpu.dma_semaphore, #tpu.memory_space<semaphore_mem>>) src(%dma_wait3A_333 : memref<160xf32, #tpu.memory_space<vmem_shared>>) dst(%dma_wait3A_331 : memref<160xf32, #tpu.memory_space<vmem>>)
        tpu.yield
      }) : () -> ()
      %mul3A_309 = arith.constant 4 : i32
      %mul3A_310 = arith.muli %arg0, %mul3A_309 : i32
      %mul3A_311 = arith.constant 100000 : i32
      %mul3A_312 = arith.muli %mul3A_310, %mul3A_311 : i32
      %add3A_313 = arith.constant 300000 : i32
      %add3A_314 = arith.addi %mul3A_312, %add3A_313 : i32
      %add3A_315 = arith.constant 99840 : i32
      %add3A_316 = arith.addi %add3A_314, %add3A_315 : i32
      %multiple_of3A_317 = tpu.assume_multiple %add3A_316, 8 : i32
      "tpu.region"() ({
        %run_scoped3A = tpu.sem_alloc : memref<!tpu.dma_semaphore, #tpu.memory_space<semaphore_mem>>
        %dma_start3A_318 = arith.constant 0 : i32
        %dma_start3A_319 = tpu.memref_slice %arg16[%dma_start3A_318] : memref<10000xf32, #tpu.memory_space<vmem>> -> memref<160xf32, #tpu.memory_space<vmem>>
        %dma_start3A_320 = tpu.memref_slice %arg8[%multiple_of3A_317] : memref<800000xf32, #tpu.memory_space<hbm>> -> memref<160xf32, #tpu.memory_space<hbm>>
        %dma_start3A_321 = tpu.memref_slice %arg8[%multiple_of3A_317] : memref<800000xf32, #tpu.memory_space<hbm>> -> memref<160xf32, #tpu.memory_space<hbm>>
        %dma_start3A_322 = arith.constant 0 : i32
        %dma_start3A_323 = tpu.memref_slice %arg16[%dma_start3A_322] : memref<10000xf32, #tpu.memory_space<vmem>> -> memref<160xf32, #tpu.memory_space<vmem>>
        tpu.enqueue_dma source(%dma_start3A_323 : memref<160xf32, #tpu.memory_space<vmem>>) target(%dma_start3A_321 : memref<160xf32, #tpu.memory_space<hbm>>) target_semaphore(%run_scoped3A : memref<!tpu.dma_semaphore, #tpu.memory_space<semaphore_mem>>)
        %dma_wait3A_324 = arith.constant 0 : i32
        %dma_wait3A_325 = tpu.memref_slice %arg16[%dma_wait3A_324] : memref<10000xf32, #tpu.memory_space<vmem>> -> memref<160xf32, #tpu.memory_space<vmem>>
        %dma_wait3A_326 = tpu.memref_slice %arg8[%multiple_of3A_317] : memref<800000xf32, #tpu.memory_space<hbm>> -> memref<160xf32, #tpu.memory_space<hbm>>
        %dma_wait3A_327 = tpu.memref_slice %arg8[%multiple_of3A_317] : memref<800000xf32, #tpu.memory_space<hbm>> -> memref<160xf32, #tpu.memory_space<hbm>>
        %dma_wait3A_328 = arith.constant 0 : i32
        %dma_wait3A_329 = tpu.memref_slice %arg16[%dma_wait3A_328] : memref<10000xf32, #tpu.memory_space<vmem>> -> memref<160xf32, #tpu.memory_space<vmem>>
        tpu.wait_dma2 semaphore(%run_scoped3A : memref<!tpu.dma_semaphore, #tpu.memory_space<semaphore_mem>>) src(%dma_wait3A_329 : memref<160xf32, #tpu.memory_space<vmem>>) dst(%dma_wait3A_327 : memref<160xf32, #tpu.memory_space<hbm>>)
        tpu.yield
      }) : () -> ()
    } else {
    }
    return
  }
}

</mosaic_0001>

<sc_bundles>
// kernel: kernel.4.cloned.1.call-start
scs
__scs_entry_jumppad:
0x0: {  	(pc) =	sbr.rel $0x88, $3  }
0x1: {  	(tag) =	ssettag $0x0;
	lr =	simm.s32 $0x1  }
0x2: {  	[smem:$0x3F9E] =	sst lr;
	_ =	strace $0xD0000000  }
0x3: {  	_ = 	snop  }
0x4: {  	_ = 	snop  }
0x5: {  	_ = 	snop  }
0x6: {  	_ = 	snop  }
0x7: {  	_ = 	snop  }
__scs_overlays_trampoline_lowered:
0x8: {  	[smem:$0x3FAD] =	sst s0  }
0x9: {  	[smem:$0x3FAE] =	sst s1  }
0xa: {  	[smem:$0x3FAF] =	sst s2  }
0xb: {  	[smem:$0x3FB0] =	sst s3  }
0xc: {  	[smem:$0x3FB1] =	sst s4  }
0xd: {  	[smem:$0x3FB2] =	sst s5  }
0xe: {  	[smem:$0x3FB3] =	sst s6  }
0xf: {  	[smem:$0x3FB4] =	sst s7  }
0x10: {  	[smem:$0x3FB5] =	sst s8  }
0x11: {  	[smem:$0x3FB6] =	sst s9;
	s0 =	simm.s32 @!p0 $0x0  }
0x12: {  	s1 =	sld [smem:$0x3F9C];
	s0 =	simm.s32 @p0 $0x1  }
0x13: {  	[smem:$0x3FB7] =	sst s0;
	s0 =	simm.s32 @!p1 $0x0  }
0x14: {  	s2 =	sld [smem:$0x3F9B];
	s0 =	simm.s32 @p1 $0x1  }
0x15: {  	[smem:$0x3FB8] =	sst s0;
	s0 =	simm.s32 @!p2 $0x0  }
0x16: {  	s3 =	sld [smem:$0x3FDB];
	s0 =	simm.s32 @p2 $0x1  }
0x17: {  	s4 =	simm.s32 $0x1BF5;
	[smem:$0x3FBA] =	sst s0  }
0x18: {  	s0 =	sld [smem:$0x3F9D];
	_ =	swait.ge [sflag:s4], $0x0  }
0x19: {  	s7 =	sld [smem:$0x3F9E]  }
0x1a: {  	s8 =	sadd.s32 $0xFFFFE003, lr  }
0x1b: {  	s9 =	sadd.s32 $0xFFFFFEF7, lr;
	s5 =	simm.s32 $0xFFFFFFFF;
	p2 =	slt.u32 s8, $0xFFFFF086  }
0x1c: {  	p1 =	slt.u32 s9, $0xF7A;
	s5 =	simm.s32 @!p2 $0x0  }
0x1d: {  	s5 =	simm.s32 @p1 $0x1;
	p0 =	seq.s32 s7, s2  }
0x1e: {  	s7 =	smul.u32 @!p0 $0xF7A, s2;
	p2 =	seq.s32 @!p0 s5, $0x0  }
0x1f: {  	s9 =	smul.u32 $0xF7A, s1;
	s8 =	simm.s32 @!p0 $0x1BF5;
	p2 =	por !p2, p0  }
0x20: {  	[sflag:s8] =	ssyncset.s32 @!p0 $0xFFFFF086;
	s6 =	sadd.s32 @!p0 s3, s7;
	s7 =	simm.s32 @!p0 $0x108  }
0x21: {  	s3 =	sadd.s32 s3, s9;
	s6 =	sadd.s32 @!p0 $0x88, s6;
	s7 =	simm.s32 @p2 $0x1082  }
0x22: {  	[simem:s7], [sflag:s8] =	dma.local @!p0 [hbm:s6], $0xF7A  }
0x23: {  	s9 =	sor.u32 $0xD0000000, s2;
	s6 =	simm.s32 $0x108;
	_ =	swait.ge @!p0 [sflag:s8], $0x0  }
0x24: {  	s3 =	sadd.s32 $0x88, s3;
	s6 =	simm.s32 @!p1 $0x1082;
	[sflag:s4] =	ssyncset.s32 $0xFFFFF086  }
0x25: {  	[simem:s6], [sflag:s4] =	dma.local [hbm:s3], $0xF7A  }
0x26: {  	[smem:$0x3F9E] =	sst s1;
	(tag) =	ssettag s2;
	_ =	strace s9  }
0x27: {  	s1 =	sld [smem:$0x3FAE]  }
0x28: {  	s2 =	sld [smem:$0x3FAF]  }
0x29: {  	s4 =	sld [smem:$0x3FB1]  }
0x2a: {  	p0 =	seq.s32 s5, $0x0;
	s5 =	sld [smem:$0x3FB2]  }
0x2b: {  	s6 =	sld [smem:$0x3FB3]  }
0x2c: {  	s7 =	sld [smem:$0x3FB4]  }
0x2d: {  	s3 =	simm.s32 $0x108;
	s8 =	sld [smem:$0x3FB5]  }
0x2e: {  	s3 =	simm.s32 @!p0 $0x1082;
	s9 =	sld [smem:$0x3FB6]  }
0x2f: {  	lr =	sadd.s32 s0, s3;
	s0 =	sld [smem:$0x3FAD]  }
0x30: {  	s3 =	sld [smem:$0x3FB0]  }
0x31: {  	[smem:$0x3FB9] =	sst s10  }
0x32: {  	s10 =	sld [smem:$0x3FB7];
	_ =	sdelay $0x3  }
0x33: {  	p0 =	seq.s32 s10, $0x1;
	s10 =	sld [smem:$0x3FB9];
	_ =	sdelay $0x3  }
0x34: {  	[smem:$0x3FB9] =	sst s10  }
0x35: {  	s10 =	sld [smem:$0x3FB8];
	_ =	sdelay $0x3  }
0x36: {  	p1 =	seq.s32 s10, $0x1;
	s10 =	sld [smem:$0x3FB9];
	_ =	sdelay $0x3  }
0x37: {  	[smem:$0x3FB9] =	sst s10  }
0x38: {  	s10 =	sld [smem:$0x3FBA]  }
0x39: {  	_ = 	snop;
	(pc) =	sbr.ind lr, $3  }
0x3a: {  	_ = 	snop  }
0x3b: {  	_ = 	snop  }
0x3c: {  	p2 =	seq.s32 s10, $0x1;
	s10 =	sld [smem:$0x3FB9]  }
0x3d: {  	_ =	shalt  }
0x3e: {  	_ =	shalt  }
0x3f: {  	_ =	shalt  }
0x40: {  	_ =	shalt  }
0x41: {  	_ =	shalt  }
0x42: {  	_ =	shalt  }
0x43: {  	_ =	shalt  }
0x44: {  	_ =	shalt  }
0x45: {  	_ =	shalt  }
0x46: {  	_ =	shalt  }
0x47: {  	_ =	shalt  }
0x48: {  	_ =	shalt  }
0x49: {  	_ =	shalt  }
0x4a: {  	_ =	shalt  }
0x4b: {  	_ =	shalt  }
0x4c: {  	_ =	shalt  }
0x4d: {  	_ =	shalt  }
0x4e: {  	_ =	shalt  }
0x4f: {  	_ =	shalt  }
0x50: {  	_ =	shalt  }
0x51: {  	_ =	shalt  }
0x52: {  	_ =	shalt  }
0x53: {  	_ =	shalt  }
0x54: {  	_ =	shalt  }
0x55: {  	_ =	shalt  }
0x56: {  	_ =	shalt  }
0x57: {  	_ =	shalt  }
0x58: {  	_ =	shalt  }
0x59: {  	_ =	shalt  }
0x5a: {  	_ =	shalt  }
0x5b: {  	_ =	shalt  }
0x5c: {  	_ =	shalt  }
0x5d: {  	_ =	shalt  }
0x5e: {  	_ =	shalt  }
0x5f: {  	_ =	shalt  }
0x60: {  	_ =	shalt  }
0x61: {  	_ =	shalt  }
0x62: {  	_ =	shalt  }
0x63: {  	_ =	shalt  }
0x64: {  	_ =	shalt  }
0x65: {  	_ =	shalt  }
0x66: {  	_ =	shalt  }
0x67: {  	_ =	shalt  }
0x68: {  	_ =	shalt  }
0x69: {  	_ =	shalt  }
0x6a: {  	_ =	shalt  }
0x6b: {  	_ =	shalt  }
0x6c: {  	_ =	shalt  }
0x6d: {  	_ =	shalt  }
0x6e: {  	_ =	shalt  }
0x6f: {  	_ =	shalt  }
0x70: {  	_ =	shalt  }
0x71: {  	_ =	shalt  }
0x72: {  	_ =	shalt  }
0x73: {  	_ =	shalt  }
0x74: {  	_ =	shalt  }
0x75: {  	_ =	shalt  }
0x76: {  	_ =	shalt  }
0x77: {  	_ =	shalt  }
0x78: {  	_ =	shalt  }
0x79: {  	_ =	shalt  }
0x7a: {  	_ =	shalt  }
0x7b: {  	_ =	shalt  }
0x7c: {  	_ =	shalt  }
0x7d: {  	_ =	shalt  }
0x7e: {  	_ =	shalt  }
0x7f: {  	_ =	shalt  }
0x80: {  	_ =	shalt  }
0x81: {  	_ =	shalt  }
0x82: {  	_ =	shalt  }
0x83: {  	_ =	shalt  }
0x84: {  	_ =	shalt  }
0x85: {  	_ =	shalt  }
0x86: {  	_ =	shalt  }
0x87: {  	_ =	shalt  }
.Lfunc_end0:
.L_simem_size_0:
called_computation_lowered:
.L_overlay_start_0:
0x88: {  	s2 =	sld [smem:$0x3FD9]  }
0x89: {  	s3 =	sld [smem:$0x3FFE];
	_ =	sdelay $0x1  }
0x8a: {  	s1 =	srdreg.scid  }
0x8b: {  	s0 =	sand.u32 $0x1, s1  }
0x8c: {  	s17 =	sshll.u32 s0, $0xA;
	s2 =	sadd.s32 s3, s2  }
0x8d: {  	s2 =	sadd.s32 s2, s17  }
0x8e: {  	[smem:$0x3FC5] =	sst s2  }
0x8f: {  	_ = 	snop  }
0x90: {  	s2 =	sld [smem:$0x3FC9]  }
0x91: {  	s18 =	sld [smem:$0x3FC7]  }
0x92: {  	s4 =	sld [smem:$0x3FD0];
	(tm) =	ssettm $0x1  }
0x93: {  	s5 =	sld [smem:$0x3FFB];
	_ =	sdelay $0x3  }
0x94: {  	_ =	strace s5  }
0x95: {  	s5 =	sld [smem:$0x3FFC];
	_ =	sdelay $0x3  }
0x96: {  	_ =	strace s5  }
0x97: {  	s5 =	sld [smem:$0x3FFD];
	_ =	sdelay $0x3  }
0x98: {  	_ =	strace s5  }
0x99: {  	_ =	strace $0x8FFFFFFF  }
0x9a: {  	s19 =	sld [smem:$0x3FDB];
	_ =	sdelay $0x1  }
0x9b: {  	s6 =	simm.s32 $_scs_section_size  }
0x9c: {  	s7 =	simm.s32 $_size__tile_overlayer_lowered;
	s8 =	simm.s32 $_tile_overlayer_lowered  }
0x9d: {  	s22 =	simm.s32 $0x1BFF;
	s21 =	sshll.u32 s8, $0x1;
	s5 =	sadd.s32 s6, s19  }
0x9e: {  	s9 =	simm.s32 $0x0;
	s20 =	sshll.u32 s7, $0x1;
	s7 =	sadd.s32 s21, s5  }
0x9f: {  	[timem:s9], [sflag:s22] =	dma.local [hbm:s7], s20  }
0xa0: {  	_ =	swait.ge [sflag:s22], s20  }
0xa1: {  	s6 =	ssub.s32 $0x0, s20;
	[sflag:s22] =	ssyncset.done $0x0  }
0xa2: {  	[sflag:s22] =	ssyncadd.s32 s6;
	_ =	sdelay $0x1  }
0xa3: {  	s23 =	simm.s32 $0x1B8B  }
0xa4: {  	_ =	swait.ge [sflag:s23], $0x1  }
0xa5: {  	[sflag:s23] =	ssyncset.done $0x0  }
0xa6: {  	s25 =	simm.s32 $0x1B8E;
	s24 =	sld [smem:$0x3FFE];
	[sflag:s23] =	ssyncadd.s32 $0xFFFFFFFF  }
0xa7: {  	s26 =	simm.s32 $execute0_lowered;
	[smem:$0x3FD2] =	sst s25  }
0xa8: {  	s7 =	sshll.u32 s26, $0x1;
	_ =	strace $0x80000046;
	[dreg:$0x1] =	wrdreg $0xFFFFFFFF  }
0xa9: {  	s28 =	simm.s32 $_size_execute0_lowered;
	s5 =	sadd.s32 s5, s7;
	[dreg:$0x0] =	wrdreg $0x0  }
0xaa: {  	s7 =	sshll.u32 s28, $0x1;
	[dreg:$0x2] =	wrdreg s5  }
0xab: {  	[dreg:$0x3] =	wrdreg s7  }
0xac: {  	[dreg:$0x4] =	wrdreg $0xC0  }
0xad: {  	_ =	task [dreg:s9], $0x5FFFF  }
0xae: {  	[dreg:$0x1] =	wrdreg $0xFFFFFFFF  }
0xaf: {  	[dreg:$0x0] =	wrdreg $0x60  }
0xb0: {  	[dreg:$0x2] =	wrdreg s2  }
0xb1: {  	[dreg:$0x3] =	wrdreg s24  }
0xb2: {  	[dreg:$0x4] =	wrdreg s18  }
0xb3: {  	[dreg:$0x5] =	wrdreg s4  }
0xb4: {  	[dreg:$0x6] =	wrdreg $0x0  }
0xb5: {  	[dreg:$0x7] =	wrdreg $0x18700  }
0xb6: {  	[dreg:$0x8] =	wrdreg $0x30E00  }
0xb7: {  	[dreg:$0x9] =	wrdreg $0x49500  }
0xb8: {  	[dreg:$0xa] =	wrdreg $0x9  }
0xb9: {  	_ =	task.clear_ibuf [dreg:s9], $0xBFFFF;
	_ =	strace $0x90000046  }
0xba: {  	s29 =	simm.s32 $0x9;
	_ =	strace $0x80000048  }
0xbb: {  	_ =	swait.ge [sflag:s29], $0x1  }
0xbc: {  	[sflag:s29] =	ssyncadd.s32 $0xFFFFFFFF  }
0xbd: {  	_ =	strace $0x90000048  }
0xbe: {  	_ =	sfence  }
0xbf: {  	s30 =	sld [smem:$0x0];
	_ =	sdelay $0x2  }
0xc0: {  	s31 =	sshll.u32 s1, $0xD;
	s1 =	sshrl.u32 s1, $0x2  }
0xc1: {  	s3 =	sand.u32 $0x4000, s31;
	s1 =	sadd.s32 s1, s30  }
0xc2: {  	s0 =	sor.u32 s3, s0;
	s1 =	sshll.u32 s1, $0x11  }
0xc3: {  	s0 =	sor.u32 s1, s0  }
0xc4: {  	s0 =	sadd.s32 $0x8F2B, s0  }
0xc5: {  	[sflag:s0] =	ssyncadd.remote.s32 $0x1  }
0xc6: {  	_ =	sfence.sel $0xFFFF  }
0xc7: {  	[dreg:$0x0] =	wrdreg $0xFFFFFFFF;
	(pc) =	sbr.abs _section_cstart, $3  }
0xc8: {  	[dreg:$0x1] =	wrdreg $0xFFFFFFFF  }
0xc9: {  	_ =	task.clear_ibuf [dreg:s9], $0x2FFFF;
	_ =	strace $0x9FFFFFFF  }
0xca: {  	(tm) =	ssettm $0x7FFFFFFF  }
0xcb: {  	_ =	shalt  }
tec
execute0_lowered:
.L_overlay_start_1:
0x0: {  	(tag) =	ssettag $0x1  }
0x1: {  	s0 =	srdreg.scid  }
0x2: {  	s1 =	sand.u32 $0x1, s0  }
0x3: {  	s3 =	stileid.u32;
	s0 =	sshll.u32 s1, $0x4  }
0x4: {  	s5 =	sor.u32 s3, s0  }
0x5: {  	s2 =	rddreg [dreg:$0x0];
	s5 =	smul.u32 $0xC350, s5  }
0x6: {  	s4 =	rddreg [dreg:$0x1]  }
0x7: {  	s6 =	rddreg [dreg:$0x2];
	s0 =	simm.s32 $0x0;
	s5 =	sshrl.u32 s5, $0x3  }
0x8: {  	[smem:$0x7FF] =	sst s0;
	s11 =	sadd.s32 $0x4E2, s5;
	s18 =	sadd.s32 s2, s5  }
0x9: {  	s7 =	sadd.s32 $0x61C00, s4;
	[dreg:$0x9] =	wrdreg s18;
	s19 =	sadd.s32 s2, s11  }
0xa: {  	s9 =	sadd.s32 $0x30E00, s4;
	s20 =	sadd.s32 s7, s11;
	[dreg:$0xa] =	wrdreg s19  }
0xb: {  	s21 =	sadd.s32 s9, s11;
	[dreg:$0xb] =	wrdreg s20  }
0xc: {  	s12 =	sadd.s32 s4, s11;
	[dreg:$0xc] =	wrdreg s21  }
0xd: {  	s22 =	sadd.s32 $0x9C4, s5;
	s11 =	sadd.s32 s6, s11;
	[dreg:$0xd] =	wrdreg s12  }
0xe: {  	s23 =	sadd.s32 s2, s22;
	[dreg:$0xe] =	wrdreg s11  }
0xf: {  	s8 =	ssub.s32 $0x2, s1;
	s24 =	sadd.s32 s7, s22;
	[dreg:$0xf] =	wrdreg s23  }
0x10: {  	s10 =	sshrl.u32 s8, $0x1;
	s25 =	sadd.s32 s9, s22;
	[dreg:$0x10] =	wrdreg s24  }
0x11: {  	s8 =	ssub.s32 s8, s10;
	s13 =	sadd.s32 s4, s22;
	[dreg:$0x11] =	wrdreg s25  }
0x12: {  	s26 =	sadd.s32 $0xEA6, s5;
	s10 =	sadd.s32 s6, s22;
	[dreg:$0x12] =	wrdreg s13  }
0x13: {  	s14 =	sadd.s32 s2, s26;
	[dreg:$0x13] =	wrdreg s10  }
0x14: {  	s15 =	sadd.s32 s7, s26;
	[dreg:$0x14] =	wrdreg s14  }
0x15: {  	s16 =	sadd.s32 s9, s26;
	[dreg:$0x15] =	wrdreg s15  }
0x16: {  	s17 =	sadd.s32 s4, s26;
	[dreg:$0x16] =	wrdreg s16  }
0x17: {  	s18 =	sadd.s32 s6, s26;
	[dreg:$0x17] =	wrdreg s17  }
0x18: {  	s22 =	sadd.s32 s6, s5;
	[dreg:$0x18] =	wrdreg s18  }
0x19: {  	[dreg:$0x1c] =	wrdreg s22  }
0x1a: {  	s24 =	rddreg [dreg:$0x4]  }
0x1b: {  	s29 =	simm.s32 $0x14C20;
	s30 =	simm.s32 $0x19A40;
	s15 =	rddreg [dreg:$0x6]  }
0x1c: {  	p0 =	sne.s32 s3, $0x0;
	s19 =	sadd.s32 s7, s5;
	s17 =	rddreg [dreg:$0x7]  }
0x1d: {  	s1 =	smul.u32 $0x61A80, s1;
	s20 =	sadd.s32 s9, s5;
	[dreg:$0x19] =	wrdreg s19  }
0x1e: {  	s21 =	sadd.s32 s4, s5;
	s5 =	sadd.s32 $0x1388, s5;
	[dreg:$0x1a] =	wrdreg s20  }
0x1f: {  	s25 =	smul.u32 $0x1860, s3;
	[dreg:$0x1b] =	wrdreg s21;
	s2 =	sadd.s32 s2, s5  }
0x20: {  	s23 =	sadd.s32 s7, s5;
	s26 =	sadd.s32 s9, s5;
	s9 =	rddreg [dreg:$0x5]  }
0x21: {  	s6 =	sadd.s32 s6, s5;
	s14 =	sadd.s32 s4, s5;
	[dreg:$0x1d] =	wrdreg s2  }
0x22: {  	s4 =	sadd.s32 $0x92A00, s4;
	s21 =	smax.u32 s8, $0x1;
	[dreg:$0x1e] =	wrdreg s23  }
0x23: {  	s13 =	sadd.s32 $0x18600, s24;
	s31 =	smov.u32 s15;
	[dreg:$0x1f] =	wrdreg s26  }
0x24: {  	s5 =	sadd.s32 $0x18600, s15;
	s28 =	smov.u32 s17;
	[smem:$0x7F1] =	sst s6  }
0x25: {  	s7 =	simm.s32 $0x1C150;
	s8 =	simm.s32 $0x2710;
	[smem:$0x7F2] =	sst s14  }
0x26: {  	s16 =	sadd.s32 s25, s1;
	s1 =	sshrl.u32 s1, $0x3;
	s22 =	sadd.s32 s25, s24  }
0x27: {  	s11 =	sadd.s32 s25, s15;
	s12 =	sadd.s32 s25, s17;
	s26 =	sadd.s32 $0x18600, s9  }
0x28: {  	s6 =	sadd.s32 $0x18600, s17;
	_ =	strace $0x80000047;
	[smem:$0x7F7] =	sst s21  }
0x29: {  	s17 =	simm.s32 $0x61C0;
	s1 =	sadd.s32 s4, s1;
	[smem:$0x7FC] =	sst s6  }
0x2a: {  	s14 =	simm.s32 $0x3;
	[smem:$0x7FD] =	sst s5;
	s18 =	sadd.s32 $0x30C0, s1  }
0x2b: {  	s15 =	simm.s32 $0x4;
	s19 =	sadd.s32 $0x6194, s1;
	[smem:$0x7F3] =	sst s18  }
0x2c: {  	s2 =	sshrl.u32 s16, $0x3;
	s20 =	sadd.s32 $0x9268, s1;
	[smem:$0x7F4] =	sst s19  }
0x2d: {  	s21 =	simm.s32 $0xD6F0;
	s1 =	sadd.s32 $0xC33C, s1;
	[smem:$0x7F5] =	sst s20  }
0x2e: {  	s16 =	simm.s32 $0x0;
	s2 =	sadd.s32 s4, s2;
	[smem:$0x7F6] =	sst s1  }
0x2f: {  	s4 =	sadd.s32 s25, s9;
	s23 =	sadd.s32 $0x30D4, s2;
	[smem:$0x7FA] =	sst s2  }
0x30: {  	s9 =	simm.s32 $0x2;
	s24 =	sadd.s32 $0x61A8, s2;
	[smem:$0x7F8] =	sst s23  }
0x31: {  	s25 =	sadd.s32 $0x927C, s2;
	s18 =	simm.s32 $0x5;
	[smem:$0x7F9] =	sst s24  }
0x32: {  	s19 =	simm.s32 $0x88D0;
	s20 =	simm.s32 $0xAFE0;
	[smem:$0x7FB] =	sst s25  }
0x33: {  	s23 =	simm.s32 $0xFE00;
	s25 =	simm.s32 $0x1;
	s24 =	simm.s32 $0x17330  }
.LBB2_1:
0x34: {  	s1 =	rddreg [dreg:$0x3]  }
0x35: {  	[tilespmem:s17], [sflag:$0x5] =	stream.linear.gather [hbm4b:s1+s0], $0x1860, $0x38;
	[tilespmem:$0x1E860] =	vst v63  }
0x36: {  	_ =	swait.ge [sflag:s18], $0x1860  }
0x37: {  	[sflag:s18] =	ssyncset.done $0x0  }
0x38: {  	[sflag:s18] =	ssyncadd.s32 $0xFFFFE7A0  }
0x39: {  	[spmem:s22] =	stream.linear.scatter [tilespmem:s17], [sflag:$0x5], $0x1860, $0x38;
	[tilespmem:$0x1E860] =	vst v63  }
0x3a: {  	_ =	swait.ge [sflag:s18], $0x1860  }
0x3b: {  	[sflag:s18] =	ssyncset.done $0x0  }
0x3c: {  	[sflag:s18] =	ssyncadd.s32 $0xFFFFE7A0  }
0x3d: {  	[spmem:s4] =	stream.linear.scatter [tilespmem:s17], [sflag:$0x5], $0x1860, $0x38;
	[tilespmem:$0x1E860] =	vst v63  }
0x3e: {  	_ =	swait.ge [sflag:s18], $0x1860  }
0x3f: {  	[sflag:s18] =	ssyncset.done $0x0  }
0x40: {  	[sflag:s18] =	ssyncadd.s32 $0xFFFFE7A0  }
0x41: {  	[spmem:s11] =	stream.linear.scatter [tilespmem:s17], [sflag:$0x5], $0x1860, $0x38;
	[tilespmem:$0x1E860] =	vst v63  }
0x42: {  	_ =	swait.ge [sflag:s18], $0x1860  }
0x43: {  	[sflag:s18] =	ssyncset.done $0x0  }
0x44: {  	[sflag:s18] =	ssyncadd.s32 $0xFFFFE7A0  }
0x45: {  	[spmem:s12] =	stream.linear.scatter [tilespmem:s17], [sflag:$0x5], $0x1860, $0x38;
	[tilespmem:$0x1E860] =	vst v63  }
0x46: {  	_ =	swait.ge [sflag:s18], $0x1860  }
0x47: {  	s3 =	smov.u32 s22;
	[sflag:s18] =	ssyncset.done $0x0  }
0x48: {  	s1 =	simm.s32 @!p0 $0x61C0;
	s22 =	simm.s32 @!p0 $0x5;
	[sflag:s18] =	ssyncadd.s32 $0xFFFFE7A0  }
0x49: {  	[spmem:s13] =	stream.linear.scatter @!p0 [tilespmem:s1], [sflag:$0x5], $0xA0, $0x38;
	[tilespmem:$0x1E860] =	vst v63  }
0x4a: {  	_ =	swait.ge @!p0 [sflag:s22], $0xA0  }
0x4b: {  	[sflag:s22] =	ssyncset.done @!p0 $0x0  }
0x4c: {  	[sflag:s22] =	ssyncadd.s32 @!p0 $0xFFFFFF60  }
0x4d: {  	[spmem:s26] =	stream.linear.scatter @!p0 [tilespmem:s1], [sflag:$0x5], $0xA0, $0x38;
	[tilespmem:$0x1E860] =	vst v63  }
0x4e: {  	_ =	swait.ge @!p0 [sflag:s22], $0xA0  }
0x4f: {  	[sflag:s22] =	ssyncset.done @!p0 $0x0  }
0x50: {  	s2 =	smov.u32 s5;
	[sflag:s22] =	ssyncadd.s32 @!p0 $0xFFFFFF60  }
0x51: {  	[spmem:s2] =	stream.linear.scatter @!p0 [tilespmem:s1], [sflag:$0x5], $0xA0, $0x38;
	[tilespmem:$0x1E860] =	vst v63  }
0x52: {  	_ =	swait.ge @!p0 [sflag:s22], $0xA0  }
0x53: {  	[sflag:s22] =	ssyncset.done @!p0 $0x0  }
0x54: {  	[sflag:s22] =	ssyncadd.s32 @!p0 $0xFFFFFF60  }
0x55: {  	[spmem:s6] =	stream.linear.scatter @!p0 [tilespmem:s1], [sflag:$0x5], $0xA0, $0x38;
	[tilespmem:$0x1E860] =	vst v63  }
0x56: {  	_ =	swait.ge @!p0 [sflag:s22], $0xA0  }
0x57: {  	[sflag:s22] =	ssyncset.done @!p0 $0x0  }
0x58: {  	[sflag:s22] =	ssyncadd.s32 @!p0 $0xFFFFFF60  }
0x59: {  	[bflag:$0x0] =	sbarrier.arrive $0xFFFF  }
0x5a: {  	s10 =	smov.u32 s4;
	s4 =	rddreg [dreg:$0x9]  }
0x5b: {  	[tilespmem:s17], [sflag:$0x1] =	stream.linear.gather [hbm4b:s4+s0], $0x2710, $0x38;
	[tilespmem:$0x1E860] =	vst v63  }
0x5c: {  	s6 =	rddreg [dreg:$0x19]  }
0x5d: {  	[tilespmem:s19], [sflag:$0x1] =	stream.linear.gather [hbm4b:s6+s0], $0x2710, $0x38;
	[tilespmem:$0x1E860] =	vst v63  }
0x5e: {  	s22 =	rddreg [dreg:$0x1a]  }
0x5f: {  	[tilespmem:s20], [sflag:$0x1] =	stream.linear.gather [hbm4b:s22+s0], $0x2710, $0x38;
	[tilespmem:$0x1E860] =	vst v63  }
0x60: {  	s5 =	smov.u32 s26;
	s26 =	rddreg [dreg:$0x1b]  }
0x61: {  	[tilespmem:s21], [sflag:$0x1] =	stream.linear.gather [hbm4b:s26+s0], $0x2710, $0x38;
	[tilespmem:$0x1E860] =	vst v63  }
0x62: {  	s2 =	rddreg [dreg:$0x1c]  }
0x63: {  	[tilespmem:s23], [sflag:$0x1] =	stream.linear.gather [hbm4b:s2+s0], $0x2710, $0x38;
	[tilespmem:$0x1E860] =	vst v63  }
0x64: {  	_ =	swait.ge [sflag:s25], $0x2710  }
0x65: {  	[sflag:s25] =	ssyncset.done $0x0  }
0x66: {  	[sflag:s25] =	ssyncadd.s32 $0xFFFFD8F0  }
0x67: {  	_ =	swait.ge [sflag:s25], $0x2710  }
0x68: {  	[sflag:s25] =	ssyncset.done $0x0  }
0x69: {  	[sflag:s25] =	ssyncadd.s32 $0xFFFFD8F0  }
0x6a: {  	_ =	swait.ge [sflag:s25], $0x2710  }
0x6b: {  	[sflag:s25] =	ssyncset.done $0x0  }
0x6c: {  	[sflag:s25] =	ssyncadd.s32 $0xFFFFD8F0  }
0x6d: {  	_ =	swait.ge [sflag:s25], $0x2710  }
0x6e: {  	[sflag:s25] =	ssyncset.done $0x0  }
0x6f: {  	[sflag:s25] =	ssyncadd.s32 $0xFFFFD8F0  }
0x70: {  	_ =	swait.ge [sflag:s25], $0x2710  }
0x71: {  	[sflag:s25] =	ssyncset.done $0x0  }
0x72: {  	s26 =	simm.s32 $0x12510;
	s4 =	rddreg [dreg:$0xa];
	[sflag:s25] =	ssyncadd.s32 $0xFFFFD8F0  }
0x73: {  	[tilespmem:s26], [sflag:$0x2] =	stream.linear.gather [hbm4b:s4+s0], $0x2710, $0x38;
	[tilespmem:$0x1E860] =	vst v63  }
0x74: {  	s6 =	rddreg [dreg:$0xb]  }
0x75: {  	[tilespmem:s29], [sflag:$0x2] =	stream.linear.gather [hbm4b:s6+s0], $0x2710, $0x38;
	[tilespmem:$0x1E860] =	vst v63  }
0x76: {  	s22 =	rddreg [dreg:$0xc]  }
0x77: {  	[tilespmem:s24], [sflag:$0x2] =	stream.linear.gather [hbm4b:s22+s0], $0x2710, $0x38;
	[tilespmem:$0x1E860] =	vst v63  }
0x78: {  	s29 =	rddreg [dreg:$0xd]  }
0x79: {  	[tilespmem:s30], [sflag:$0x2] =	stream.linear.gather [hbm4b:s29+s0], $0x2710, $0x38;
	[tilespmem:$0x1E860] =	vst v63  }
0x7a: {  	s22 =	simm.s32 $0x0;
	s30 =	rddreg [dreg:$0xe]  }
0x7b: {  	[tilespmem:s7], [sflag:$0x2] =	stream.linear.gather [hbm4b:s30+s0], $0x2710, $0x38;
	[tilespmem:$0x1E860] =	vst v63  }
0x7c: {  	v0 =	vld [tilespmem:s22+$0x61C0]  }
0x7d: {  	v1 =	vld [tilespmem:s22+$0x88D0]  }
0x7e: {  	s1 =	simm.s32 $0x40;
	s4 =	smov.u32 s13;
	v2 =	vld [tilespmem:s22+$0xAFE0]  }
.LBB2_2:
0x7f: {  	p1 =	sne.s32 s1, $0x9C00;
	v3 =	vld [tilespmem:s22+$0xD6F0];
	_ =	sdelay $0x2  }
.Ltmp0:
0x80: {  	v1 =	vmul.f32 v1, v0;
	(pc) =	sbr.rel @p1 .LBB2_2-.Ltmp0, $4  }
0x81: {  	s2 =	sshra.s32 s1, $0x2;
	v2 =	vmul.f32 v2, v0  }
0x82: {  	[tilespmem:s22+$0x88D0] =	vst v1;
	v3 =	vmul.f32 v3, v0;
	v0 =	vld [tilespmem:s2+$0x61C0]  }
0x83: {  	v1 =	vld [tilespmem:s2+$0x88D0];
	[tilespmem:s22+$0xAFE0] =	vst v2  }
0x84: {  	s1 =	sadd.s32 $0x40, s1;
	v2 =	vld [tilespmem:s2+$0xAFE0];
	[tilespmem:s22+$0xD6F0] =	vst v3;
	s22 =	smov.u32 s2  }
0x85: {  	v3 =	vld [tilespmem:s22+$0xD6F0];
	_ =	sdelay $0x2  }
0x86: {  	v1 =	vmul.f32 v1, v0  }
0x87: {  	v2 =	vmul.f32 v2, v0  }
0x88: {  	[tilespmem:s22+$0x88D0] =	vst v1;
	v0 =	vmul.f32 v3, v0  }
0x89: {  	[tilespmem:s22+$0xAFE0] =	vst v2  }
0x8a: {  	s1 =	rddreg [dreg:$0x4];
	[tilespmem:s22+$0xD6F0] =	vst v0  }
0x8b: {  	[spmem:s1] =	stream.indirect.scatter.add.f32 [tilespmem:s17], [sflag:$0x3], $0x1, s23, s8, $0xb8;
	[tilespmem:$0x1E860] =	vst v63  }
0x8c: {  	s6 =	rddreg [dreg:$0x5]  }
0x8d: {  	[spmem:s6] =	stream.indirect.scatter.add.f32 [tilespmem:s19], [sflag:$0x3], $0x1, s23, s8, $0xb8;
	[tilespmem:$0x1E860] =	vst v63  }
0x8e: {  	_ = 	snop  }
0x8f: {  	[spmem:s31] =	stream.indirect.scatter.add.f32 [tilespmem:s20], [sflag:$0x3], $0x1, s23, s8, $0xb8;
	[tilespmem:$0x1E860] =	vst v63  }
0x90: {  	_ = 	snop  }
0x91: {  	[spmem:s28] =	stream.indirect.scatter.add.f32 [tilespmem:s21], [sflag:$0x3], $0x1, s23, s8, $0xb8;
	[tilespmem:$0x1E860] =	vst v63  }
0x92: {  	_ =	swait.ge [sflag:s9], $0x2710  }
0x93: {  	[sflag:s9] =	ssyncset.done $0x0  }
0x94: {  	[sflag:s9] =	ssyncadd.s32 $0xFFFFD8F0  }
0x95: {  	_ =	swait.ge [sflag:s9], $0x2710  }
0x96: {  	[sflag:s9] =	ssyncset.done $0x0  }
0x97: {  	[sflag:s9] =	ssyncadd.s32 $0xFFFFD8F0  }
0x98: {  	_ =	swait.ge [sflag:s9], $0x2710  }
0x99: {  	[sflag:s9] =	ssyncset.done $0x0  }
0x9a: {  	[sflag:s9] =	ssyncadd.s32 $0xFFFFD8F0  }
0x9b: {  	_ =	swait.ge [sflag:s9], $0x2710  }
0x9c: {  	[sflag:s9] =	ssyncset.done $0x0  }
0x9d: {  	[sflag:s9] =	ssyncadd.s32 $0xFFFFD8F0  }
0x9e: {  	_ =	swait.ge [sflag:s9], $0x2710  }
0x9f: {  	[sflag:s9] =	ssyncset.done $0x0  }
0xa0: {  	[sflag:s9] =	ssyncadd.s32 $0xFFFFD8F0  }
0xa1: {  	_ =	swait.ge [sflag:s14], $0x2710  }
0xa2: {  	[sflag:s14] =	ssyncset.done $0x0  }
0xa3: {  	[sflag:s14] =	ssyncadd.s32 $0xFFFFD8F0  }
0xa4: {  	_ =	swait.ge [sflag:s14], $0x2710  }
0xa5: {  	[sflag:s14] =	ssyncset.done $0x0  }
0xa6: {  	[sflag:s14] =	ssyncadd.s32 $0xFFFFD8F0  }
0xa7: {  	_ =	swait.ge [sflag:s14], $0x2710  }
0xa8: {  	[sflag:s14] =	ssyncset.done $0x0  }
0xa9: {  	[sflag:s14] =	ssyncadd.s32 $0xFFFFD8F0  }
0xaa: {  	_ =	swait.ge [sflag:s14], $0x2710  }
0xab: {  	[sflag:s14] =	ssyncset.done $0x0  }
0xac: {  	s13 =	simm.s32 $0x0;
	s2 =	rddreg [dreg:$0xf];
	[sflag:s14] =	ssyncadd.s32 $0xFFFFD8F0  }
0xad: {  	[tilespmem:s17], [sflag:$0x1] =	stream.linear.gather [hbm4b:s2+s13], $0x2710, $0x38;
	[tilespmem:$0x1E860] =	vst v63  }
0xae: {  	s22 =	rddreg [dreg:$0x10]  }
0xaf: {  	[tilespmem:s19], [sflag:$0x1] =	stream.linear.gather [hbm4b:s22+s13], $0x2710, $0x38;
	[tilespmem:$0x1E860] =	vst v63  }
0xb0: {  	s24 =	rddreg [dreg:$0x11]  }
0xb1: {  	[tilespmem:s20], [sflag:$0x1] =	stream.linear.gather [hbm4b:s24+s13], $0x2710, $0x38;
	[tilespmem:$0x1E860] =	vst v63  }
0xb2: {  	s29 =	rddreg [dreg:$0x12]  }
0xb3: {  	[tilespmem:s21], [sflag:$0x1] =	stream.linear.gather [hbm4b:s29+s13], $0x2710, $0x38;
	[tilespmem:$0x1E860] =	vst v63  }
0xb4: {  	s30 =	rddreg [dreg:$0x13];
	s22 =	simm.s32 $0x0  }
0xb5: {  	[tilespmem:s23], [sflag:$0x1] =	stream.linear.gather [hbm4b:s30+s13], $0x2710, $0x38;
	[tilespmem:$0x1E860] =	vst v63  }
0xb6: {  	v0 =	vld [tilespmem:s22+$0x12510]  }
0xb7: {  	v1 =	vld [tilespmem:s22+$0x14C20]  }
0xb8: {  	s1 =	simm.s32 $0x40;
	v2 =	vld [tilespmem:s22+$0x17330]  }
.LBB2_4:
0xb9: {  	p1 =	sne.s32 s1, $0x9C00;
	v3 =	vld [tilespmem:s22+$0x19A40];
	_ =	sdelay $0x2  }
.Ltmp1:
0xba: {  	v1 =	vmul.f32 v1, v0;
	(pc) =	sbr.rel @p1 .LBB2_4-.Ltmp1, $4  }
0xbb: {  	s2 =	sshra.s32 s1, $0x2;
	v2 =	vmul.f32 v2, v0  }
0xbc: {  	[tilespmem:s22+$0x14C20] =	vst v1;
	v3 =	vmul.f32 v3, v0;
	v0 =	vld [tilespmem:s2+$0x12510]  }
0xbd: {  	v1 =	vld [tilespmem:s2+$0x14C20];
	[tilespmem:s22+$0x17330] =	vst v2  }
0xbe: {  	s1 =	sadd.s32 $0x40, s1;
	v2 =	vld [tilespmem:s2+$0x17330];
	[tilespmem:s22+$0x19A40] =	vst v3;
	s22 =	smov.u32 s2  }
0xbf: {  	v3 =	vld [tilespmem:s22+$0x19A40];
	_ =	sdelay $0x2  }
0xc0: {  	v1 =	vmul.f32 v1, v0  }
0xc1: {  	v2 =	vmul.f32 v2, v0  }
0xc2: {  	[tilespmem:s22+$0x14C20] =	vst v1;
	v0 =	vmul.f32 v3, v0  }
0xc3: {  	[tilespmem:s22+$0x17330] =	vst v2  }
0xc4: {  	s1 =	rddreg [dreg:$0x4];
	[tilespmem:s22+$0x19A40] =	vst v0  }
0xc5: {  	[spmem:s1] =	stream.indirect.scatter.add.f32 [tilespmem:s26], [sflag:$0x4], $0x1, s7, s8, $0xb8;
	[tilespmem:$0x1E860] =	vst v63  }
0xc6: {  	s13 =	simm.s32 $0x14C20;
	s22 =	rddreg [dreg:$0x5]  }
0xc7: {  	[spmem:s22] =	stream.indirect.scatter.add.f32 [tilespmem:s13], [sflag:$0x4], $0x1, s7, s8, $0xb8;
	[tilespmem:$0x1E860] =	vst v63  }
0xc8: {  	s22 =	simm.s32 $0x17330  }
0xc9: {  	[spmem:s31] =	stream.indirect.scatter.add.f32 [tilespmem:s22], [sflag:$0x4], $0x1, s7, s8, $0xb8;
	[tilespmem:$0x1E860] =	vst v63  }
0xca: {  	s6 =	simm.s32 $0x19A40  }
0xcb: {  	[spmem:s28] =	stream.indirect.scatter.add.f32 [tilespmem:s6], [sflag:$0x4], $0x1, s7, s8, $0xb8;
	[tilespmem:$0x1E860] =	vst v63  }
0xcc: {  	_ =	swait.ge [sflag:s25], $0x2710  }
0xcd: {  	[sflag:s25] =	ssyncset.done $0x0  }
0xce: {  	[sflag:s25] =	ssyncadd.s32 $0xFFFFD8F0  }
0xcf: {  	_ =	swait.ge [sflag:s25], $0x2710  }
0xd0: {  	[sflag:s25] =	ssyncset.done $0x0  }
0xd1: {  	[sflag:s25] =	ssyncadd.s32 $0xFFFFD8F0  }
0xd2: {  	_ =	swait.ge [sflag:s25], $0x2710  }
0xd3: {  	[sflag:s25] =	ssyncset.done $0x0  }
0xd4: {  	[sflag:s25] =	ssyncadd.s32 $0xFFFFD8F0  }
0xd5: {  	_ =	swait.ge [sflag:s25], $0x2710  }
0xd6: {  	[sflag:s25] =	ssyncset.done $0x0  }
0xd7: {  	[sflag:s25] =	ssyncadd.s32 $0xFFFFD8F0  }
0xd8: {  	_ =	swait.ge [sflag:s25], $0x2710  }
0xd9: {  	[sflag:s25] =	ssyncset.done $0x0  }
0xda: {  	[sflag:s25] =	ssyncadd.s32 $0xFFFFD8F0  }
0xdb: {  	_ =	swait.ge [sflag:s15], $0x2710  }
0xdc: {  	[sflag:s15] =	ssyncset.done $0x0  }
0xdd: {  	[sflag:s15] =	ssyncadd.s32 $0xFFFFD8F0  }
0xde: {  	_ =	swait.ge [sflag:s15], $0x2710  }
0xdf: {  	[sflag:s15] =	ssyncset.done $0x0  }
0xe0: {  	[sflag:s15] =	ssyncadd.s32 $0xFFFFD8F0  }
0xe1: {  	_ =	swait.ge [sflag:s15], $0x2710  }
0xe2: {  	[sflag:s15] =	ssyncset.done $0x0  }
0xe3: {  	[sflag:s15] =	ssyncadd.s32 $0xFFFFD8F0  }
0xe4: {  	_ =	swait.ge [sflag:s15], $0x2710  }
0xe5: {  	[sflag:s15] =	ssyncset.done $0x0  }
0xe6: {  	s1 =	simm.s32 $0x0;
	s2 =	rddreg [dreg:$0x14];
	[sflag:s15] =	ssyncadd.s32 $0xFFFFD8F0  }
0xe7: {  	[tilespmem:s26], [sflag:$0x2] =	stream.linear.gather [hbm4b:s2+s1], $0x2710, $0x38;
	[tilespmem:$0x1E860] =	vst v63  }
0xe8: {  	s24 =	rddreg [dreg:$0x15]  }
0xe9: {  	[tilespmem:s13], [sflag:$0x2] =	stream.linear.gather [hbm4b:s24+s1], $0x2710, $0x38;
	[tilespmem:$0x1E860] =	vst v63  }
0xea: {  	s13 =	rddreg [dreg:$0x16]  }
0xeb: {  	[tilespmem:s22], [sflag:$0x2] =	stream.linear.gather [hbm4b:s13+s1], $0x2710, $0x38;
	[tilespmem:$0x1E860] =	vst v63  }
0xec: {  	s13 =	rddreg [dreg:$0x17]  }
0xed: {  	[tilespmem:s6], [sflag:$0x2] =	stream.linear.gather [hbm4b:s13+s1], $0x2710, $0x38;
	[tilespmem:$0x1E860] =	vst v63  }
0xee: {  	s22 =	rddreg [dreg:$0x18]  }
0xef: {  	[tilespmem:s7], [sflag:$0x2] =	stream.linear.gather [hbm4b:s22+s1], $0x2710, $0x38;
	[tilespmem:$0x1E860] =	vst v63  }
0xf0: {  	s22 =	simm.s32 $0x0  }
0xf1: {  	v0 =	vld [tilespmem:s22+$0x61C0]  }
0xf2: {  	s29 =	simm.s32 $0x14C20;
	v1 =	vld [tilespmem:s22+$0x88D0]  }
0xf3: {  	s30 =	simm.s32 $0x19A40;
	s24 =	simm.s32 $0x17330;
	s1 =	simm.s32 $0x40;
	v2 =	vld [tilespmem:s22+$0xAFE0]  }
.LBB2_6:
0xf4: {  	p1 =	sne.s32 s1, $0x9C00;
	v3 =	vld [tilespmem:s22+$0xD6F0];
	_ =	sdelay $0x2  }
.Ltmp2:
0xf5: {  	v1 =	vmul.f32 v1, v0;
	(pc) =	sbr.rel @p1 .LBB2_6-.Ltmp2, $4  }
0xf6: {  	s2 =	sshra.s32 s1, $0x2;
	v2 =	vmul.f32 v2, v0  }
0xf7: {  	[tilespmem:s22+$0x88D0] =	vst v1;
	v3 =	vmul.f32 v3, v0;
	v0 =	vld [tilespmem:s2+$0x61C0]  }
0xf8: {  	v1 =	vld [tilespmem:s2+$0x88D0];
	[tilespmem:s22+$0xAFE0] =	vst v2  }
0xf9: {  	s1 =	sadd.s32 $0x40, s1;
	v2 =	vld [tilespmem:s2+$0xAFE0];
	[tilespmem:s22+$0xD6F0] =	vst v3;
	s22 =	smov.u32 s2  }
0xfa: {  	v3 =	vld [tilespmem:s22+$0xD6F0];
	_ =	sdelay $0x2  }
0xfb: {  	v1 =	vmul.f32 v1, v0  }
0xfc: {  	v2 =	vmul.f32 v2, v0  }
0xfd: {  	[tilespmem:s22+$0x88D0] =	vst v1;
	v0 =	vmul.f32 v3, v0  }
0xfe: {  	[tilespmem:s22+$0xAFE0] =	vst v2  }
0xff: {  	s1 =	rddreg [dreg:$0x4];
	[tilespmem:s22+$0xD6F0] =	vst v0  }
0x100: {  	[spmem:s1] =	stream.indirect.scatter.add.f32 [tilespmem:s17], [sflag:$0x3], $0x1, s23, s8, $0xb8;
	[tilespmem:$0x1E860] =	vst v63  }
0x101: {  	s13 =	rddreg [dreg:$0x5]  }
0x102: {  	[spmem:s13] =	stream.indirect.scatter.add.f32 [tilespmem:s19], [sflag:$0x3], $0x1, s23, s8, $0xb8;
	[tilespmem:$0x1E860] =	vst v63  }
0x103: {  	_ = 	snop  }
0x104: {  	[spmem:s31] =	stream.indirect.scatter.add.f32 [tilespmem:s20], [sflag:$0x3], $0x1, s23, s8, $0xb8;
	[tilespmem:$0x1E860] =	vst v63  }
0x105: {  	_ = 	snop  }
0x106: {  	[spmem:s28] =	stream.indirect.scatter.add.f32 [tilespmem:s21], [sflag:$0x3], $0x1, s23, s8, $0xb8;
	[tilespmem:$0x1E860] =	vst v63  }
0x107: {  	_ =	swait.ge [sflag:s9], $0x2710  }
0x108: {  	[sflag:s9] =	ssyncset.done $0x0  }
0x109: {  	[sflag:s9] =	ssyncadd.s32 $0xFFFFD8F0  }
0x10a: {  	_ =	swait.ge [sflag:s9], $0x2710  }
0x10b: {  	[sflag:s9] =	ssyncset.done $0x0  }
0x10c: {  	[sflag:s9] =	ssyncadd.s32 $0xFFFFD8F0  }
0x10d: {  	_ =	swait.ge [sflag:s9], $0x2710  }
0x10e: {  	[sflag:s9] =	ssyncset.done $0x0  }
0x10f: {  	[sflag:s9] =	ssyncadd.s32 $0xFFFFD8F0  }
0x110: {  	_ =	swait.ge [sflag:s9], $0x2710  }
0x111: {  	[sflag:s9] =	ssyncset.done $0x0  }
0x112: {  	[sflag:s9] =	ssyncadd.s32 $0xFFFFD8F0  }
0x113: {  	_ =	swait.ge [sflag:s9], $0x2710  }
0x114: {  	[sflag:s9] =	ssyncset.done $0x0  }
0x115: {  	[sflag:s9] =	ssyncadd.s32 $0xFFFFD8F0  }
0x116: {  	_ =	swait.ge [sflag:s14], $0x2710  }
0x117: {  	[sflag:s14] =	ssyncset.done $0x0  }
0x118: {  	[sflag:s14] =	ssyncadd.s32 $0xFFFFD8F0  }
0x119: {  	_ =	swait.ge [sflag:s14], $0x2710  }
0x11a: {  	[sflag:s14] =	ssyncset.done $0x0  }
0x11b: {  	[sflag:s14] =	ssyncadd.s32 $0xFFFFD8F0  }
0x11c: {  	_ =	swait.ge [sflag:s14], $0x2710  }
0x11d: {  	[sflag:s14] =	ssyncset.done $0x0  }
0x11e: {  	[sflag:s14] =	ssyncadd.s32 $0xFFFFD8F0  }
0x11f: {  	_ =	swait.ge [sflag:s14], $0x2710  }
0x120: {  	[sflag:s14] =	ssyncset.done $0x0;
	s2 =	rddreg [dreg:$0x1d]  }
0x121: {  	s1 =	simm.s32 $0x0;
	s22 =	rddreg [dreg:$0x1e];
	[sflag:s14] =	ssyncadd.s32 $0xFFFFD8F0  }
0x122: {  	[tilespmem:s17], [sflag:$0x1] =	stream.linear.gather [hbm4b:s2+s1], $0x2710, $0x38;
	[tilespmem:$0x1E860] =	vst v63  }
0x123: {  	s6 =	rddreg [dreg:$0x1f]  }
0x124: {  	[tilespmem:s19], [sflag:$0x1] =	stream.linear.gather [hbm4b:s22+s1], $0x2710, $0x38;
	[tilespmem:$0x1E860] =	vst v63  }
0x125: {  	s13 =	sld [smem:$0x7F2]  }
0x126: {  	[tilespmem:s20], [sflag:$0x1] =	stream.linear.gather [hbm4b:s6+s1], $0x2710, $0x38;
	[tilespmem:$0x1E860] =	vst v63  }
0x127: {  	s22 =	sld [smem:$0x7F1]  }
0x128: {  	[tilespmem:s21], [sflag:$0x1] =	stream.linear.gather [hbm4b:s13+s1], $0x2710, $0x38;
	[tilespmem:$0x1E860] =	vst v63  }
0x129: {  	_ = 	snop  }
0x12a: {  	[tilespmem:s23], [sflag:$0x1] =	stream.linear.gather [hbm4b:s22+s1], $0x2710, $0x38;
	[tilespmem:$0x1E860] =	vst v63  }
0x12b: {  	s22 =	simm.s32 $0x0  }
0x12c: {  	v0 =	vld [tilespmem:s22+$0x12510]  }
0x12d: {  	v1 =	vld [tilespmem:s22+$0x14C20]  }
0x12e: {  	s1 =	simm.s32 $0x40;
	v2 =	vld [tilespmem:s22+$0x17330]  }
.LBB2_8:
0x12f: {  	p1 =	sne.s32 s1, $0x9C00;
	v3 =	vld [tilespmem:s22+$0x19A40];
	_ =	sdelay $0x2  }
.Ltmp3:
0x130: {  	v1 =	vmul.f32 v1, v0;
	(pc) =	sbr.rel @p1 .LBB2_8-.Ltmp3, $4  }
0x131: {  	s2 =	sshra.s32 s1, $0x2;
	v2 =	vmul.f32 v2, v0  }
0x132: {  	[tilespmem:s22+$0x14C20] =	vst v1;
	v3 =	vmul.f32 v3, v0;
	v0 =	vld [tilespmem:s2+$0x12510]  }
0x133: {  	v1 =	vld [tilespmem:s2+$0x14C20];
	[tilespmem:s22+$0x17330] =	vst v2  }
0x134: {  	s1 =	sadd.s32 $0x40, s1;
	v2 =	vld [tilespmem:s2+$0x17330];
	[tilespmem:s22+$0x19A40] =	vst v3;
	s22 =	smov.u32 s2  }
0x135: {  	v3 =	vld [tilespmem:s22+$0x19A40];
	_ =	sdelay $0x2  }
0x136: {  	v1 =	vmul.f32 v1, v0  }
0x137: {  	v2 =	vmul.f32 v2, v0  }
0x138: {  	[tilespmem:s22+$0x14C20] =	vst v1;
	v0 =	vmul.f32 v3, v0  }
0x139: {  	[tilespmem:s22+$0x17330] =	vst v2  }
0x13a: {  	s1 =	rddreg [dreg:$0x4];
	[tilespmem:s22+$0x19A40] =	vst v0  }
0x13b: {  	[spmem:s1] =	stream.indirect.scatter.add.f32 [tilespmem:s26], [sflag:$0x4], $0x1, s7, s8, $0xb8;
	[tilespmem:$0x1E860] =	vst v63  }
0x13c: {  	s26 =	rddreg [dreg:$0x5]  }
0x13d: {  	[spmem:s26] =	stream.indirect.scatter.add.f32 [tilespmem:s29], [sflag:$0x4], $0x1, s7, s8, $0xb8;
	[tilespmem:$0x1E860] =	vst v63  }
0x13e: {  	_ = 	snop  }
0x13f: {  	[spmem:s31] =	stream.indirect.scatter.add.f32 [tilespmem:s24], [sflag:$0x4], $0x1, s7, s8, $0xb8;
	[tilespmem:$0x1E860] =	vst v63  }
0x140: {  	_ = 	snop  }
0x141: {  	[spmem:s28] =	stream.indirect.scatter.add.f32 [tilespmem:s30], [sflag:$0x4], $0x1, s7, s8, $0xb8;
	[tilespmem:$0x1E860] =	vst v63  }
0x142: {  	_ =	swait.ge [sflag:s25], $0x2710  }
0x143: {  	[sflag:s25] =	ssyncset.done $0x0  }
0x144: {  	[sflag:s25] =	ssyncadd.s32 $0xFFFFD8F0  }
0x145: {  	_ =	swait.ge [sflag:s25], $0x2710  }
0x146: {  	[sflag:s25] =	ssyncset.done $0x0  }
0x147: {  	[sflag:s25] =	ssyncadd.s32 $0xFFFFD8F0  }
0x148: {  	_ =	swait.ge [sflag:s25], $0x2710  }
0x149: {  	[sflag:s25] =	ssyncset.done $0x0  }
0x14a: {  	[sflag:s25] =	ssyncadd.s32 $0xFFFFD8F0  }
0x14b: {  	_ =	swait.ge [sflag:s25], $0x2710  }
0x14c: {  	[sflag:s25] =	ssyncset.done $0x0  }
0x14d: {  	[sflag:s25] =	ssyncadd.s32 $0xFFFFD8F0  }
0x14e: {  	_ =	swait.ge [sflag:s25], $0x2710  }
0x14f: {  	[sflag:s25] =	ssyncset.done $0x0  }
0x150: {  	[sflag:s25] =	ssyncadd.s32 $0xFFFFD8F0  }
0x151: {  	_ =	swait.ge [sflag:s15], $0x2710  }
0x152: {  	[sflag:s15] =	ssyncset.done $0x0  }
0x153: {  	[sflag:s15] =	ssyncadd.s32 $0xFFFFD8F0  }
0x154: {  	_ =	swait.ge [sflag:s15], $0x2710  }
0x155: {  	[sflag:s15] =	ssyncset.done $0x0  }
0x156: {  	[sflag:s15] =	ssyncadd.s32 $0xFFFFD8F0  }
0x157: {  	_ =	swait.ge [sflag:s15], $0x2710  }
0x158: {  	[sflag:s15] =	ssyncset.done $0x0  }
0x159: {  	[sflag:s15] =	ssyncadd.s32 $0xFFFFD8F0  }
0x15a: {  	_ =	swait.ge [sflag:s15], $0x2710  }
0x15b: {  	[sflag:s15] =	ssyncset.done $0x0  }
0x15c: {  	s22 =	simm.s32 $0x0;
	[sflag:s15] =	ssyncadd.s32 $0xFFFFD8F0  }
0x15d: {  	v0 =	vld [tilespmem:s22+$0x61C0]  }
0x15e: {  	v1 =	vld [tilespmem:s22+$0x88D0]  }
0x15f: {  	s13 =	smov.u32 s4;
	s1 =	simm.s32 $0x40;
	v2 =	vld [tilespmem:s22+$0xAFE0]  }
.LBB2_10:
0x160: {  	p1 =	sne.s32 s1, $0x9C00;
	v3 =	vld [tilespmem:s22+$0xD6F0];
	_ =	sdelay $0x2  }
.Ltmp4:
0x161: {  	v1 =	vmul.f32 v1, v0;
	(pc) =	sbr.rel @p1 .LBB2_10-.Ltmp4, $4  }
0x162: {  	s2 =	sshra.s32 s1, $0x2;
	v2 =	vmul.f32 v2, v0  }
0x163: {  	[tilespmem:s22+$0x88D0] =	vst v1;
	v3 =	vmul.f32 v3, v0;
	v0 =	vld [tilespmem:s2+$0x61C0]  }
0x164: {  	v1 =	vld [tilespmem:s2+$0x88D0];
	[tilespmem:s22+$0xAFE0] =	vst v2  }
0x165: {  	s1 =	sadd.s32 $0x40, s1;
	v2 =	vld [tilespmem:s2+$0xAFE0];
	[tilespmem:s22+$0xD6F0] =	vst v3;
	s22 =	smov.u32 s2  }
0x166: {  	v3 =	vld [tilespmem:s22+$0xD6F0];
	_ =	sdelay $0x2  }
0x167: {  	v1 =	vmul.f32 v1, v0  }
0x168: {  	v2 =	vmul.f32 v2, v0  }
0x169: {  	[tilespmem:s22+$0x88D0] =	vst v1;
	v63 =	vmul.f32 v3, v0  }
0x16a: {  	[tilespmem:s22+$0xAFE0] =	vst v2  }
0x16b: {  	s1 =	rddreg [dreg:$0x4];
	[tilespmem:s22+$0xD6F0] =	vst v63  }
0x16c: {  	[spmem:s1] =	stream.indirect.scatter.add.f32 [tilespmem:s17], [sflag:$0x3], $0x1, s23, s8, $0xb8;
	[tilespmem:$0x1E860] =	vst v63  }
0x16d: {  	s6 =	rddreg [dreg:$0x5]  }
0x16e: {  	[spmem:s6] =	stream.indirect.scatter.add.f32 [tilespmem:s19], [sflag:$0x3], $0x1, s23, s8, $0xb8;
	[tilespmem:$0x1E860] =	vst v63  }
0x16f: {  	_ = 	snop  }
0x170: {  	[spmem:s31] =	stream.indirect.scatter.add.f32 [tilespmem:s20], [sflag:$0x3], $0x1, s23, s8, $0xb8;
	[tilespmem:$0x1E860] =	vst v63  }
0x171: {  	_ = 	snop  }
0x172: {  	[spmem:s28] =	stream.indirect.scatter.add.f32 [tilespmem:s21], [sflag:$0x3], $0x1, s23, s8, $0xb8;
	[tilespmem:$0x1E860] =	vst v63  }
0x173: {  	_ =	swait.ge [sflag:s14], $0x2710  }
0x174: {  	[sflag:s14] =	ssyncset.done $0x0  }
0x175: {  	[sflag:s14] =	ssyncadd.s32 $0xFFFFD8F0  }
0x176: {  	_ =	swait.ge [sflag:s14], $0x2710  }
0x177: {  	[sflag:s14] =	ssyncset.done $0x0  }
0x178: {  	[sflag:s14] =	ssyncadd.s32 $0xFFFFD8F0  }
0x179: {  	_ =	swait.ge [sflag:s14], $0x2710  }
0x17a: {  	[sflag:s14] =	ssyncset.done $0x0  }
0x17b: {  	[sflag:s14] =	ssyncadd.s32 $0xFFFFD8F0  }
0x17c: {  	_ =	swait.ge [sflag:s14], $0x2710  }
0x17d: {  	[sflag:s14] =	ssyncset.done $0x0  }
0x17e: {  	[sflag:s14] =	ssyncadd.s32 $0xFFFFD8F0  }
0x17f: {  	[bflag:$0x0] =	sbarrier.arrive $0xFFFF  }
0x180: {  	[tilespmem:s17], [sflag:$0x5] =	stream.linear.gather [spmem:s3], $0x1860, $0x38;
	[tilespmem:$0x1E860] =	vst v63  }
0x181: {  	_ =	swait.ge [sflag:s18], $0x1860  }
0x182: {  	s22 =	sld [smem:$0x7FA]  }
0x183: {  	[sflag:s18] =	ssyncset.done $0x0  }
0x184: {  	[sflag:s18] =	ssyncadd.s32 $0xFFFFE7A0  }
0x185: {  	[hbm4b:s22+s0] =	stream.linear.scatter [tilespmem:s17], [sflag:$0x5], $0x1860, $0x38;
	[tilespmem:$0x1E860] =	vst v63  }
0x186: {  	_ =	swait.ge [sflag:s18], $0x1860  }
0x187: {  	[sflag:s18] =	ssyncset.done $0x0  }
0x188: {  	[sflag:s18] =	ssyncadd.s32 $0xFFFFE7A0  }
0x189: {  	[tilespmem:s19], [sflag:$0x5] =	stream.linear.gather [spmem:s10], $0x1860, $0x38;
	[tilespmem:$0x1E860] =	vst v63  }
0x18a: {  	_ =	swait.ge [sflag:s18], $0x1860  }
0x18b: {  	s26 =	sld [smem:$0x7F8]  }
0x18c: {  	[sflag:s18] =	ssyncset.done $0x0  }
0x18d: {  	[sflag:s18] =	ssyncadd.s32 $0xFFFFE7A0  }
0x18e: {  	[hbm4b:s26+s0] =	stream.linear.scatter [tilespmem:s19], [sflag:$0x5], $0x1860, $0x38;
	[tilespmem:$0x1E860] =	vst v63  }
0x18f: {  	_ =	swait.ge [sflag:s18], $0x1860  }
0x190: {  	[sflag:s18] =	ssyncset.done $0x0  }
0x191: {  	[sflag:s18] =	ssyncadd.s32 $0xFFFFE7A0  }
0x192: {  	[tilespmem:s20], [sflag:$0x5] =	stream.linear.gather [spmem:s11], $0x1860, $0x38;
	[tilespmem:$0x1E860] =	vst v63  }
0x193: {  	_ =	swait.ge [sflag:s18], $0x1860  }
0x194: {  	s2 =	sld [smem:$0x7F9]  }
0x195: {  	[sflag:s18] =	ssyncset.done $0x0  }
0x196: {  	[sflag:s18] =	ssyncadd.s32 $0xFFFFE7A0  }
0x197: {  	[hbm4b:s2+s0] =	stream.linear.scatter [tilespmem:s20], [sflag:$0x5], $0x1860, $0x38;
	[tilespmem:$0x1E860] =	vst v63  }
0x198: {  	_ =	swait.ge [sflag:s18], $0x1860  }
0x199: {  	[sflag:s18] =	ssyncset.done $0x0  }
0x19a: {  	[sflag:s18] =	ssyncadd.s32 $0xFFFFE7A0  }
0x19b: {  	[tilespmem:s21], [sflag:$0x5] =	stream.linear.gather [spmem:s12], $0x1860, $0x38;
	[tilespmem:$0x1E860] =	vst v63  }
0x19c: {  	_ =	swait.ge [sflag:s18], $0x1860  }
0x19d: {  	s6 =	sld [smem:$0x7FB]  }
0x19e: {  	[sflag:s18] =	ssyncset.done $0x0  }
0x19f: {  	[sflag:s18] =	ssyncadd.s32 $0xFFFFE7A0  }
0x1a0: {  	[hbm4b:s6+s0] =	stream.linear.scatter [tilespmem:s21], [sflag:$0x5], $0x1860, $0x38;
	[tilespmem:$0x1E860] =	vst v63  }
0x1a1: {  	_ =	swait.ge [sflag:s18], $0x1860  }
0x1a2: {  	[sflag:s18] =	ssyncset.done $0x0  }
0x1a3: {  	s1 =	simm.s32 @!p0 $0x61C0;
	s2 =	simm.s32 @!p0 $0x5;
	[sflag:s18] =	ssyncadd.s32 $0xFFFFE7A0  }
0x1a4: {  	[tilespmem:s1], [sflag:$0x5] =	stream.linear.gather @!p0 [spmem:s13], $0xA0, $0x38;
	[tilespmem:$0x1E860] =	vst v63  }
0x1a5: {  	_ =	swait.ge @!p0 [sflag:s2], $0xA0  }
0x1a6: {  	s4 =	smov.u32 s10;
	s10 =	sld [smem:$0x7F3]  }
0x1a7: {  	[sflag:s2] =	ssyncset.done @!p0 $0x0  }
0x1a8: {  	s22 =	simm.s32 @!p0 $0x0;
	[sflag:s2] =	ssyncadd.s32 @!p0 $0xFFFFFF60  }
0x1a9: {  	[hbm4b:s10+s22] =	stream.linear.scatter @!p0 [tilespmem:s1], [sflag:$0x5], $0xA0, $0x38;
	[tilespmem:$0x1E860] =	vst v63  }
0x1aa: {  	_ =	swait.ge @!p0 [sflag:s2], $0xA0  }
0x1ab: {  	[sflag:s2] =	ssyncset.done @!p0 $0x0  }
0x1ac: {  	s1 =	simm.s32 @!p0 $0x88D0;
	[sflag:s2] =	ssyncadd.s32 @!p0 $0xFFFFFF60  }
0x1ad: {  	[tilespmem:s1], [sflag:$0x5] =	stream.linear.gather @!p0 [spmem:s5], $0xA0, $0x38;
	[tilespmem:$0x1E860] =	vst v63  }
0x1ae: {  	_ =	swait.ge @!p0 [sflag:s2], $0xA0  }
0x1af: {  	s10 =	sld [smem:$0x7F4]  }
0x1b0: {  	[sflag:s2] =	ssyncset.done @!p0 $0x0  }
0x1b1: {  	[sflag:s2] =	ssyncadd.s32 @!p0 $0xFFFFFF60  }
0x1b2: {  	[hbm4b:s10+s22] =	stream.linear.scatter @!p0 [tilespmem:s1], [sflag:$0x5], $0xA0, $0x38;
	[tilespmem:$0x1E860] =	vst v63  }
0x1b3: {  	_ =	swait.ge @!p0 [sflag:s2], $0xA0  }
0x1b4: {  	s26 =	smov.u32 s5;
	s5 =	sld [smem:$0x7FD]  }
0x1b5: {  	[sflag:s2] =	ssyncset.done @!p0 $0x0  }
0x1b6: {  	s1 =	simm.s32 @!p0 $0xAFE0;
	[sflag:s2] =	ssyncadd.s32 @!p0 $0xFFFFFF60  }
0x1b7: {  	[tilespmem:s1], [sflag:$0x5] =	stream.linear.gather @!p0 [spmem:s5], $0xA0, $0x38;
	[tilespmem:$0x1E860] =	vst v63  }
0x1b8: {  	_ =	swait.ge @!p0 [sflag:s2], $0xA0  }
0x1b9: {  	s10 =	sld [smem:$0x7F5]  }
0x1ba: {  	[sflag:s2] =	ssyncset.done @!p0 $0x0  }
0x1bb: {  	[sflag:s2] =	ssyncadd.s32 @!p0 $0xFFFFFF60  }
0x1bc: {  	[hbm4b:s10+s22] =	stream.linear.scatter @!p0 [tilespmem:s1], [sflag:$0x5], $0xA0, $0x38;
	[tilespmem:$0x1E860] =	vst v63  }
0x1bd: {  	_ =	swait.ge @!p0 [sflag:s2], $0xA0  }
0x1be: {  	s6 =	sld [smem:$0x7FC]  }
0x1bf: {  	[sflag:s2] =	ssyncset.done @!p0 $0x0  }
0x1c0: {  	s1 =	simm.s32 @!p0 $0xD6F0;
	[sflag:s2] =	ssyncadd.s32 @!p0 $0xFFFFFF60  }
0x1c1: {  	[tilespmem:s1], [sflag:$0x5] =	stream.linear.gather @!p0 [spmem:s6], $0xA0, $0x38;
	[tilespmem:$0x1E860] =	vst v63  }
0x1c2: {  	_ =	swait.ge @!p0 [sflag:s2], $0xA0  }
0x1c3: {  	s10 =	sld [smem:$0x7F6]  }
0x1c4: {  	[sflag:s2] =	ssyncset.done @!p0 $0x0  }
0x1c5: {  	[sflag:s2] =	ssyncadd.s32 @!p0 $0xFFFFFF60  }
0x1c6: {  	[hbm4b:s10+s22] =	stream.linear.scatter @!p0 [tilespmem:s1], [sflag:$0x5], $0xA0, $0x38;
	[tilespmem:$0x1E860] =	vst v63  }
0x1c7: {  	_ =	swait.ge @!p0 [sflag:s2], $0xA0  }
0x1c8: {  	s10 =	sld [smem:$0x7F7];
	_ =	sdelay $0x1  }
0x1c9: {  	s16 =	sadd.s32 $0x1, s16  }
0x1ca: {  	p1 =	sne.s32 s16, s10  }
.Ltmp5:
0x1cb: {  	_ = 	snop;
	(pc) =	sbr.rel @p1 .LBB2_1-.Ltmp5, $3  }
0x1cc: {  	_ =	sdelay $0x1  }
0x1cd: {  	[sflag:s2] =	ssyncset.done @!p0 $0x0  }
0x1ce: {  	s22 =	smov.u32 s3;
	[sflag:s2] =	ssyncadd.s32 @!p0 $0xFFFFFF60  }
0x1cf: {  	_ =	sfence.sel $0x180000  }
0x1d0: {  	[bflag:$0x0] =	sbarrier.arrive $0xFFFF  }
0x1d1: {  	_ =	strace $0x90000047  }
0x1d2: {  	[bflag:$0x2] =	sbarrier.arrive $0xFFFF  }
0x1d3: {  	s0 =	rddreg [dreg:$0x8]  }
0x1d4: {  	s0 =	sadd.s32 @!p0 $0x100000, s0  }
0x1d5: {  	[sflag:s0] =	ssyncadd.tile.s32 @!p0 $0x1;
	_ =	shalt  }
.Lfunc_end2:
_tile_overlayer_lowered:
.L_overlay_start_2:
0x1d6: {  	(tag) =	ssettag $0x2  }
0x1d7: {  	s0 =	rddreg [dreg:$0x0];
	s2 =	stileid.u32  }
0x1d8: {  	s1 =	rddreg [dreg:$0x1];
	p0 =	sne.s32 s2, $0x0  }
0x1d9: {  	s3 =	rddreg [dreg:$0x2];
	[bflag:$0x3] =	sbarrier.arrive $0xFFFF;
	s2 =	simm.s32 @!p0 $0x1C05  }
0x1da: {  	[timem:s3], [sflag:s2] =	dma.local @!p0 [hbm:s0], s1  }
0x1db: {  	s0 =	simm.s32 @!p0 $0x5  }
0x1dc: {  	_ =	swait.ge @!p0 [sflag:s0], s1  }
0x1dd: {  	s1 =	ssub.s32 @!p0 $0x0, s1;
	[sflag:s0] =	ssyncset.done @!p0 $0x0  }
0x1de: {  	[sflag:s0] =	ssyncadd.s32 @!p0 s1  }
0x1df: {  	[bflag:$0x3] =	sbarrier.arrive $0xFFFF  }
0x1e0: {  	_ =	shalt  }

// kernel: kernel.7.cloned.1.call-start
scs
__scs_entry_jumppad:
0x0: {  	(pc) =	sbr.rel $0x88, $3  }
0x1: {  	(tag) =	ssettag $0x0;
	lr =	simm.s32 $0x1  }
0x2: {  	[smem:$0x3F9E] =	sst lr;
	_ =	strace $0xD0000000  }
0x3: {  	_ = 	snop  }
0x4: {  	_ = 	snop  }
0x5: {  	_ = 	snop  }
0x6: {  	_ = 	snop  }
0x7: {  	_ = 	snop  }
__scs_overlays_trampoline_lowered:
0x8: {  	[smem:$0x3FAD] =	sst s0  }
0x9: {  	[smem:$0x3FAE] =	sst s1  }
0xa: {  	[smem:$0x3FAF] =	sst s2  }
0xb: {  	[smem:$0x3FB0] =	sst s3  }
0xc: {  	[smem:$0x3FB1] =	sst s4  }
0xd: {  	[smem:$0x3FB2] =	sst s5  }
0xe: {  	[smem:$0x3FB3] =	sst s6  }
0xf: {  	[smem:$0x3FB4] =	sst s7  }
0x10: {  	[smem:$0x3FB5] =	sst s8  }
0x11: {  	[smem:$0x3FB6] =	sst s9;
	s0 =	simm.s32 @!p0 $0x0  }
0x12: {  	s1 =	sld [smem:$0x3F9C];
	s0 =	simm.s32 @p0 $0x1  }
0x13: {  	[smem:$0x3FB7] =	sst s0;
	s0 =	simm.s32 @!p1 $0x0  }
0x14: {  	s2 =	sld [smem:$0x3F9B];
	s0 =	simm.s32 @p1 $0x1  }
0x15: {  	[smem:$0x3FB8] =	sst s0;
	s0 =	simm.s32 @!p2 $0x0  }
0x16: {  	s3 =	sld [smem:$0x3FDB];
	s0 =	simm.s32 @p2 $0x1  }
0x17: {  	s4 =	simm.s32 $0x1BF5;
	[smem:$0x3FBA] =	sst s0  }
0x18: {  	s0 =	sld [smem:$0x3F9D];
	_ =	swait.ge [sflag:s4], $0x0  }
0x19: {  	s7 =	sld [smem:$0x3F9E]  }
0x1a: {  	s8 =	sadd.s32 $0xFFFFE003, lr  }
0x1b: {  	s9 =	sadd.s32 $0xFFFFFEF7, lr;
	s5 =	simm.s32 $0xFFFFFFFF;
	p2 =	slt.u32 s8, $0xFFFFF086  }
0x1c: {  	p1 =	slt.u32 s9, $0xF7A;
	s5 =	simm.s32 @!p2 $0x0  }
0x1d: {  	s5 =	simm.s32 @p1 $0x1;
	p0 =	seq.s32 s7, s2  }
0x1e: {  	s7 =	smul.u32 @!p0 $0xF7A, s2;
	p2 =	seq.s32 @!p0 s5, $0x0  }
0x1f: {  	s9 =	smul.u32 $0xF7A, s1;
	s8 =	simm.s32 @!p0 $0x1BF5;
	p2 =	por !p2, p0  }
0x20: {  	[sflag:s8] =	ssyncset.s32 @!p0 $0xFFFFF086;
	s6 =	sadd.s32 @!p0 s3, s7;
	s7 =	simm.s32 @!p0 $0x108  }
0x21: {  	s3 =	sadd.s32 s3, s9;
	s6 =	sadd.s32 @!p0 $0x88, s6;
	s7 =	simm.s32 @p2 $0x1082  }
0x22: {  	[simem:s7], [sflag:s8] =	dma.local @!p0 [hbm:s6], $0xF7A  }
0x23: {  	s9 =	sor.u32 $0xD0000000, s2;
	s6 =	simm.s32 $0x108;
	_ =	swait.ge @!p0 [sflag:s8], $0x0  }
0x24: {  	s3 =	sadd.s32 $0x88, s3;
	s6 =	simm.s32 @!p1 $0x1082;
	[sflag:s4] =	ssyncset.s32 $0xFFFFF086  }
0x25: {  	[simem:s6], [sflag:s4] =	dma.local [hbm:s3], $0xF7A  }
0x26: {  	[smem:$0x3F9E] =	sst s1;
	(tag) =	ssettag s2;
	_ =	strace s9  }
0x27: {  	s1 =	sld [smem:$0x3FAE]  }
0x28: {  	s2 =	sld [smem:$0x3FAF]  }
0x29: {  	s4 =	sld [smem:$0x3FB1]  }
0x2a: {  	p0 =	seq.s32 s5, $0x0;
	s5 =	sld [smem:$0x3FB2]  }
0x2b: {  	s6 =	sld [smem:$0x3FB3]  }
0x2c: {  	s7 =	sld [smem:$0x3FB4]  }
0x2d: {  	s3 =	simm.s32 $0x108;
	s8 =	sld [smem:$0x3FB5]  }
0x2e: {  	s3 =	simm.s32 @!p0 $0x1082;
	s9 =	sld [smem:$0x3FB6]  }
0x2f: {  	lr =	sadd.s32 s0, s3;
	s0 =	sld [smem:$0x3FAD]  }
0x30: {  	s3 =	sld [smem:$0x3FB0]  }
0x31: {  	[smem:$0x3FB9] =	sst s10  }
0x32: {  	s10 =	sld [smem:$0x3FB7];
	_ =	sdelay $0x3  }
0x33: {  	p0 =	seq.s32 s10, $0x1;
	s10 =	sld [smem:$0x3FB9];
	_ =	sdelay $0x3  }
0x34: {  	[smem:$0x3FB9] =	sst s10  }
0x35: {  	s10 =	sld [smem:$0x3FB8];
	_ =	sdelay $0x3  }
0x36: {  	p1 =	seq.s32 s10, $0x1;
	s10 =	sld [smem:$0x3FB9];
	_ =	sdelay $0x3  }
0x37: {  	[smem:$0x3FB9] =	sst s10  }
0x38: {  	s10 =	sld [smem:$0x3FBA]  }
0x39: {  	_ = 	snop;
	(pc) =	sbr.ind lr, $3  }
0x3a: {  	_ = 	snop  }
0x3b: {  	_ = 	snop  }
0x3c: {  	p2 =	seq.s32 s10, $0x1;
	s10 =	sld [smem:$0x3FB9]  }
0x3d: {  	_ =	shalt  }
0x3e: {  	_ =	shalt  }
0x3f: {  	_ =	shalt  }
0x40: {  	_ =	shalt  }
0x41: {  	_ =	shalt  }
0x42: {  	_ =	shalt  }
0x43: {  	_ =	shalt  }
0x44: {  	_ =	shalt  }
0x45: {  	_ =	shalt  }
0x46: {  	_ =	shalt  }
0x47: {  	_ =	shalt  }
0x48: {  	_ =	shalt  }
0x49: {  	_ =	shalt  }
0x4a: {  	_ =	shalt  }
0x4b: {  	_ =	shalt  }
0x4c: {  	_ =	shalt  }
0x4d: {  	_ =	shalt  }
0x4e: {  	_ =	shalt  }
0x4f: {  	_ =	shalt  }
0x50: {  	_ =	shalt  }
0x51: {  	_ =	shalt  }
0x52: {  	_ =	shalt  }
0x53: {  	_ =	shalt  }
0x54: {  	_ =	shalt  }
0x55: {  	_ =	shalt  }
0x56: {  	_ =	shalt  }
0x57: {  	_ =	shalt  }
0x58: {  	_ =	shalt  }
0x59: {  	_ =	shalt  }
0x5a: {  	_ =	shalt  }
0x5b: {  	_ =	shalt  }
0x5c: {  	_ =	shalt  }
0x5d: {  	_ =	shalt  }
0x5e: {  	_ =	shalt  }
0x5f: {  	_ =	shalt  }
0x60: {  	_ =	shalt  }
0x61: {  	_ =	shalt  }
0x62: {  	_ =	shalt  }
0x63: {  	_ =	shalt  }
0x64: {  	_ =	shalt  }
0x65: {  	_ =	shalt  }
0x66: {  	_ =	shalt  }
0x67: {  	_ =	shalt  }
0x68: {  	_ =	shalt  }
0x69: {  	_ =	shalt  }
0x6a: {  	_ =	shalt  }
0x6b: {  	_ =	shalt  }
0x6c: {  	_ =	shalt  }
0x6d: {  	_ =	shalt  }
0x6e: {  	_ =	shalt  }
0x6f: {  	_ =	shalt  }
0x70: {  	_ =	shalt  }
0x71: {  	_ =	shalt  }
0x72: {  	_ =	shalt  }
0x73: {  	_ =	shalt  }
0x74: {  	_ =	shalt  }
0x75: {  	_ =	shalt  }
0x76: {  	_ =	shalt  }
0x77: {  	_ =	shalt  }
0x78: {  	_ =	shalt  }
0x79: {  	_ =	shalt  }
0x7a: {  	_ =	shalt  }
0x7b: {  	_ =	shalt  }
0x7c: {  	_ =	shalt  }
0x7d: {  	_ =	shalt  }
0x7e: {  	_ =	shalt  }
0x7f: {  	_ =	shalt  }
0x80: {  	_ =	shalt  }
0x81: {  	_ =	shalt  }
0x82: {  	_ =	shalt  }
0x83: {  	_ =	shalt  }
0x84: {  	_ =	shalt  }
0x85: {  	_ =	shalt  }
0x86: {  	_ =	shalt  }
0x87: {  	_ =	shalt  }
.Lfunc_end0:
.L_simem_size_0:
called_computation.1_lowered:
.L_overlay_start_0:
0x88: {  	s2 =	sld [smem:$0x3FD9]  }
0x89: {  	s3 =	sld [smem:$0x3FFE];
	_ =	sdelay $0x1  }
0x8a: {  	s1 =	srdreg.scid  }
0x8b: {  	s0 =	sand.u32 $0x1, s1  }
0x8c: {  	s16 =	sshll.u32 s0, $0xA;
	s2 =	sadd.s32 s3, s2  }
0x8d: {  	s2 =	sadd.s32 s2, s16  }
0x8e: {  	[smem:$0x3FC5] =	sst s2  }
0x8f: {  	_ = 	snop  }
0x90: {  	(tm) =	ssettm $0x1  }
0x91: {  	s17 =	sld [smem:$0x3FFB];
	_ =	sdelay $0x3  }
0x92: {  	_ =	strace s17  }
0x93: {  	s2 =	sld [smem:$0x3FFC];
	_ =	sdelay $0x3  }
0x94: {  	_ =	strace s2  }
0x95: {  	s2 =	sld [smem:$0x3FFD];
	_ =	sdelay $0x3  }
0x96: {  	_ =	strace s2  }
0x97: {  	_ =	strace $0x8FFFFFFF  }
0x98: {  	s18 =	sld [smem:$0x3FDB];
	_ =	sdelay $0x1  }
0x99: {  	s19 =	simm.s32 $_scs_section_size  }
0x9a: {  	s4 =	simm.s32 $_size__tile_overlayer_lowered;
	s5 =	simm.s32 $_tile_overlayer_lowered  }
0x9b: {  	s22 =	simm.s32 $0x1BFF;
	s21 =	sshll.u32 s5, $0x1;
	s2 =	sadd.s32 s19, s18  }
0x9c: {  	s6 =	simm.s32 $0x0;
	s20 =	sshll.u32 s4, $0x1;
	s4 =	sadd.s32 s21, s2  }
0x9d: {  	[timem:s6], [sflag:s22] =	dma.local [hbm:s4], s20  }
0x9e: {  	_ =	swait.ge [sflag:s22], s20  }
0x9f: {  	s3 =	ssub.s32 $0x0, s20;
	[sflag:s22] =	ssyncset.done $0x0  }
0xa0: {  	[sflag:s22] =	ssyncadd.s32 s3;
	_ =	sdelay $0x1  }
0xa1: {  	s23 =	simm.s32 $0x1B8B  }
0xa2: {  	_ =	swait.ge [sflag:s23], $0x1  }
0xa3: {  	[sflag:s23] =	ssyncset.done $0x0  }
0xa4: {  	s25 =	simm.s32 $0x1B8E;
	s24 =	sld [smem:$0x3FFE];
	[sflag:s23] =	ssyncadd.s32 $0xFFFFFFFF  }
0xa5: {  	s26 =	simm.s32 $execute0_lowered;
	[smem:$0x3FD2] =	sst s25  }
0xa6: {  	s4 =	sshll.u32 s26, $0x1;
	_ =	strace $0x80000049;
	[dreg:$0x1] =	wrdreg $0xFFFFFFFF  }
0xa7: {  	s28 =	simm.s32 $_size_execute0_lowered;
	s2 =	sadd.s32 s2, s4;
	[dreg:$0x0] =	wrdreg $0x0  }
0xa8: {  	s4 =	sshll.u32 s28, $0x1;
	[dreg:$0x2] =	wrdreg s2  }
0xa9: {  	[dreg:$0x3] =	wrdreg s4  }
0xaa: {  	[dreg:$0x4] =	wrdreg $0xC0  }
0xab: {  	_ =	task [dreg:s6], $0x5FFFF  }
0xac: {  	[dreg:$0x1] =	wrdreg $0xFFFFFFFF  }
0xad: {  	[dreg:$0x0] =	wrdreg $0x60  }
0xae: {  	[dreg:$0x2] =	wrdreg s24  }
0xaf: {  	[dreg:$0x3] =	wrdreg $0x9  }
0xb0: {  	_ =	task.clear_ibuf [dreg:s6], $0x4FFFF;
	_ =	strace $0x90000049  }
0xb1: {  	s29 =	simm.s32 $0x9;
	_ =	strace $0x8000004B  }
0xb2: {  	_ =	swait.ge [sflag:s29], $0x1  }
0xb3: {  	[sflag:s29] =	ssyncadd.s32 $0xFFFFFFFF  }
0xb4: {  	_ =	strace $0x9000004B  }
0xb5: {  	_ =	sfence  }
0xb6: {  	s30 =	sld [smem:$0x0];
	_ =	sdelay $0x2  }
0xb7: {  	s31 =	sshll.u32 s1, $0xD;
	s1 =	sshrl.u32 s1, $0x2  }
0xb8: {  	s3 =	sand.u32 $0x4000, s31;
	s1 =	sadd.s32 s1, s30  }
0xb9: {  	s0 =	sor.u32 s3, s0;
	s1 =	sshll.u32 s1, $0x11  }
0xba: {  	s0 =	sor.u32 s1, s0  }
0xbb: {  	s0 =	sadd.s32 $0x8F2B, s0  }
0xbc: {  	[sflag:s0] =	ssyncadd.remote.s32 $0x1  }
0xbd: {  	_ =	sfence.sel $0xFFFF  }
0xbe: {  	[dreg:$0x0] =	wrdreg $0xFFFFFFFF;
	(pc) =	sbr.abs _section_cstart, $3  }
0xbf: {  	[dreg:$0x1] =	wrdreg $0xFFFFFFFF  }
0xc0: {  	_ =	task.clear_ibuf [dreg:s6], $0x2FFFF;
	_ =	strace $0x9FFFFFFF  }
0xc1: {  	(tm) =	ssettm $0x7FFFFFFF  }
tec
execute0_lowered:
.L_overlay_start_1:
0x0: {  	(tag) =	ssettag $0x1  }
0x1: {  	s0 =	srdreg.scid  }
0x2: {  	s2 =	stileid.u32;
	s13 =	rddreg [dreg:$0x0]  }
0x3: {  	s29 =	simm.s32 $0x1;
	s30 =	simm.s32 $0xC30;
	s31 =	simm.s32 $0x1860  }
0x4: {  	s0 =	sand.u32 $0x1, s0;
	s11 =	sadd.s32 $0x92A00, s13;
	s14 =	sadd.s32 $0x95AC0, s13  }
0x5: {  	s26 =	sadd.s32 $0xA1E10, s13;
	s15 =	sadd.s32 $0x30C0, s13;
	s16 =	sadd.s32 $0x98B94, s13  }
0x6: {  	s17 =	sadd.s32 $0xA4EE4, s13;
	s18 =	sadd.s32 $0x6194, s13;
	s19 =	sadd.s32 $0x9BC68, s13  }
0x7: {  	s20 =	sadd.s32 $0xA7FB8, s13;
	s21 =	sadd.s32 $0x9268, s13;
	s22 =	sadd.s32 $0x9ED3C, s13  }
0x8: {  	s23 =	sadd.s32 $0xAB08C, s13;
	s24 =	sadd.s32 $0xC33C, s13;
	s1 =	sshll.u32 s0, $0x4  }
0x9: {  	s0 =	ssub.s32 $0x2, s0;
	s1 =	sor.u32 s2, s1;
	s2 =	simm.s32 $0x0  }
0xa: {  	s4 =	sshrl.u32 s0, $0x1;
	s3 =	smul.u32 $0xC30, s1;
	[smem:$0x7FF] =	sst s2  }
0xb: {  	s0 =	ssub.s32 s0, s4;
	p0 =	sne.s32 s1, $0x0;
	s1 =	simm.s32 $0x0  }
0xc: {  	_ =	strace $0x8000004A;
	[dreg:$0x2] =	wrdreg s14;
	s9 =	sshrl.u32 s3, $0x3  }
0xd: {  	[dreg:$0x3] =	wrdreg s26;
	s25 =	smax.u32 s0, $0x1;
	s3 =	sadd.s32 s11, s9  }
.Ltmp0:
0xe: {  	s8 =	sadd.s32 $0x30D4, s9;
	s5 =	sadd.s32 s13, s9;
	(pc) =	sbr.rel .LBB2_1-.Ltmp0, $4  }
0xf: {  	s10 =	sadd.s32 $0x61A8, s9;
	s12 =	sadd.s32 $0x927C, s9;
	s4 =	sadd.s32 $0xC350, s3  }
0x10: {  	s6 =	sadd.s32 s11, s8;
	s7 =	sadd.s32 $0xF424, s3;
	s8 =	sadd.s32 s13, s8  }
0x11: {  	s9 =	sadd.s32 s11, s10;
	s10 =	sadd.s32 s13, s10;
	s11 =	sadd.s32 s11, s12  }
0x12: {  	s12 =	sadd.s32 s13, s12;
	s26 =	sadd.s32 $0x124F8, s3;
	s28 =	sadd.s32 $0x155CC, s3  }
.LBB2_11:
0x13: {  	s1 =	sadd.s32 $0x1, s1  }
0x14: {  	p1 =	sne.s32 s1, s25  }
.Ltmp1:
0x15: {  	_ = 	snop;
	(pc) =	sbr.rel @!p1 .LBB2_12-.Ltmp1, $1  }
0x16: {  	_ =	sdelay $0x3  }
.LBB2_1:
0x17: {  	[tilespmem:s2], [sflag:$0x1] =	stream.linear.gather [hbm4b:s3+s2], $0xC30, $0x38;
	[tilespmem:$0x2490] =	vst v63  }
0x18: {  	_ =	swait.ge [sflag:s29], $0xC30  }
0x19: {  	[sflag:s29] =	ssyncset.done $0x0  }
0x1a: {  	[sflag:s29] =	ssyncadd.s32 $0xFFFFF3D0  }
0x1b: {  	[tilespmem:s30], [sflag:$0x1] =	stream.linear.gather [hbm4b:s4+s2], $0xC30, $0x38;
	[tilespmem:$0x2490] =	vst v63  }
0x1c: {  	_ =	swait.ge [sflag:s29], $0xC30  }
0x1d: {  	[sflag:s29] =	ssyncset.done $0x0  }
0x1e: {  	s0 =	simm.s32 $0x0;
	[sflag:s29] =	ssyncadd.s32 $0xFFFFF3D0  }
0x1f: {  	v0 =	vld [tilespmem:s0+$0x0]  }
0x20: {  	s13 =	simm.s32 $0x40;
	v1 =	vld [tilespmem:s0+$0xC30]  }
.LBB2_2:
0x21: {  	_ = 	snop  }
0x22: {  	p1 =	sne.s32 s13, $0x3080  }
.Ltmp2:
0x23: {  	_ = 	snop;
	(pc) =	sbr.rel @p1 .LBB2_2-.Ltmp2, $4  }
0x24: {  	_ = 	snop  }
0x25: {  	s14 =	sshra.s32 s13, $0x2;
	v2 =	vadd.f32 v1, v0  }
0x26: {  	v0 =	vld [tilespmem:s14+$0x0]  }
0x27: {  	s13 =	sadd.s32 $0x40, s13;
	v1 =	vld [tilespmem:s14+$0xC30];
	[tilespmem:s0+$0x1860] =	vst v2;
	s0 =	smov.u32 s14  }
0x28: {  	_ =	sdelay $0x3  }
0x29: {  	v0 =	vadd.f32 v1, v0;
	_ =	sdelay $0x1  }
0x2a: {  	s14 =	simm.s32 $0x0;
	[tilespmem:s0+$0x1860] =	vst v0  }
0x2b: {  	[hbm4b:s5+s14] =	stream.linear.scatter [tilespmem:s31], [sflag:$0x1], $0xC30, $0x38;
	[tilespmem:$0x2490] =	vst v63  }
0x2c: {  	_ =	swait.ge [sflag:s29], $0xC30  }
0x2d: {  	[sflag:s29] =	ssyncset.done $0x0  }
0x2e: {  	[sflag:s29] =	ssyncadd.s32 $0xFFFFF3D0  }
0x2f: {  	[tilespmem:s14], [sflag:$0x1] =	stream.linear.gather [hbm4b:s6+s14], $0xC30, $0x38;
	[tilespmem:$0x2490] =	vst v63  }
0x30: {  	_ =	swait.ge [sflag:s29], $0xC30  }
0x31: {  	[sflag:s29] =	ssyncset.done $0x0  }
0x32: {  	[sflag:s29] =	ssyncadd.s32 $0xFFFFF3D0  }
0x33: {  	[tilespmem:s30], [sflag:$0x1] =	stream.linear.gather [hbm4b:s7+s14], $0xC30, $0x38;
	[tilespmem:$0x2490] =	vst v63  }
0x34: {  	_ =	swait.ge [sflag:s29], $0xC30  }
0x35: {  	[sflag:s29] =	ssyncset.done $0x0  }
0x36: {  	s0 =	simm.s32 $0x0;
	[sflag:s29] =	ssyncadd.s32 $0xFFFFF3D0  }
0x37: {  	v0 =	vld [tilespmem:s0+$0x0]  }
0x38: {  	s13 =	simm.s32 $0x40;
	v1 =	vld [tilespmem:s0+$0xC30]  }
.LBB2_4:
0x39: {  	_ = 	snop  }
0x3a: {  	p1 =	sne.s32 s13, $0x3080  }
.Ltmp3:
0x3b: {  	_ = 	snop;
	(pc) =	sbr.rel @p1 .LBB2_4-.Ltmp3, $4  }
0x3c: {  	_ = 	snop  }
0x3d: {  	s14 =	sshra.s32 s13, $0x2;
	v2 =	vadd.f32 v1, v0  }
0x3e: {  	v0 =	vld [tilespmem:s14+$0x0]  }
0x3f: {  	s13 =	sadd.s32 $0x40, s13;
	v1 =	vld [tilespmem:s14+$0xC30];
	[tilespmem:s0+$0x1860] =	vst v2;
	s0 =	smov.u32 s14  }
0x40: {  	_ =	sdelay $0x3  }
0x41: {  	v0 =	vadd.f32 v1, v0;
	_ =	sdelay $0x1  }
0x42: {  	s14 =	simm.s32 $0x0;
	[tilespmem:s0+$0x1860] =	vst v0  }
0x43: {  	[hbm4b:s8+s14] =	stream.linear.scatter [tilespmem:s31], [sflag:$0x1], $0xC30, $0x38;
	[tilespmem:$0x2490] =	vst v63  }
0x44: {  	_ =	swait.ge [sflag:s29], $0xC30  }
0x45: {  	[sflag:s29] =	ssyncset.done $0x0  }
0x46: {  	[sflag:s29] =	ssyncadd.s32 $0xFFFFF3D0  }
0x47: {  	[tilespmem:s14], [sflag:$0x1] =	stream.linear.gather [hbm4b:s9+s14], $0xC30, $0x38;
	[tilespmem:$0x2490] =	vst v63  }
0x48: {  	_ =	swait.ge [sflag:s29], $0xC30  }
0x49: {  	[sflag:s29] =	ssyncset.done $0x0  }
0x4a: {  	[sflag:s29] =	ssyncadd.s32 $0xFFFFF3D0  }
0x4b: {  	[tilespmem:s30], [sflag:$0x1] =	stream.linear.gather [hbm4b:s26+s14], $0xC30, $0x38;
	[tilespmem:$0x2490] =	vst v63  }
0x4c: {  	_ =	swait.ge [sflag:s29], $0xC30  }
0x4d: {  	[sflag:s29] =	ssyncset.done $0x0  }
0x4e: {  	s0 =	simm.s32 $0x0;
	[sflag:s29] =	ssyncadd.s32 $0xFFFFF3D0  }
0x4f: {  	v0 =	vld [tilespmem:s0+$0x0]  }
0x50: {  	s13 =	simm.s32 $0x40;
	v1 =	vld [tilespmem:s0+$0xC30]  }
.LBB2_6:
0x51: {  	_ = 	snop  }
0x52: {  	p1 =	sne.s32 s13, $0x3080  }
.Ltmp4:
0x53: {  	_ = 	snop;
	(pc) =	sbr.rel @p1 .LBB2_6-.Ltmp4, $4  }
0x54: {  	_ = 	snop  }
0x55: {  	s14 =	sshra.s32 s13, $0x2;
	v2 =	vadd.f32 v1, v0  }
0x56: {  	v0 =	vld [tilespmem:s14+$0x0]  }
0x57: {  	s13 =	sadd.s32 $0x40, s13;
	v1 =	vld [tilespmem:s14+$0xC30];
	[tilespmem:s0+$0x1860] =	vst v2;
	s0 =	smov.u32 s14  }
0x58: {  	_ =	sdelay $0x3  }
0x59: {  	v0 =	vadd.f32 v1, v0;
	_ =	sdelay $0x1  }
0x5a: {  	s14 =	simm.s32 $0x0;
	[tilespmem:s0+$0x1860] =	vst v0  }
0x5b: {  	[hbm4b:s10+s14] =	stream.linear.scatter [tilespmem:s31], [sflag:$0x1], $0xC30, $0x38;
	[tilespmem:$0x2490] =	vst v63  }
0x5c: {  	_ =	swait.ge [sflag:s29], $0xC30  }
0x5d: {  	[sflag:s29] =	ssyncset.done $0x0  }
0x5e: {  	[sflag:s29] =	ssyncadd.s32 $0xFFFFF3D0  }
0x5f: {  	[tilespmem:s14], [sflag:$0x1] =	stream.linear.gather [hbm4b:s11+s14], $0xC30, $0x38;
	[tilespmem:$0x2490] =	vst v63  }
0x60: {  	_ =	swait.ge [sflag:s29], $0xC30  }
0x61: {  	[sflag:s29] =	ssyncset.done $0x0  }
0x62: {  	[sflag:s29] =	ssyncadd.s32 $0xFFFFF3D0  }
0x63: {  	[tilespmem:s30], [sflag:$0x1] =	stream.linear.gather [hbm4b:s28+s14], $0xC30, $0x38;
	[tilespmem:$0x2490] =	vst v63  }
0x64: {  	_ =	swait.ge [sflag:s29], $0xC30  }
0x65: {  	[sflag:s29] =	ssyncset.done $0x0  }
0x66: {  	s0 =	simm.s32 $0x0;
	[sflag:s29] =	ssyncadd.s32 $0xFFFFF3D0  }
0x67: {  	v0 =	vld [tilespmem:s0+$0x0]  }
0x68: {  	s13 =	simm.s32 $0x40;
	v1 =	vld [tilespmem:s0+$0xC30]  }
.LBB2_8:
0x69: {  	_ = 	snop  }
0x6a: {  	p1 =	sne.s32 s13, $0x3080  }
.Ltmp5:
0x6b: {  	_ = 	snop;
	(pc) =	sbr.rel @p1 .LBB2_8-.Ltmp5, $4  }
0x6c: {  	_ = 	snop  }
0x6d: {  	s14 =	sshra.s32 s13, $0x2;
	v2 =	vadd.f32 v1, v0  }
0x6e: {  	v0 =	vld [tilespmem:s14+$0x0]  }
0x6f: {  	s13 =	sadd.s32 $0x40, s13;
	v1 =	vld [tilespmem:s14+$0xC30];
	[tilespmem:s0+$0x1860] =	vst v2;
	s0 =	smov.u32 s14  }
0x70: {  	_ =	sdelay $0x3  }
0x71: {  	v0 =	vadd.f32 v1, v0;
	_ =	sdelay $0x1  }
.Ltmp6:
0x72: {  	[tilespmem:s0+$0x1860] =	vst v0;
	(pc) =	sbr.rel @p0 .LBB2_11-.Ltmp6, $4  }
0x73: {  	[hbm4b:s12+s2] =	stream.linear.scatter [tilespmem:s31], [sflag:$0x1], $0xC30, $0x38;
	[tilespmem:$0x2490] =	vst v63  }
0x74: {  	_ =	swait.ge [sflag:s29], $0xC30  }
0x75: {  	[sflag:s29] =	ssyncset.done $0x0  }
0x76: {  	[sflag:s29] =	ssyncadd.s32 $0xFFFFF3D0  }
0x77: {  	s0 =	rddreg [dreg:$0x2]  }
0x78: {  	[tilespmem:s2], [sflag:$0x1] =	stream.linear.gather [hbm4b:s0+s2], $0xA0, $0x38;
	[tilespmem:$0x2490] =	vst v63  }
0x79: {  	_ =	swait.ge [sflag:s29], $0xA0  }
0x7a: {  	[sflag:s29] =	ssyncset.done $0x0  }
0x7b: {  	s14 =	rddreg [dreg:$0x3];
	[sflag:s29] =	ssyncadd.s32 $0xFFFFFF60  }
0x7c: {  	[tilespmem:s30], [sflag:$0x1] =	stream.linear.gather [hbm4b:s14+s2], $0xA0, $0x38;
	[tilespmem:$0x2490] =	vst v63  }
0x7d: {  	_ =	swait.ge [sflag:s29], $0xA0  }
0x7e: {  	[sflag:s29] =	ssyncset.done $0x0  }
0x7f: {  	[sflag:s29] =	ssyncadd.s32 $0xFFFFFF60  }
0x80: {  	v0 =	vld [tilespmem:$0x0]  }
0x81: {  	v1 =	vld [tilespmem:$0xC30]  }
0x82: {  	v2 =	vld [tilespmem:$0x10]  }
0x83: {  	v3 =	vld [tilespmem:$0xC40]  }
0x84: {  	v4 =	vld [tilespmem:$0x20]  }
0x85: {  	v5 =	vld [tilespmem:$0xC50]  }
0x86: {  	v6 =	vld [tilespmem:$0x30]  }
0x87: {  	v7 =	vld [tilespmem:$0xC60]  }
0x88: {  	v8 =	vld [tilespmem:$0x40]  }
0x89: {  	v9 =	vld [tilespmem:$0xC70]  }
0x8a: {  	v10 =	vld [tilespmem:$0x50]  }
0x8b: {  	v11 =	vld [tilespmem:$0xC80]  }
0x8c: {  	v12 =	vld [tilespmem:$0x60]  }
0x8d: {  	v13 =	vld [tilespmem:$0xC90]  }
0x8e: {  	v14 =	vld [tilespmem:$0x70]  }
0x8f: {  	v19 =	vld [tilespmem:$0xCA0];
	v0 =	vadd.f32 v1, v0  }
0x90: {  	v20 =	vld [tilespmem:$0x80];
	v2 =	vadd.f32 v3, v2  }
0x91: {  	v22 =	vld [tilespmem:$0xCB0];
	v21 =	vadd.f32 v5, v4;
	[tilespmem:$0x1860] =	vst v0  }
0x92: {  	v24 =	vld [tilespmem:$0x90];
	v23 =	vadd.f32 v7, v6;
	[tilespmem:$0x1870] =	vst v2  }
0x93: {  	v26 =	vld [tilespmem:$0xCC0];
	v25 =	vadd.f32 v9, v8;
	[tilespmem:$0x1880] =	vst v21  }
0x94: {  	v27 =	vadd.f32 v11, v10;
	[tilespmem:$0x1890] =	vst v23  }
0x95: {  	v28 =	vadd.f32 v13, v12;
	[tilespmem:$0x18A0] =	vst v25  }
0x96: {  	v1 =	vadd.f32 v19, v14;
	[tilespmem:$0x18B0] =	vst v27  }
0x97: {  	v29 =	vadd.f32 v22, v20;
	[tilespmem:$0x18C0] =	vst v28  }
0x98: {  	v30 =	vadd.f32 v26, v24;
	[tilespmem:$0x18D0] =	vst v1  }
0x99: {  	[tilespmem:$0x18E0] =	vst v29  }
0x9a: {  	[tilespmem:$0x18F0] =	vst v30  }
0x9b: {  	[hbm4b:s15+s2] =	stream.linear.scatter [tilespmem:s31], [sflag:$0x1], $0xA0, $0x38;
	[tilespmem:$0x2490] =	vst v63  }
0x9c: {  	_ =	swait.ge [sflag:s29], $0xA0  }
0x9d: {  	[sflag:s29] =	ssyncset.done $0x0  }
0x9e: {  	[sflag:s29] =	ssyncadd.s32 $0xFFFFFF60  }
0x9f: {  	[tilespmem:s2], [sflag:$0x1] =	stream.linear.gather [hbm4b:s16+s2], $0xA0, $0x38;
	[tilespmem:$0x2490] =	vst v63  }
0xa0: {  	_ =	swait.ge [sflag:s29], $0xA0  }
0xa1: {  	[sflag:s29] =	ssyncset.done $0x0  }
0xa2: {  	[sflag:s29] =	ssyncadd.s32 $0xFFFFFF60  }
0xa3: {  	[tilespmem:s30], [sflag:$0x1] =	stream.linear.gather [hbm4b:s17+s2], $0xA0, $0x38;
	[tilespmem:$0x2490] =	vst v63  }
0xa4: {  	_ =	swait.ge [sflag:s29], $0xA0  }
0xa5: {  	[sflag:s29] =	ssyncset.done $0x0  }
0xa6: {  	[sflag:s29] =	ssyncadd.s32 $0xFFFFFF60  }
0xa7: {  	v31 =	vld [tilespmem:$0x0]  }
0xa8: {  	v32 =	vld [tilespmem:$0xC30]  }
0xa9: {  	v33 =	vld [tilespmem:$0x10]  }
0xaa: {  	v34 =	vld [tilespmem:$0xC40]  }
0xab: {  	v35 =	vld [tilespmem:$0x20]  }
0xac: {  	v36 =	vld [tilespmem:$0xC50]  }
0xad: {  	v37 =	vld [tilespmem:$0x30]  }
0xae: {  	v38 =	vld [tilespmem:$0xC60]  }
0xaf: {  	v39 =	vld [tilespmem:$0x40]  }
0xb0: {  	v40 =	vld [tilespmem:$0xC70]  }
0xb1: {  	v41 =	vld [tilespmem:$0x50]  }
0xb2: {  	v42 =	vld [tilespmem:$0xC80]  }
0xb3: {  	v43 =	vld [tilespmem:$0x60]  }
0xb4: {  	v44 =	vld [tilespmem:$0xC90]  }
0xb5: {  	v45 =	vld [tilespmem:$0x70]  }
0xb6: {  	v46 =	vld [tilespmem:$0xCA0];
	v0 =	vadd.f32 v32, v31  }
0xb7: {  	v47 =	vld [tilespmem:$0x80];
	v2 =	vadd.f32 v34, v33  }
0xb8: {  	v49 =	vld [tilespmem:$0xCB0];
	v48 =	vadd.f32 v36, v35;
	[tilespmem:$0x1860] =	vst v0  }
0xb9: {  	v51 =	vld [tilespmem:$0x90];
	v50 =	vadd.f32 v38, v37;
	[tilespmem:$0x1870] =	vst v2  }
0xba: {  	v53 =	vld [tilespmem:$0xCC0];
	v52 =	vadd.f32 v40, v39;
	[tilespmem:$0x1880] =	vst v48  }
0xbb: {  	v54 =	vadd.f32 v42, v41;
	[tilespmem:$0x1890] =	vst v50  }
0xbc: {  	v55 =	vadd.f32 v44, v43;
	[tilespmem:$0x18A0] =	vst v52  }
0xbd: {  	v1 =	vadd.f32 v46, v45;
	[tilespmem:$0x18B0] =	vst v54  }
0xbe: {  	v56 =	vadd.f32 v49, v47;
	[tilespmem:$0x18C0] =	vst v55  }
0xbf: {  	v57 =	vadd.f32 v53, v51;
	[tilespmem:$0x18D0] =	vst v1  }
0xc0: {  	[tilespmem:$0x18E0] =	vst v56  }
0xc1: {  	[tilespmem:$0x18F0] =	vst v57  }
0xc2: {  	[hbm4b:s18+s2] =	stream.linear.scatter [tilespmem:s31], [sflag:$0x1], $0xA0, $0x38;
	[tilespmem:$0x2490] =	vst v63  }
0xc3: {  	_ =	swait.ge [sflag:s29], $0xA0  }
0xc4: {  	[sflag:s29] =	ssyncset.done $0x0  }
0xc5: {  	[sflag:s29] =	ssyncadd.s32 $0xFFFFFF60  }
0xc6: {  	[tilespmem:s2], [sflag:$0x1] =	stream.linear.gather [hbm4b:s19+s2], $0xA0, $0x38;
	[tilespmem:$0x2490] =	vst v63  }
0xc7: {  	_ =	swait.ge [sflag:s29], $0xA0  }
0xc8: {  	[sflag:s29] =	ssyncset.done $0x0  }
0xc9: {  	[sflag:s29] =	ssyncadd.s32 $0xFFFFFF60  }
0xca: {  	[tilespmem:s30], [sflag:$0x1] =	stream.linear.gather [hbm4b:s20+s2], $0xA0, $0x38;
	[tilespmem:$0x2490] =	vst v63  }
0xcb: {  	_ =	swait.ge [sflag:s29], $0xA0  }
0xcc: {  	[sflag:s29] =	ssyncset.done $0x0  }
0xcd: {  	[sflag:s29] =	ssyncadd.s32 $0xFFFFFF60  }
0xce: {  	v58 =	vld [tilespmem:$0x0]  }
0xcf: {  	v59 =	vld [tilespmem:$0xC30]  }
0xd0: {  	v60 =	vld [tilespmem:$0x10]  }
0xd1: {  	v61 =	vld [tilespmem:$0xC40]  }
0xd2: {  	v62 =	vld [tilespmem:$0x20]  }
0xd3: {  	v63 =	vld [tilespmem:$0xC50]  }
0xd4: {  	v16 =	vld [tilespmem:$0x30]  }
0xd5: {  	v17 =	vld [tilespmem:$0xC60]  }
0xd6: {  	v18 =	vld [tilespmem:$0x40]  }
0xd7: {  	v19 =	vld [tilespmem:$0xC70]  }
0xd8: {  	v20 =	vld [tilespmem:$0x50]  }
0xd9: {  	v21 =	vld [tilespmem:$0xC80]  }
0xda: {  	v22 =	vld [tilespmem:$0x60]  }
0xdb: {  	v23 =	vld [tilespmem:$0xC90]  }
0xdc: {  	v24 =	vld [tilespmem:$0x70]  }
0xdd: {  	v25 =	vld [tilespmem:$0xCA0];
	v0 =	vadd.f32 v59, v58  }
0xde: {  	v26 =	vld [tilespmem:$0x80];
	v2 =	vadd.f32 v61, v60  }
0xdf: {  	v28 =	vld [tilespmem:$0xCB0];
	v27 =	vadd.f32 v63, v62;
	[tilespmem:$0x1860] =	vst v0  }
0xe0: {  	v30 =	vld [tilespmem:$0x90];
	v29 =	vadd.f32 v17, v16;
	[tilespmem:$0x1870] =	vst v2  }
0xe1: {  	v32 =	vld [tilespmem:$0xCC0];
	v31 =	vadd.f32 v19, v18;
	[tilespmem:$0x1880] =	vst v27  }
0xe2: {  	v33 =	vadd.f32 v21, v20;
	[tilespmem:$0x1890] =	vst v29  }
0xe3: {  	v34 =	vadd.f32 v23, v22;
	[tilespmem:$0x18A0] =	vst v31  }
0xe4: {  	v1 =	vadd.f32 v25, v24;
	[tilespmem:$0x18B0] =	vst v33  }
0xe5: {  	v35 =	vadd.f32 v28, v26;
	[tilespmem:$0x18C0] =	vst v34  }
0xe6: {  	v36 =	vadd.f32 v32, v30;
	[tilespmem:$0x18D0] =	vst v1  }
0xe7: {  	[tilespmem:$0x18E0] =	vst v35  }
0xe8: {  	[tilespmem:$0x18F0] =	vst v36  }
0xe9: {  	[hbm4b:s21+s2] =	stream.linear.scatter [tilespmem:s31], [sflag:$0x1], $0xA0, $0x38;
	[tilespmem:$0x2490] =	vst v63  }
0xea: {  	_ =	swait.ge [sflag:s29], $0xA0  }
0xeb: {  	[sflag:s29] =	ssyncset.done $0x0  }
0xec: {  	[sflag:s29] =	ssyncadd.s32 $0xFFFFFF60  }
0xed: {  	[tilespmem:s2], [sflag:$0x1] =	stream.linear.gather [hbm4b:s22+s2], $0xA0, $0x38;
	[tilespmem:$0x2490] =	vst v63  }
0xee: {  	_ =	swait.ge [sflag:s29], $0xA0  }
0xef: {  	[sflag:s29] =	ssyncset.done $0x0  }
0xf0: {  	[sflag:s29] =	ssyncadd.s32 $0xFFFFFF60  }
0xf1: {  	[tilespmem:s30], [sflag:$0x1] =	stream.linear.gather [hbm4b:s23+s2], $0xA0, $0x38;
	[tilespmem:$0x2490] =	vst v63  }
0xf2: {  	_ =	swait.ge [sflag:s29], $0xA0  }
0xf3: {  	[sflag:s29] =	ssyncset.done $0x0  }
0xf4: {  	[sflag:s29] =	ssyncadd.s32 $0xFFFFFF60  }
0xf5: {  	v37 =	vld [tilespmem:$0x0]  }
0xf6: {  	v38 =	vld [tilespmem:$0xC30]  }
0xf7: {  	v39 =	vld [tilespmem:$0x10]  }
0xf8: {  	v40 =	vld [tilespmem:$0xC40]  }
0xf9: {  	v41 =	vld [tilespmem:$0x20]  }
0xfa: {  	v42 =	vld [tilespmem:$0xC50]  }
0xfb: {  	v43 =	vld [tilespmem:$0x30]  }
0xfc: {  	v44 =	vld [tilespmem:$0xC60]  }
0xfd: {  	v45 =	vld [tilespmem:$0x40]  }
0xfe: {  	v46 =	vld [tilespmem:$0xC70]  }
0xff: {  	v47 =	vld [tilespmem:$0x50]  }
0x100: {  	v48 =	vld [tilespmem:$0xC80]  }
0x101: {  	v49 =	vld [tilespmem:$0x60]  }
0x102: {  	v50 =	vld [tilespmem:$0xC90]  }
0x103: {  	v51 =	vld [tilespmem:$0x70]  }
0x104: {  	v52 =	vld [tilespmem:$0xCA0];
	v0 =	vadd.f32 v38, v37  }
0x105: {  	v53 =	vld [tilespmem:$0x80];
	v2 =	vadd.f32 v40, v39  }
0x106: {  	v55 =	vld [tilespmem:$0xCB0];
	v54 =	vadd.f32 v42, v41;
	[tilespmem:$0x1860] =	vst v0  }
0x107: {  	v57 =	vld [tilespmem:$0x90];
	v56 =	vadd.f32 v44, v43;
	[tilespmem:$0x1870] =	vst v2  }
0x108: {  	v59 =	vld [tilespmem:$0xCC0];
	v58 =	vadd.f32 v46, v45;
	[tilespmem:$0x1880] =	vst v54  }
0x109: {  	v60 =	vadd.f32 v48, v47;
	[tilespmem:$0x1890] =	vst v56  }
0x10a: {  	v61 =	vadd.f32 v50, v49;
	[tilespmem:$0x18A0] =	vst v58  }
0x10b: {  	v1 =	vadd.f32 v52, v51;
	[tilespmem:$0x18B0] =	vst v60  }
0x10c: {  	v62 =	vadd.f32 v55, v53;
	[tilespmem:$0x18C0] =	vst v61  }
0x10d: {  	v63 =	vadd.f32 v59, v57;
	[tilespmem:$0x18D0] =	vst v1  }
0x10e: {  	[tilespmem:$0x18E0] =	vst v62  }
.Ltmp7:
0x10f: {  	[tilespmem:$0x18F0] =	vst v63;
	(pc) =	sbr.rel .LBB2_11-.Ltmp7, $4  }
0x110: {  	[hbm4b:s24+s2] =	stream.linear.scatter [tilespmem:s31], [sflag:$0x1], $0xA0, $0x38;
	[tilespmem:$0x2490] =	vst v63  }
0x111: {  	_ =	swait.ge [sflag:s29], $0xA0  }
0x112: {  	[sflag:s29] =	ssyncset.done $0x0  }
0x113: {  	[sflag:s29] =	ssyncadd.s32 $0xFFFFFF60  }
.LBB2_12:
0x114: {  	_ =	sfence.sel $0x180000  }
0x115: {  	[bflag:$0x0] =	sbarrier.arrive $0xFFFF  }
0x116: {  	_ =	strace $0x9000004A  }
0x117: {  	s0 =	stileid.u32;
	[bflag:$0x2] =	sbarrier.arrive $0xFFFF  }
0x118: {  	p0 =	sne.s32 s0, $0x0;
	s0 =	rddreg [dreg:$0x1]  }
0x119: {  	s0 =	sadd.s32 @!p0 $0x100000, s0  }
0x11a: {  	[sflag:s0] =	ssyncadd.tile.s32 @!p0 $0x1;
	_ =	shalt  }
.Lfunc_end2:
_tile_overlayer_lowered:
.L_overlay_start_2:
0x11b: {  	(tag) =	ssettag $0x2  }
0x11c: {  	s0 =	rddreg [dreg:$0x0];
	s2 =	stileid.u32  }
0x11d: {  	s1 =	rddreg [dreg:$0x1];
	p0 =	sne.s32 s2, $0x0  }
0x11e: {  	s3 =	rddreg [dreg:$0x2];
	[bflag:$0x3] =	sbarrier.arrive $0xFFFF;
	s2 =	simm.s32 @!p0 $0x1C01  }
0x11f: {  	[timem:s3], [sflag:s2] =	dma.local @!p0 [hbm:s0], s1  }
0x120: {  	s0 =	simm.s32 @!p0 $0x1  }
0x121: {  	_ =	swait.ge @!p0 [sflag:s0], s1  }
0x122: {  	s1 =	ssub.s32 @!p0 $0x0, s1;
	[sflag:s0] =	ssyncset.done @!p0 $0x0  }
0x123: {  	[sflag:s0] =	ssyncadd.s32 @!p0 s1  }
0x124: {  	[bflag:$0x3] =	sbarrier.arrive $0xFFFF  }
0x125: {  	_ =	shalt  }

</sc_bundles>
